<compile_context>
chip_gen: v7x
topology: tpu7x:2x2x1
jax: 0.10.2.dev20260603
libtpu: 0.0.44.dev20260713+nightly
codegen_flags: <defaults>
</compile_context>

<pallas_src>
import functools

import jax
import jax.numpy as jnp
from jax import lax
from jax.experimental import pallas as pl
from jax.experimental.pallas import tpu as pltpu
from jax.experimental.pallas import tpu_sc as plsc

N = 10000
NP = 10240
E = 320000
NC = 2
NS = 16
NW = NC * NS
CH = 125
NCH = 80
RPS = NP // NS
RB = 2048
G = NP // RB

_SC_PARAMS = pltpu.CompilerParams(use_tc_tiling_on_sc=False)


def _mesh():
  return plsc.VectorSubcoreMesh(
      core_axis_name="c", subcore_axis_name="s", num_cores=NC, num_subcores=NS)



def _sc_degrees(src3, dst3, ones_h, zeros16):
  @functools.partial(
      pl.kernel,
      out_type=jax.ShapeDtypeStruct((NC, 2, NP, 16), jnp.float32),
      mesh=_mesh(),
      compiler_params=_SC_PARAMS,
      scratch_types=[
          pltpu.VMEM((NCH, CH), jnp.int32),
          pltpu.VMEM((NCH, CH), jnp.int32),
          pltpu.VMEM((CH, 16), jnp.float32),
          pltpu.VMEM_SHARED((NP, 16), jnp.float32),
          pltpu.VMEM_SHARED((NP, 16), jnp.float32),
      ],
  )
  def k(src_hbm, dst_hbm, ones_hbm, zeros_hbm, out_hbm,
        idx_s, idx_d, ones_v, deg_s, deg_d):
    cid = lax.axis_index("c")
    sid = lax.axis_index("s")
    w = cid * NS + sid
    r0 = sid * RPS
    pltpu.sync_copy(zeros_hbm.at[pl.ds(r0, RPS)], deg_s.at[pl.ds(r0, RPS)])
    pltpu.sync_copy(zeros_hbm.at[pl.ds(r0, RPS)], deg_d.at[pl.ds(r0, RPS)])
    pltpu.sync_copy(ones_hbm, ones_v)
    pltpu.sync_copy(src_hbm.at[w], idx_s)
    pltpu.sync_copy(dst_hbm.at[w], idx_d)
    plsc.subcore_barrier()

    def step(j, c):
      pltpu.sync_copy(ones_v, deg_s.at[idx_s.at[j]], add=True)
      pltpu.sync_copy(ones_v, deg_d.at[idx_d.at[j]], add=True)
      return c

    lax.fori_loop(0, NCH, step, 0)
    plsc.subcore_barrier()
    pltpu.sync_copy(deg_s.at[pl.ds(r0, RPS)],
                    out_hbm.at[cid, 0, pl.ds(r0, RPS)])
    pltpu.sync_copy(deg_d.at[pl.ds(r0, RPS)],
                    out_hbm.at[cid, 1, pl.ds(r0, RPS)])

  return k(src3, dst3, ones_h, zeros16)


def _sc_aggregate(xs, src3, dst3, zeros_f, feat):
  @functools.partial(
      pl.kernel,
      out_type=jax.ShapeDtypeStruct((NC, NP, feat), jnp.float32),
      mesh=_mesh(),
      compiler_params=_SC_PARAMS,
      scratch_types=[
          pltpu.VMEM((NCH, CH), jnp.int32),
          pltpu.VMEM((CH,), jnp.int32),
          pltpu.VMEM((CH,), jnp.int32),
          pltpu.VMEM((CH, feat), jnp.float32),
          pltpu.VMEM((CH, feat), jnp.float32),
          pltpu.SemaphoreType.DMA,
          pltpu.SemaphoreType.DMA,
          pltpu.SemaphoreType.DMA,
          pltpu.SemaphoreType.DMA,
          pltpu.SemaphoreType.DMA,
          pltpu.SemaphoreType.DMA,
          pltpu.VMEM_SHARED((NP, feat), jnp.float32),
      ],
  )
  def k(xs_hbm, src_hbm, dst_hbm, zeros_hbm, out_hbm,
        idx_s, id0, id1, rows0, rows1, sg0, sg1, ss0, ss1, si0, si1, acc):
    cid = lax.axis_index("c")
    sid = lax.axis_index("s")
    w = cid * NS + sid
    r0 = sid * RPS
    pltpu.sync_copy(zeros_hbm.at[pl.ds(r0, RPS)], acc.at[pl.ds(r0, RPS)])
    pltpu.sync_copy(src_hbm.at[w], idx_s)
    pltpu.sync_copy(dst_hbm.at[w, NCH - 1], id1)
    pltpu.sync_copy(zeros_hbm.at[pl.ds(0, CH)], rows1)
    plsc.subcore_barrier()
    pltpu.async_copy(xs_hbm.at[idx_s.at[0]], rows0, sg0)
    pltpu.async_copy(rows1, acc.at[id1], ss1, add=True)
    pltpu.async_copy(dst_hbm.at[w, 0], id0, si0)

    def step(i, c):
      j = 2 * i
      pltpu.make_async_copy(xs_hbm.at[idx_s.at[j]], rows0, sg0).wait()
      pltpu.make_async_copy(rows1, acc.at[id1], ss1).wait()
      pltpu.async_copy(xs_hbm.at[idx_s.at[j + 1]], rows1, sg1)
      pltpu.make_async_copy(dst_hbm.at[w, 0], id0, si0).wait()
      pltpu.async_copy(rows0, acc.at[id0], ss0, add=True)
      pltpu.async_copy(dst_hbm.at[w, j + 1], id1, si1)
      pltpu.make_async_copy(xs_hbm.at[idx_s.at[j + 1]], rows1, sg1).wait()
      pltpu.make_async_copy(rows0, acc.at[id0], ss0).wait()
      j2 = jnp.where(j + 2 < NCH, j + 2, 0)
      pltpu.async_copy(xs_hbm.at[idx_s.at[j2]], rows0, sg0)
      pltpu.make_async_copy(dst_hbm.at[w, 0], id1, si1).wait()
      pltpu.async_copy(rows1, acc.at[id1], ss1, add=True)
      pltpu.async_copy(dst_hbm.at[w, j2], id0, si0)
      return c

    lax.fori_loop(0, NCH // 2, step, 0)
    pltpu.make_async_copy(xs_hbm.at[idx_s.at[0]], rows0, sg0).wait()
    pltpu.make_async_copy(rows1, acc.at[id1], ss1).wait()
    pltpu.make_async_copy(dst_hbm.at[w, 0], id0, si0).wait()
    plsc.subcore_barrier()
    pltpu.sync_copy(acc.at[pl.ds(r0, RPS)], out_hbm.at[cid, pl.ds(r0, RPS)])

  return k(xs, src3, dst3, zeros_f)



def _tc_prescale(praw, features):
  RB8 = RB // 8

  def body(p_ref, x_ref, xs_ref, nsb_ref, ndb_ref):
    ii = lax.broadcasted_iota(jnp.int32, (128, 8), 0)
    kk = lax.broadcasted_iota(jnp.int32, (128, 8), 1)
    sel = (ii == kk * 16).astype(jnp.float32)
    ku = lax.broadcasted_iota(jnp.int32, (8, 1024), 0)
    mu = lax.broadcasted_iota(jnp.int32, (8, 1024), 1)
    spread = (mu // 128 == ku).astype(jnp.float32)

    def norm_table(t):
      y = (jnp.dot(p_ref[0, t], sel, preferred_element_type=jnp.float32)
           + jnp.dot(p_ref[1, t], sel, preferred_element_type=jnp.float32))
      v = lax.rsqrt(jnp.maximum(y, 1.0))
      b = jnp.dot(v, spread, preferred_element_type=jnp.float32)
      return b.reshape(RB, 128)

    nsb = norm_table(0)
    ndb = norm_table(1)
    xs_ref[...] = x_ref[...] * nsb
    nsb_ref[...] = nsb
    ndb_ref[...] = ndb

  return pl.pallas_call(
      body,
      grid=(G,),
      in_specs=[
          pl.BlockSpec((NC, 2, RB8, 128), lambda i: (0, 0, i, 0)),
          pl.BlockSpec((RB, 128), lambda i: (i, 0)),
      ],
      out_specs=[pl.BlockSpec((RB, 128), lambda i: (i, 0))] * 3,
      out_shape=[jax.ShapeDtypeStruct((NP, 128), jnp.float32)] * 3,
  )(praw, features)


def _tc_layer1(agg, ndb, nsb, W, b):
  def body(a_ref, ndb_ref, nsb_ref, w_ref, b_ref, o_ref):
    a = (a_ref[0] + a_ref[1]) * ndb_ref[...]
    h = jnp.dot(a, w_ref[...], preferred_element_type=jnp.float32)
    o_ref[...] = jnp.maximum(h + b_ref[...], 0.0) * nsb_ref[...]

  return pl.pallas_call(
      body,
      grid=(G,),
      in_specs=[
          pl.BlockSpec((NC, RB, 128), lambda i: (0, i, 0)),
          pl.BlockSpec((RB, 128), lambda i: (i, 0)),
          pl.BlockSpec((RB, 128), lambda i: (i, 0)),
          pl.BlockSpec((128, 128), lambda i: (0, 0)),
          pl.BlockSpec((1, 128), lambda i: (0, 0)),
      ],
      out_specs=pl.BlockSpec((RB, 128), lambda i: (i, 0)),
      out_shape=jax.ShapeDtypeStruct((NP, 128), jnp.float32),
  )(agg, ndb, nsb, W, b)


def _tc_layer2_proj(agg, ndb, nsb, W2, b2, W3p):
  def body(a_ref, ndb_ref, nsb_ref, w2_ref, b2_ref, w3_ref, o_ref):
    a = (a_ref[0] + a_ref[1]) * ndb_ref[...]
    h = jnp.dot(a, w2_ref[...], preferred_element_type=jnp.float32)
    h = jnp.maximum(h + b2_ref[...], 0.0)
    t = jnp.dot(h, w3_ref[...], preferred_element_type=jnp.float32)
    o_ref[...] = t * nsb_ref[...][:, :48]

  return pl.pallas_call(
      body,
      grid=(G,),
      in_specs=[
          pl.BlockSpec((NC, RB, 128), lambda i: (0, i, 0)),
          pl.BlockSpec((RB, 128), lambda i: (i, 0)),
          pl.BlockSpec((RB, 128), lambda i: (i, 0)),
          pl.BlockSpec((128, 128), lambda i: (0, 0)),
          pl.BlockSpec((1, 128), lambda i: (0, 0)),
          pl.BlockSpec((128, 48), lambda i: (0, 0)),
      ],
      out_specs=pl.BlockSpec((RB, 48), lambda i: (i, 0)),
      out_shape=jax.ShapeDtypeStruct((NP, 48), jnp.float32),
  )(agg, ndb, nsb, W2, b2, W3p)


def _tc_final(agg, ndb, b3p):
  def body(a_ref, ndb_ref, b_ref, o_ref):
    o_ref[...] = (a_ref[0] + a_ref[1]) * ndb_ref[...][:, :48] + b_ref[...]

  return pl.pallas_call(
      body,
      grid=(G,),
      in_specs=[
          pl.BlockSpec((NC, RB, 48), lambda i: (0, i, 0)),
          pl.BlockSpec((RB, 128), lambda i: (i, 0)),
          pl.BlockSpec((1, 48), lambda i: (0, 0)),
      ],
      out_specs=pl.BlockSpec((RB, 48), lambda i: (i, 0)),
      out_shape=jax.ShapeDtypeStruct((NP, 48), jnp.float32),
  )(agg, ndb, b3p)



def kernel(features, edge_index, W1, b1, W2, b2, W3, b3):
  src3 = edge_index[0].astype(jnp.int32).reshape(NW, NCH, CH)
  dst3 = edge_index[1].astype(jnp.int32).reshape(NW, NCH, CH)
  ones_h = jnp.ones((CH, 16), jnp.float32)
  z16 = jnp.zeros((NP, 16), jnp.float32)
  z128 = jnp.zeros((NP, 128), jnp.float32)
  z48 = jnp.zeros((NP, 48), jnp.float32)
  fpad = jnp.pad(features, ((0, NP - N), (0, 0)))

  parts = _sc_degrees(src3, dst3, ones_h, z16)
  praw = parts.reshape(NC, 2, NP // 8, 128)
  xs, nsb, ndb = _tc_prescale(praw, fpad)

  agg1 = _sc_aggregate(xs, src3, dst3, z128, 128)
  h1s = _tc_layer1(agg1, ndb, nsb, W1, b1.reshape(1, 128))

  agg2 = _sc_aggregate(h1s, src3, dst3, z128, 128)
  W3p = jnp.pad(W3, ((0, 0), (0, 8)))
  b3p = jnp.pad(b3, (0, 8)).reshape(1, 48)
  t3s = _tc_layer2_proj(agg2, ndb, nsb, W2, b2.reshape(1, 128), W3p)

  agg3 = _sc_aggregate(t3s, src3, dst3, z48, 48)
  out48 = _tc_final(agg3, ndb, b3p)
  return out48[:N, :40]

# --- scband reference (transcript-rebuilt; emitter-appended) ---
"""Pipeline reference for scband-gcn-delta-23210003268289 (READ-ONLY COPY).

The authoritative reference and input builder live on the scoring server;
editing this copy changes nothing except your own understanding.
"""

import jax, jax.numpy as jnp
import numpy as np

N_NODES = 10000
N_EDGES = 320000
IN_FEATS = 128
N_HIDDEN = 128
N_CLASSES = 40


def setup_inputs(seed: int = 0) -> dict:
    key = jax.random.key(seed)
    k1, k2, k3, k4, k5 = jax.random.split(key, 5)
    features = jax.random.normal(k1, (N_NODES, IN_FEATS), dtype=jnp.float32)
    edge_index = jax.random.randint(k2, (2, N_EDGES), 0, N_NODES, dtype=jnp.int64)
    # Glorot-initialized GraphConv weights (3 conv layers: in->hid, hid->hid, hid->classes)
    def glorot(k, fan_in, fan_out):
        s = jnp.sqrt(6.0 / (fan_in + fan_out))
        return jax.random.uniform(k, (fan_in, fan_out), minval=-s, maxval=s, dtype=jnp.float32)
    W1 = glorot(k3, IN_FEATS, N_HIDDEN)
    b1 = jnp.zeros((N_HIDDEN,), dtype=jnp.float32)
    W2 = glorot(k4, N_HIDDEN, N_HIDDEN)
    b2 = jnp.zeros((N_HIDDEN,), dtype=jnp.float32)
    W3 = glorot(k5, N_HIDDEN, N_CLASSES)
    b3 = jnp.zeros((N_CLASSES,), dtype=jnp.float32)
    return {"features": features, "edge_index": edge_index,
            "W1": W1, "b1": b1, "W2": W2, "b2": b2, "W3": W3, "b3": b3}


def reference(features, edge_index, W1, b1, W2, b2, W3, b3):
    N = features.shape[0]
    src = edge_index[0]
    dst = edge_index[1]
    ones = jnp.ones((src.shape[0],), dtype=jnp.float32)
    out_deg = jax.ops.segment_sum(ones, src, num_segments=N)
    in_deg = jax.ops.segment_sum(ones, dst, num_segments=N)
    norm_src = jax.lax.rsqrt(jnp.clip(out_deg, 1.0, None))  # D_src^{-1/2}
    norm_dst = jax.lax.rsqrt(jnp.clip(in_deg, 1.0, None))   # D_dst^{-1/2}

    def graph_conv(h, W, b):
        # symmetric normalization, DGL GraphConv norm='both'
        h = h * norm_src[:, None]
        msg = jnp.take(h, src, axis=0)                      # gather from source nodes
        agg = jax.ops.segment_sum(msg, dst, num_segments=N) # scatter-add to dest nodes
        agg = agg * norm_dst[:, None]
        return agg @ W + b

    # dropout is identity in eval mode
    h = jax.nn.relu(graph_conv(features, W1, b1))
    h = jax.nn.relu(graph_conv(h, W2, b2))
    h = graph_conv(h, W3, b3)  # final layer has no activation
    return h

if __name__ == "__main__":
    import jax
    _d = setup_inputs()
    print(jax.jit(kernel)(*tuple(_d.values())))

</pallas_src>

<mosaic_0001>
#map = affine_map<(d0, d1) -> (0, 0)>
#map1 = affine_map<(d0, d1) -> (0, 0, 0)>
module attributes {stable_mosaic.version = 14 : i64} {
  func.func @k(%arg0: i32, %arg1: i32, %arg2: memref<10240x128xf32, #tpu.memory_space<hbm>>, %arg3: memref<32x80x125xi32, #tpu.memory_space<hbm>>, %arg4: memref<32x80x125xi32, #tpu.memory_space<hbm>>, %arg5: memref<10240x128xf32, #tpu.memory_space<hbm>>, %arg6: memref<2x10240x128xf32, #tpu.memory_space<hbm>>, %arg7: memref<80x125xi32, #tpu.memory_space<vmem>>, %arg8: memref<125xi32, #tpu.memory_space<vmem>>, %arg9: memref<125xi32, #tpu.memory_space<vmem>>, %arg10: memref<125x128xf32, #tpu.memory_space<vmem>>, %arg11: memref<125x128xf32, #tpu.memory_space<vmem>>, %arg12: memref<!tpu.dma_semaphore, #tpu.memory_space<semaphore_mem>>, %arg13: memref<!tpu.dma_semaphore, #tpu.memory_space<semaphore_mem>>, %arg14: memref<!tpu.dma_semaphore, #tpu.memory_space<semaphore_mem>>, %arg15: memref<!tpu.dma_semaphore, #tpu.memory_space<semaphore_mem>>, %arg16: memref<!tpu.dma_semaphore, #tpu.memory_space<semaphore_mem>>, %arg17: memref<!tpu.dma_semaphore, #tpu.memory_space<semaphore_mem>>, %arg18: memref<10240x128xf32, #tpu.memory_space<vmem_shared>>) attributes {dimension_semantics = [#tpu.dimension_semantics<core_parallel>, #tpu.dimension_semantics<subcore_parallel>], iteration_bounds = array<i64: 2, 16>, scalar_prefetch = 0 : i64, scratch_operands = 12 : i64, tpu.core_type = #tpu.core_type<sc_vector_subcore>, window_params = [{transform_indices = #map}, {transform_indices = #map1}, {transform_indices = #map1}, {transform_indices = #map}, {transform_indices = #map1}]} {
    %mul3A = arith.constant 16 : i32
    %mul3A_0 = arith.muli %arg0, %mul3A : i32
    %add3A = arith.addi %mul3A_0, %arg1 : i32
    %mul3A_1 = arith.constant 640 : i32
    %mul3A_2 = arith.muli %arg1, %mul3A_1 : i32
    "tpu.region"() ({
      %run_scoped3A_41 = tpu.sem_alloc : memref<!tpu.dma_semaphore, #tpu.memory_space<semaphore_mem>>
      %dma_start3A_42 = arith.constant 0 : i32
      %dma_start3A_43 = tpu.memref_slice %arg18[%mul3A_2, %dma_start3A_42] : memref<10240x128xf32, #tpu.memory_space<vmem_shared>> -> memref<640x128xf32, #tpu.memory_space<vmem_shared>>
      %dma_start3A_44 = arith.constant 0 : i32
      %dma_start3A_45 = tpu.memref_slice %arg5[%mul3A_2, %dma_start3A_44] : memref<10240x128xf32, #tpu.memory_space<hbm>> -> memref<640x128xf32, #tpu.memory_space<hbm>>
      tpu.enqueue_dma source(%dma_start3A_45 : memref<640x128xf32, #tpu.memory_space<hbm>>) target(%dma_start3A_43 : memref<640x128xf32, #tpu.memory_space<vmem_shared>>) target_semaphore(%run_scoped3A_41 : memref<!tpu.dma_semaphore, #tpu.memory_space<semaphore_mem>>)
      %dma_wait3A_46 = arith.constant 0 : i32
      %dma_wait3A_47 = tpu.memref_slice %arg18[%mul3A_2, %dma_wait3A_46] : memref<10240x128xf32, #tpu.memory_space<vmem_shared>> -> memref<640x128xf32, #tpu.memory_space<vmem_shared>>
      %dma_wait3A_48 = arith.constant 0 : i32
      %dma_wait3A_49 = tpu.memref_slice %arg5[%mul3A_2, %dma_wait3A_48] : memref<10240x128xf32, #tpu.memory_space<hbm>> -> memref<640x128xf32, #tpu.memory_space<hbm>>
      tpu.wait_dma2 semaphore(%run_scoped3A_41 : memref<!tpu.dma_semaphore, #tpu.memory_space<semaphore_mem>>) src(%dma_wait3A_49 : memref<640x128xf32, #tpu.memory_space<hbm>>) dst(%dma_wait3A_47 : memref<640x128xf32, #tpu.memory_space<vmem_shared>>)
      tpu.yield
    }) : () -> ()
    "tpu.region"() ({
      %run_scoped3A_41 = tpu.sem_alloc : memref<!tpu.dma_semaphore, #tpu.memory_space<semaphore_mem>>
      %dma_start3A_42 = arith.constant 0 : i32
      %dma_start3A_43 = arith.constant 0 : i32
      %dma_start3A_44 = tpu.memref_slice %arg3[%add3A, %dma_start3A_42, %dma_start3A_43] : memref<32x80x125xi32, #tpu.memory_space<hbm>> -> memref<1x80x125xi32, #tpu.memory_space<hbm>>
      %dma_start3A_45 = tpu.memref_squeeze %dma_start3A_44 : memref<1x80x125xi32, #tpu.memory_space<hbm>> -> memref<80x125xi32, #tpu.memory_space<hbm>>
      %dma_start3A_46 = arith.constant 0 : i32
      %dma_start3A_47 = arith.constant 0 : i32
      %dma_start3A_48 = tpu.memref_slice %arg3[%add3A, %dma_start3A_46, %dma_start3A_47] : memref<32x80x125xi32, #tpu.memory_space<hbm>> -> memref<1x80x125xi32, #tpu.memory_space<hbm>>
      %dma_start3A_49 = tpu.memref_squeeze %dma_start3A_48 : memref<1x80x125xi32, #tpu.memory_space<hbm>> -> memref<80x125xi32, #tpu.memory_space<hbm>>
      tpu.enqueue_dma source(%dma_start3A_49 : memref<80x125xi32, #tpu.memory_space<hbm>>) target(%arg7 : memref<80x125xi32, #tpu.memory_space<vmem>>) target_semaphore(%run_scoped3A_41 : memref<!tpu.dma_semaphore, #tpu.memory_space<semaphore_mem>>)
      %dma_wait3A_50 = arith.constant 0 : i32
      %dma_wait3A_51 = arith.constant 0 : i32
      %dma_wait3A_52 = tpu.memref_slice %arg3[%add3A, %dma_wait3A_50, %dma_wait3A_51] : memref<32x80x125xi32, #tpu.memory_space<hbm>> -> memref<1x80x125xi32, #tpu.memory_space<hbm>>
      %dma_wait3A_53 = tpu.memref_squeeze %dma_wait3A_52 : memref<1x80x125xi32, #tpu.memory_space<hbm>> -> memref<80x125xi32, #tpu.memory_space<hbm>>
      %dma_wait3A_54 = arith.constant 0 : i32
      %dma_wait3A_55 = arith.constant 0 : i32
      %dma_wait3A_56 = tpu.memref_slice %arg3[%add3A, %dma_wait3A_54, %dma_wait3A_55] : memref<32x80x125xi32, #tpu.memory_space<hbm>> -> memref<1x80x125xi32, #tpu.memory_space<hbm>>
      %dma_wait3A_57 = tpu.memref_squeeze %dma_wait3A_56 : memref<1x80x125xi32, #tpu.memory_space<hbm>> -> memref<80x125xi32, #tpu.memory_space<hbm>>
      tpu.wait_dma2 semaphore(%run_scoped3A_41 : memref<!tpu.dma_semaphore, #tpu.memory_space<semaphore_mem>>) src(%dma_wait3A_57 : memref<80x125xi32, #tpu.memory_space<hbm>>) dst(%arg7 : memref<80x125xi32, #tpu.memory_space<vmem>>)
      tpu.yield
    }) : () -> ()
    %run_scoped3A = arith.constant 79 : i32
    "tpu.region"() ({
      %run_scoped3A_41 = tpu.sem_alloc : memref<!tpu.dma_semaphore, #tpu.memory_space<semaphore_mem>>
      %dma_start3A_42 = arith.constant 0 : i32
      %dma_start3A_43 = tpu.memref_slice %arg4[%add3A, %run_scoped3A, %dma_start3A_42] : memref<32x80x125xi32, #tpu.memory_space<hbm>> -> memref<1x1x125xi32, #tpu.memory_space<hbm>>
      %dma_start3A_44 = tpu.memref_squeeze %dma_start3A_43 : memref<1x1x125xi32, #tpu.memory_space<hbm>> -> memref<125xi32, #tpu.memory_space<hbm>>
      %dma_start3A_45 = arith.constant 0 : i32
      %dma_start3A_46 = tpu.memref_slice %arg4[%add3A, %run_scoped3A, %dma_start3A_45] : memref<32x80x125xi32, #tpu.memory_space<hbm>> -> memref<1x1x125xi32, #tpu.memory_space<hbm>>
      %dma_start3A_47 = tpu.memref_squeeze %dma_start3A_46 : memref<1x1x125xi32, #tpu.memory_space<hbm>> -> memref<125xi32, #tpu.memory_space<hbm>>
      tpu.enqueue_dma source(%dma_start3A_47 : memref<125xi32, #tpu.memory_space<hbm>>) target(%arg9 : memref<125xi32, #tpu.memory_space<vmem>>) target_semaphore(%run_scoped3A_41 : memref<!tpu.dma_semaphore, #tpu.memory_space<semaphore_mem>>)
      %dma_wait3A_48 = arith.constant 0 : i32
      %dma_wait3A_49 = tpu.memref_slice %arg4[%add3A, %run_scoped3A, %dma_wait3A_48] : memref<32x80x125xi32, #tpu.memory_space<hbm>> -> memref<1x1x125xi32, #tpu.memory_space<hbm>>
      %dma_wait3A_50 = tpu.memref_squeeze %dma_wait3A_49 : memref<1x1x125xi32, #tpu.memory_space<hbm>> -> memref<125xi32, #tpu.memory_space<hbm>>
      %dma_wait3A_51 = arith.constant 0 : i32
      %dma_wait3A_52 = tpu.memref_slice %arg4[%add3A, %run_scoped3A, %dma_wait3A_51] : memref<32x80x125xi32, #tpu.memory_space<hbm>> -> memref<1x1x125xi32, #tpu.memory_space<hbm>>
      %dma_wait3A_53 = tpu.memref_squeeze %dma_wait3A_52 : memref<1x1x125xi32, #tpu.memory_space<hbm>> -> memref<125xi32, #tpu.memory_space<hbm>>
      tpu.wait_dma2 semaphore(%run_scoped3A_41 : memref<!tpu.dma_semaphore, #tpu.memory_space<semaphore_mem>>) src(%dma_wait3A_53 : memref<125xi32, #tpu.memory_space<hbm>>) dst(%arg9 : memref<125xi32, #tpu.memory_space<vmem>>)
      tpu.yield
    }) : () -> ()
    "tpu.region"() ({
      %run_scoped3A_41 = tpu.sem_alloc : memref<!tpu.dma_semaphore, #tpu.memory_space<semaphore_mem>>
      %dma_start3A_42 = arith.constant 0 : i32
      %dma_start3A_43 = arith.constant 0 : i32
      %dma_start3A_44 = tpu.memref_slice %arg5[%dma_start3A_42, %dma_start3A_43] : memref<10240x128xf32, #tpu.memory_space<hbm>> -> memref<125x128xf32, #tpu.memory_space<hbm>>
      %dma_start3A_45 = arith.constant 0 : i32
      %dma_start3A_46 = arith.constant 0 : i32
      %dma_start3A_47 = tpu.memref_slice %arg5[%dma_start3A_45, %dma_start3A_46] : memref<10240x128xf32, #tpu.memory_space<hbm>> -> memref<125x128xf32, #tpu.memory_space<hbm>>
      tpu.enqueue_dma source(%dma_start3A_47 : memref<125x128xf32, #tpu.memory_space<hbm>>) target(%arg11 : memref<125x128xf32, #tpu.memory_space<vmem>>) target_semaphore(%run_scoped3A_41 : memref<!tpu.dma_semaphore, #tpu.memory_space<semaphore_mem>>)
      %dma_wait3A_48 = arith.constant 0 : i32
      %dma_wait3A_49 = arith.constant 0 : i32
      %dma_wait3A_50 = tpu.memref_slice %arg5[%dma_wait3A_48, %dma_wait3A_49] : memref<10240x128xf32, #tpu.memory_space<hbm>> -> memref<125x128xf32, #tpu.memory_space<hbm>>
      %dma_wait3A_51 = arith.constant 0 : i32
      %dma_wait3A_52 = arith.constant 0 : i32
      %dma_wait3A_53 = tpu.memref_slice %arg5[%dma_wait3A_51, %dma_wait3A_52] : memref<10240x128xf32, #tpu.memory_space<hbm>> -> memref<125x128xf32, #tpu.memory_space<hbm>>
      tpu.wait_dma2 semaphore(%run_scoped3A_41 : memref<!tpu.dma_semaphore, #tpu.memory_space<semaphore_mem>>) src(%dma_wait3A_53 : memref<125x128xf32, #tpu.memory_space<hbm>>) dst(%arg11 : memref<125x128xf32, #tpu.memory_space<vmem>>)
      tpu.yield
    }) : () -> ()
    %barrier3A = arith.constant 0 : index
    tpu.barrier barrier_id(%barrier3A)
    %dma_start3A = arith.constant 0 : i32
    %dma_start3A_3 = arith.constant 0 : i32
    %dma_start3A_4 = tpu.memref_slice %arg7[%dma_start3A, %dma_start3A_3] : memref<80x125xi32, #tpu.memory_space<vmem>> -> memref<1x125xi32, #tpu.memory_space<vmem>>
    %dma_start3A_5 = tpu.memref_squeeze %dma_start3A_4 : memref<1x125xi32, #tpu.memory_space<vmem>> -> memref<125xi32, #tpu.memory_space<vmem>>
    %dma_start3A_6 = arith.constant 0 : i32
    %dma_start3A_7 = arith.constant 0 : i32
    %dma_start3A_8 = tpu.memref_slice %arg2[%dma_start3A_6, %dma_start3A_7] : memref<10240x128xf32, #tpu.memory_space<hbm>> -> memref<10240x128xf32, #tpu.memory_space<hbm>>
    tpu.enqueue_indirect_dma source(%dma_start3A_8 : memref<10240x128xf32, #tpu.memory_space<hbm>>) target(%arg10 : memref<125x128xf32, #tpu.memory_space<vmem>>) offsets(%dma_start3A_5 : memref<125xi32, #tpu.memory_space<vmem>>) semaphore(%arg12 : memref<!tpu.dma_semaphore, #tpu.memory_space<semaphore_mem>>)
    %dma_start3A_9 = arith.constant 0 : i32
    %dma_start3A_10 = arith.constant 0 : i32
    %dma_start3A_11 = tpu.memref_slice %arg18[%dma_start3A_9, %dma_start3A_10] : memref<10240x128xf32, #tpu.memory_space<vmem_shared>> -> memref<10240x128xf32, #tpu.memory_space<vmem_shared>>
    tpu.enqueue_indirect_dma source(%arg11 : memref<125x128xf32, #tpu.memory_space<vmem>>) target(%dma_start3A_11 : memref<10240x128xf32, #tpu.memory_space<vmem_shared>>) offsets(%arg9 : memref<125xi32, #tpu.memory_space<vmem>>) semaphore(%arg15 : memref<!tpu.dma_semaphore, #tpu.memory_space<semaphore_mem>>) {add = true}
    %dma_start3A_12 = arith.constant 0 : i32
    %dma_start3A_13 = arith.constant 0 : i32
    %dma_start3A_14 = tpu.memref_slice %arg4[%add3A, %dma_start3A_12, %dma_start3A_13] : memref<32x80x125xi32, #tpu.memory_space<hbm>> -> memref<1x1x125xi32, #tpu.memory_space<hbm>>
    %dma_start3A_15 = tpu.memref_squeeze %dma_start3A_14 : memref<1x1x125xi32, #tpu.memory_space<hbm>> -> memref<125xi32, #tpu.memory_space<hbm>>
    %dma_start3A_16 = arith.constant 0 : i32
    %dma_start3A_17 = tpu.memref_slice %arg4[%add3A, %dma_start3A_12, %dma_start3A_16] : memref<32x80x125xi32, #tpu.memory_space<hbm>> -> memref<1x1x125xi32, #tpu.memory_space<hbm>>
    %dma_start3A_18 = tpu.memref_squeeze %dma_start3A_17 : memref<1x1x125xi32, #tpu.memory_space<hbm>> -> memref<125xi32, #tpu.memory_space<hbm>>
    tpu.enqueue_dma source(%dma_start3A_18 : memref<125xi32, #tpu.memory_space<hbm>>) target(%arg8 : memref<125xi32, #tpu.memory_space<vmem>>) target_semaphore(%arg16 : memref<!tpu.dma_semaphore, #tpu.memory_space<semaphore_mem>>)
    %scan3A = arith.constant 0 : i32
    %scan3A_19 = arith.constant 0 : i32
    %scan3A_20 = arith.constant 40 : i32
    %scan3A_21 = arith.addi %scan3A_19, %scan3A_20 : i32
    %scan3A_22 = arith.constant 1 : i32
    scf.for %scan3A_41 = %scan3A_19 to %scan3A_21 step %scan3A_22  : i32 {
      %mul3A_42 = arith.constant 2 : i32
      %mul3A_43 = arith.muli %mul3A_42, %scan3A_41 : i32
      %dma_wait3A_44 = arith.constant 0 : i32
      %dma_wait3A_45 = tpu.memref_slice %arg7[%mul3A_43, %dma_wait3A_44] : memref<80x125xi32, #tpu.memory_space<vmem>> -> memref<1x125xi32, #tpu.memory_space<vmem>>
      %dma_wait3A_46 = tpu.memref_squeeze %dma_wait3A_45 : memref<1x125xi32, #tpu.memory_space<vmem>> -> memref<125xi32, #tpu.memory_space<vmem>>
      %dma_wait3A_47 = arith.constant 0 : i32
      %dma_wait3A_48 = arith.constant 0 : i32
      %dma_wait3A_49 = tpu.memref_slice %arg2[%dma_wait3A_47, %dma_wait3A_48] : memref<10240x128xf32, #tpu.memory_space<hbm>> -> memref<10240x128xf32, #tpu.memory_space<hbm>>
      tpu.wait_indirect_dma semaphore(%arg12 : memref<!tpu.dma_semaphore, #tpu.memory_space<semaphore_mem>>) src(%dma_wait3A_49 : memref<10240x128xf32, #tpu.memory_space<hbm>>) dst(%arg10 : memref<125x128xf32, #tpu.memory_space<vmem>>)
      %dma_wait3A_50 = arith.constant 0 : i32
      %dma_wait3A_51 = arith.constant 0 : i32
      %dma_wait3A_52 = tpu.memref_slice %arg18[%dma_wait3A_50, %dma_wait3A_51] : memref<10240x128xf32, #tpu.memory_space<vmem_shared>> -> memref<10240x128xf32, #tpu.memory_space<vmem_shared>>
      tpu.wait_indirect_dma semaphore(%arg15 : memref<!tpu.dma_semaphore, #tpu.memory_space<semaphore_mem>>) src(%arg11 : memref<125x128xf32, #tpu.memory_space<vmem>>) dst(%dma_wait3A_52 : memref<10240x128xf32, #tpu.memory_space<vmem_shared>>)
      %add3A_53 = arith.constant 1 : i32
      %add3A_54 = arith.addi %mul3A_43, %add3A_53 : i32
      %dma_start3A_55 = arith.constant 0 : i32
      %dma_start3A_56 = tpu.memref_slice %arg7[%add3A_54, %dma_start3A_55] : memref<80x125xi32, #tpu.memory_space<vmem>> -> memref<1x125xi32, #tpu.memory_space<vmem>>
      %dma_start3A_57 = tpu.memref_squeeze %dma_start3A_56 : memref<1x125xi32, #tpu.memory_space<vmem>> -> memref<125xi32, #tpu.memory_space<vmem>>
      %dma_start3A_58 = arith.constant 0 : i32
      %dma_start3A_59 = arith.constant 0 : i32
      %dma_start3A_60 = tpu.memref_slice %arg2[%dma_start3A_58, %dma_start3A_59] : memref<10240x128xf32, #tpu.memory_space<hbm>> -> memref<10240x128xf32, #tpu.memory_space<hbm>>
      tpu.enqueue_indirect_dma source(%dma_start3A_60 : memref<10240x128xf32, #tpu.memory_space<hbm>>) target(%arg11 : memref<125x128xf32, #tpu.memory_space<vmem>>) offsets(%dma_start3A_57 : memref<125xi32, #tpu.memory_space<vmem>>) semaphore(%arg13 : memref<!tpu.dma_semaphore, #tpu.memory_space<semaphore_mem>>)
      %dma_wait3A_61 = arith.constant 0 : i32
      %dma_wait3A_62 = arith.constant 0 : i32
      %dma_wait3A_63 = tpu.memref_slice %arg4[%add3A, %dma_wait3A_61, %dma_wait3A_62] : memref<32x80x125xi32, #tpu.memory_space<hbm>> -> memref<1x1x125xi32, #tpu.memory_space<hbm>>
      %dma_wait3A_64 = tpu.memref_squeeze %dma_wait3A_63 : memref<1x1x125xi32, #tpu.memory_space<hbm>> -> memref<125xi32, #tpu.memory_space<hbm>>
      %dma_wait3A_65 = arith.constant 0 : i32
      %dma_wait3A_66 = tpu.memref_slice %arg4[%add3A, %dma_wait3A_61, %dma_wait3A_65] : memref<32x80x125xi32, #tpu.memory_space<hbm>> -> memref<1x1x125xi32, #tpu.memory_space<hbm>>
      %dma_wait3A_67 = tpu.memref_squeeze %dma_wait3A_66 : memref<1x1x125xi32, #tpu.memory_space<hbm>> -> memref<125xi32, #tpu.memory_space<hbm>>
      tpu.wait_dma2 semaphore(%arg16 : memref<!tpu.dma_semaphore, #tpu.memory_space<semaphore_mem>>) src(%dma_wait3A_67 : memref<125xi32, #tpu.memory_space<hbm>>) dst(%arg8 : memref<125xi32, #tpu.memory_space<vmem>>)
      %dma_start3A_68 = arith.constant 0 : i32
      %dma_start3A_69 = arith.constant 0 : i32
      %dma_start3A_70 = tpu.memref_slice %arg18[%dma_start3A_68, %dma_start3A_69] : memref<10240x128xf32, #tpu.memory_space<vmem_shared>> -> memref<10240x128xf32, #tpu.memory_space<vmem_shared>>
      tpu.enqueue_indirect_dma source(%arg10 : memref<125x128xf32, #tpu.memory_space<vmem>>) target(%dma_start3A_70 : memref<10240x128xf32, #tpu.memory_space<vmem_shared>>) offsets(%arg8 : memref<125xi32, #tpu.memory_space<vmem>>) semaphore(%arg14 : memref<!tpu.dma_semaphore, #tpu.memory_space<semaphore_mem>>) {add = true}
      %add3A_71 = arith.constant 1 : i32
      %add3A_72 = arith.addi %mul3A_43, %add3A_71 : i32
      %dma_start3A_73 = arith.constant 0 : i32
      %dma_start3A_74 = tpu.memref_slice %arg4[%add3A, %add3A_72, %dma_start3A_73] : memref<32x80x125xi32, #tpu.memory_space<hbm>> -> memref<1x1x125xi32, #tpu.memory_space<hbm>>
      %dma_start3A_75 = tpu.memref_squeeze %dma_start3A_74 : memref<1x1x125xi32, #tpu.memory_space<hbm>> -> memref<125xi32, #tpu.memory_space<hbm>>
      %dma_start3A_76 = arith.constant 0 : i32
      %dma_start3A_77 = tpu.memref_slice %arg4[%add3A, %add3A_72, %dma_start3A_76] : memref<32x80x125xi32, #tpu.memory_space<hbm>> -> memref<1x1x125xi32, #tpu.memory_space<hbm>>
      %dma_start3A_78 = tpu.memref_squeeze %dma_start3A_77 : memref<1x1x125xi32, #tpu.memory_space<hbm>> -> memref<125xi32, #tpu.memory_space<hbm>>
      tpu.enqueue_dma source(%dma_start3A_78 : memref<125xi32, #tpu.memory_space<hbm>>) target(%arg9 : memref<125xi32, #tpu.memory_space<vmem>>) target_semaphore(%arg17 : memref<!tpu.dma_semaphore, #tpu.memory_space<semaphore_mem>>)
      %add3A_79 = arith.constant 1 : i32
      %add3A_80 = arith.addi %mul3A_43, %add3A_79 : i32
      %dma_wait3A_81 = arith.constant 0 : i32
      %dma_wait3A_82 = tpu.memref_slice %arg7[%add3A_80, %dma_wait3A_81] : memref<80x125xi32, #tpu.memory_space<vmem>> -> memref<1x125xi32, #tpu.memory_space<vmem>>
      %dma_wait3A_83 = tpu.memref_squeeze %dma_wait3A_82 : memref<1x125xi32, #tpu.memory_space<vmem>> -> memref<125xi32, #tpu.memory_space<vmem>>
      %dma_wait3A_84 = arith.constant 0 : i32
      %dma_wait3A_85 = arith.constant 0 : i32
      %dma_wait3A_86 = tpu.memref_slice %arg2[%dma_wait3A_84, %dma_wait3A_85] : memref<10240x128xf32, #tpu.memory_space<hbm>> -> memref<10240x128xf32, #tpu.memory_space<hbm>>
      tpu.wait_indirect_dma semaphore(%arg13 : memref<!tpu.dma_semaphore, #tpu.memory_space<semaphore_mem>>) src(%dma_wait3A_86 : memref<10240x128xf32, #tpu.memory_space<hbm>>) dst(%arg11 : memref<125x128xf32, #tpu.memory_space<vmem>>)
      %dma_wait3A_87 = arith.constant 0 : i32
      %dma_wait3A_88 = arith.constant 0 : i32
      %dma_wait3A_89 = tpu.memref_slice %arg18[%dma_wait3A_87, %dma_wait3A_88] : memref<10240x128xf32, #tpu.memory_space<vmem_shared>> -> memref<10240x128xf32, #tpu.memory_space<vmem_shared>>
      tpu.wait_indirect_dma semaphore(%arg14 : memref<!tpu.dma_semaphore, #tpu.memory_space<semaphore_mem>>) src(%arg10 : memref<125x128xf32, #tpu.memory_space<vmem>>) dst(%dma_wait3A_89 : memref<10240x128xf32, #tpu.memory_space<vmem_shared>>)
      %add3A_90 = arith.constant 2 : i32
      %add3A_91 = arith.addi %mul3A_43, %add3A_90 : i32
      %lt3A = arith.constant 80 : i32
      %lt3A_92 = arith.cmpi slt, %add3A_91, %lt3A : i32
      %add3A_93 = arith.constant 2 : i32
      %add3A_94 = arith.addi %mul3A_43, %add3A_93 : i32
      %jit3A = arith.constant 0 : i32
      %select_n3A = arith.select %lt3A_92, %add3A_94, %jit3A : i32
      %dma_start3A_95 = arith.constant 0 : i32
      %dma_start3A_96 = tpu.memref_slice %arg7[%select_n3A, %dma_start3A_95] : memref<80x125xi32, #tpu.memory_space<vmem>> -> memref<1x125xi32, #tpu.memory_space<vmem>>
      %dma_start3A_97 = tpu.memref_squeeze %dma_start3A_96 : memref<1x125xi32, #tpu.memory_space<vmem>> -> memref<125xi32, #tpu.memory_space<vmem>>
      %dma_start3A_98 = arith.constant 0 : i32
      %dma_start3A_99 = arith.constant 0 : i32
      %dma_start3A_100 = tpu.memref_slice %arg2[%dma_start3A_98, %dma_start3A_99] : memref<10240x128xf32, #tpu.memory_space<hbm>> -> memref<10240x128xf32, #tpu.memory_space<hbm>>
      tpu.enqueue_indirect_dma source(%dma_start3A_100 : memref<10240x128xf32, #tpu.memory_space<hbm>>) target(%arg10 : memref<125x128xf32, #tpu.memory_space<vmem>>) offsets(%dma_start3A_97 : memref<125xi32, #tpu.memory_space<vmem>>) semaphore(%arg12 : memref<!tpu.dma_semaphore, #tpu.memory_space<semaphore_mem>>)
      %dma_wait3A_101 = arith.constant 0 : i32
      %dma_wait3A_102 = arith.constant 0 : i32
      %dma_wait3A_103 = tpu.memref_slice %arg4[%add3A, %dma_wait3A_101, %dma_wait3A_102] : memref<32x80x125xi32, #tpu.memory_space<hbm>> -> memref<1x1x125xi32, #tpu.memory_space<hbm>>
      %dma_wait3A_104 = tpu.memref_squeeze %dma_wait3A_103 : memref<1x1x125xi32, #tpu.memory_space<hbm>> -> memref<125xi32, #tpu.memory_space<hbm>>
      %dma_wait3A_105 = arith.constant 0 : i32
      %dma_wait3A_106 = tpu.memref_slice %arg4[%add3A, %dma_wait3A_101, %dma_wait3A_105] : memref<32x80x125xi32, #tpu.memory_space<hbm>> -> memref<1x1x125xi32, #tpu.memory_space<hbm>>
      %dma_wait3A_107 = tpu.memref_squeeze %dma_wait3A_106 : memref<1x1x125xi32, #tpu.memory_space<hbm>> -> memref<125xi32, #tpu.memory_space<hbm>>
      tpu.wait_dma2 semaphore(%arg17 : memref<!tpu.dma_semaphore, #tpu.memory_space<semaphore_mem>>) src(%dma_wait3A_107 : memref<125xi32, #tpu.memory_space<hbm>>) dst(%arg9 : memref<125xi32, #tpu.memory_space<vmem>>)
      %dma_start3A_108 = arith.constant 0 : i32
      %dma_start3A_109 = arith.constant 0 : i32
      %dma_start3A_110 = tpu.memref_slice %arg18[%dma_start3A_108, %dma_start3A_109] : memref<10240x128xf32, #tpu.memory_space<vmem_shared>> -> memref<10240x128xf32, #tpu.memory_space<vmem_shared>>
      tpu.enqueue_indirect_dma source(%arg11 : memref<125x128xf32, #tpu.memory_space<vmem>>) target(%dma_start3A_110 : memref<10240x128xf32, #tpu.memory_space<vmem_shared>>) offsets(%arg9 : memref<125xi32, #tpu.memory_space<vmem>>) semaphore(%arg15 : memref<!tpu.dma_semaphore, #tpu.memory_space<semaphore_mem>>) {add = true}
      %dma_start3A_111 = arith.constant 0 : i32
      %dma_start3A_112 = tpu.memref_slice %arg4[%add3A, %select_n3A, %dma_start3A_111] : memref<32x80x125xi32, #tpu.memory_space<hbm>> -> memref<1x1x125xi32, #tpu.memory_space<hbm>>
      %dma_start3A_113 = tpu.memref_squeeze %dma_start3A_112 : memref<1x1x125xi32, #tpu.memory_space<hbm>> -> memref<125xi32, #tpu.memory_space<hbm>>
      %dma_start3A_114 = arith.constant 0 : i32
      %dma_start3A_115 = tpu.memref_slice %arg4[%add3A, %select_n3A, %dma_start3A_114] : memref<32x80x125xi32, #tpu.memory_space<hbm>> -> memref<1x1x125xi32, #tpu.memory_space<hbm>>
      %dma_start3A_116 = tpu.memref_squeeze %dma_start3A_115 : memref<1x1x125xi32, #tpu.memory_space<hbm>> -> memref<125xi32, #tpu.memory_space<hbm>>
      tpu.enqueue_dma source(%dma_start3A_116 : memref<125xi32, #tpu.memory_space<hbm>>) target(%arg8 : memref<125xi32, #tpu.memory_space<vmem>>) target_semaphore(%arg16 : memref<!tpu.dma_semaphore, #tpu.memory_space<semaphore_mem>>)
    }
    %scan3A_23 = arith.constant 40 : i32
    %dma_wait3A = arith.constant 0 : i32
    %dma_wait3A_24 = arith.constant 0 : i32
    %dma_wait3A_25 = tpu.memref_slice %arg7[%dma_wait3A, %dma_wait3A_24] : memref<80x125xi32, #tpu.memory_space<vmem>> -> memref<1x125xi32, #tpu.memory_space<vmem>>
    %dma_wait3A_26 = tpu.memref_squeeze %dma_wait3A_25 : memref<1x125xi32, #tpu.memory_space<vmem>> -> memref<125xi32, #tpu.memory_space<vmem>>
    %dma_wait3A_27 = arith.constant 0 : i32
    %dma_wait3A_28 = arith.constant 0 : i32
    %dma_wait3A_29 = tpu.memref_slice %arg2[%dma_wait3A_27, %dma_wait3A_28] : memref<10240x128xf32, #tpu.memory_space<hbm>> -> memref<10240x128xf32, #tpu.memory_space<hbm>>
    tpu.wait_indirect_dma semaphore(%arg12 : memref<!tpu.dma_semaphore, #tpu.memory_space<semaphore_mem>>) src(%dma_wait3A_29 : memref<10240x128xf32, #tpu.memory_space<hbm>>) dst(%arg10 : memref<125x128xf32, #tpu.memory_space<vmem>>)
    %dma_wait3A_30 = arith.constant 0 : i32
    %dma_wait3A_31 = arith.constant 0 : i32
    %dma_wait3A_32 = tpu.memref_slice %arg18[%dma_wait3A_30, %dma_wait3A_31] : memref<10240x128xf32, #tpu.memory_space<vmem_shared>> -> memref<10240x128xf32, #tpu.memory_space<vmem_shared>>
    tpu.wait_indirect_dma semaphore(%arg15 : memref<!tpu.dma_semaphore, #tpu.memory_space<semaphore_mem>>) src(%arg11 : memref<125x128xf32, #tpu.memory_space<vmem>>) dst(%dma_wait3A_32 : memref<10240x128xf32, #tpu.memory_space<vmem_shared>>)
    %dma_wait3A_33 = arith.constant 0 : i32
    %dma_wait3A_34 = arith.constant 0 : i32
    %dma_wait3A_35 = tpu.memref_slice %arg4[%add3A, %dma_wait3A_33, %dma_wait3A_34] : memref<32x80x125xi32, #tpu.memory_space<hbm>> -> memref<1x1x125xi32, #tpu.memory_space<hbm>>
    %dma_wait3A_36 = tpu.memref_squeeze %dma_wait3A_35 : memref<1x1x125xi32, #tpu.memory_space<hbm>> -> memref<125xi32, #tpu.memory_space<hbm>>
    %dma_wait3A_37 = arith.constant 0 : i32
    %dma_wait3A_38 = tpu.memref_slice %arg4[%add3A, %dma_wait3A_33, %dma_wait3A_37] : memref<32x80x125xi32, #tpu.memory_space<hbm>> -> memref<1x1x125xi32, #tpu.memory_space<hbm>>
    %dma_wait3A_39 = tpu.memref_squeeze %dma_wait3A_38 : memref<1x1x125xi32, #tpu.memory_space<hbm>> -> memref<125xi32, #tpu.memory_space<hbm>>
    tpu.wait_dma2 semaphore(%arg16 : memref<!tpu.dma_semaphore, #tpu.memory_space<semaphore_mem>>) src(%dma_wait3A_39 : memref<125xi32, #tpu.memory_space<hbm>>) dst(%arg8 : memref<125xi32, #tpu.memory_space<vmem>>)
    %barrier3A_40 = arith.constant 0 : index
    tpu.barrier barrier_id(%barrier3A_40)
    "tpu.region"() ({
      %run_scoped3A_41 = tpu.sem_alloc : memref<!tpu.dma_semaphore, #tpu.memory_space<semaphore_mem>>
      %dma_start3A_42 = arith.constant 0 : i32
      %dma_start3A_43 = tpu.memref_slice %arg6[%arg0, %mul3A_2, %dma_start3A_42] : memref<2x10240x128xf32, #tpu.memory_space<hbm>> -> memref<1x640x128xf32, #tpu.memory_space<hbm>>
      %dma_start3A_44 = tpu.memref_squeeze %dma_start3A_43 : memref<1x640x128xf32, #tpu.memory_space<hbm>> -> memref<640x128xf32, #tpu.memory_space<hbm>>
      %dma_start3A_45 = arith.constant 0 : i32
      %dma_start3A_46 = tpu.memref_slice %arg18[%mul3A_2, %dma_start3A_45] : memref<10240x128xf32, #tpu.memory_space<vmem_shared>> -> memref<640x128xf32, #tpu.memory_space<vmem_shared>>
      tpu.enqueue_dma source(%dma_start3A_46 : memref<640x128xf32, #tpu.memory_space<vmem_shared>>) target(%dma_start3A_44 : memref<640x128xf32, #tpu.memory_space<hbm>>) target_semaphore(%run_scoped3A_41 : memref<!tpu.dma_semaphore, #tpu.memory_space<semaphore_mem>>)
      %dma_wait3A_47 = arith.constant 0 : i32
      %dma_wait3A_48 = tpu.memref_slice %arg6[%arg0, %mul3A_2, %dma_wait3A_47] : memref<2x10240x128xf32, #tpu.memory_space<hbm>> -> memref<1x640x128xf32, #tpu.memory_space<hbm>>
      %dma_wait3A_49 = tpu.memref_squeeze %dma_wait3A_48 : memref<1x640x128xf32, #tpu.memory_space<hbm>> -> memref<640x128xf32, #tpu.memory_space<hbm>>
      %dma_wait3A_50 = arith.constant 0 : i32
      %dma_wait3A_51 = tpu.memref_slice %arg18[%mul3A_2, %dma_wait3A_50] : memref<10240x128xf32, #tpu.memory_space<vmem_shared>> -> memref<640x128xf32, #tpu.memory_space<vmem_shared>>
      tpu.wait_dma2 semaphore(%run_scoped3A_41 : memref<!tpu.dma_semaphore, #tpu.memory_space<semaphore_mem>>) src(%dma_wait3A_51 : memref<640x128xf32, #tpu.memory_space<vmem_shared>>) dst(%dma_wait3A_49 : memref<640x128xf32, #tpu.memory_space<hbm>>)
      tpu.yield
    }) : () -> ()
    return
  }
}

#map = affine_map<(d0, d1) -> (0, 0, 0)>
#map1 = affine_map<(d0, d1) -> (0, 0)>
#map2 = affine_map<(d0, d1) -> (0, 0, 0, 0)>
module attributes {stable_mosaic.version = 14 : i64} {
  func.func @k(%arg0: i32, %arg1: i32, %arg2: memref<32x80x125xi32, #tpu.memory_space<hbm>>, %arg3: memref<32x80x125xi32, #tpu.memory_space<hbm>>, %arg4: memref<125x16xf32, #tpu.memory_space<hbm>>, %arg5: memref<10240x16xf32, #tpu.memory_space<hbm>>, %arg6: memref<2x2x10240x16xf32, #tpu.memory_space<hbm>>, %arg7: memref<80x125xi32, #tpu.memory_space<vmem>>, %arg8: memref<80x125xi32, #tpu.memory_space<vmem>>, %arg9: memref<125x16xf32, #tpu.memory_space<vmem>>, %arg10: memref<10240x16xf32, #tpu.memory_space<vmem_shared>>, %arg11: memref<10240x16xf32, #tpu.memory_space<vmem_shared>>) attributes {dimension_semantics = [#tpu.dimension_semantics<core_parallel>, #tpu.dimension_semantics<subcore_parallel>], iteration_bounds = array<i64: 2, 16>, scalar_prefetch = 0 : i64, scratch_operands = 5 : i64, tpu.core_type = #tpu.core_type<sc_vector_subcore>, window_params = [{transform_indices = #map}, {transform_indices = #map}, {transform_indices = #map1}, {transform_indices = #map1}, {transform_indices = #map2}]} {
    %mul3A = arith.constant 16 : i32
    %mul3A_0 = arith.muli %arg0, %mul3A : i32
    %add3A = arith.addi %mul3A_0, %arg1 : i32
    %mul3A_1 = arith.constant 640 : i32
    %mul3A_2 = arith.muli %arg1, %mul3A_1 : i32
    "tpu.region"() ({
      %run_scoped3A_10 = tpu.sem_alloc : memref<!tpu.dma_semaphore, #tpu.memory_space<semaphore_mem>>
      %dma_start3A = arith.constant 0 : i32
      %dma_start3A_11 = tpu.memref_slice %arg10[%mul3A_2, %dma_start3A] : memref<10240x16xf32, #tpu.memory_space<vmem_shared>> -> memref<640x16xf32, #tpu.memory_space<vmem_shared>>
      %dma_start3A_12 = arith.constant 0 : i32
      %dma_start3A_13 = tpu.memref_slice %arg5[%mul3A_2, %dma_start3A_12] : memref<10240x16xf32, #tpu.memory_space<hbm>> -> memref<640x16xf32, #tpu.memory_space<hbm>>
      tpu.enqueue_dma source(%dma_start3A_13 : memref<640x16xf32, #tpu.memory_space<hbm>>) target(%dma_start3A_11 : memref<640x16xf32, #tpu.memory_space<vmem_shared>>) target_semaphore(%run_scoped3A_10 : memref<!tpu.dma_semaphore, #tpu.memory_space<semaphore_mem>>)
      %dma_wait3A = arith.constant 0 : i32
      %dma_wait3A_14 = tpu.memref_slice %arg10[%mul3A_2, %dma_wait3A] : memref<10240x16xf32, #tpu.memory_space<vmem_shared>> -> memref<640x16xf32, #tpu.memory_space<vmem_shared>>
      %dma_wait3A_15 = arith.constant 0 : i32
      %dma_wait3A_16 = tpu.memref_slice %arg5[%mul3A_2, %dma_wait3A_15] : memref<10240x16xf32, #tpu.memory_space<hbm>> -> memref<640x16xf32, #tpu.memory_space<hbm>>
      tpu.wait_dma2 semaphore(%run_scoped3A_10 : memref<!tpu.dma_semaphore, #tpu.memory_space<semaphore_mem>>) src(%dma_wait3A_16 : memref<640x16xf32, #tpu.memory_space<hbm>>) dst(%dma_wait3A_14 : memref<640x16xf32, #tpu.memory_space<vmem_shared>>)
      tpu.yield
    }) : () -> ()
    "tpu.region"() ({
      %run_scoped3A_10 = tpu.sem_alloc : memref<!tpu.dma_semaphore, #tpu.memory_space<semaphore_mem>>
      %dma_start3A = arith.constant 0 : i32
      %dma_start3A_11 = tpu.memref_slice %arg11[%mul3A_2, %dma_start3A] : memref<10240x16xf32, #tpu.memory_space<vmem_shared>> -> memref<640x16xf32, #tpu.memory_space<vmem_shared>>
      %dma_start3A_12 = arith.constant 0 : i32
      %dma_start3A_13 = tpu.memref_slice %arg5[%mul3A_2, %dma_start3A_12] : memref<10240x16xf32, #tpu.memory_space<hbm>> -> memref<640x16xf32, #tpu.memory_space<hbm>>
      tpu.enqueue_dma source(%dma_start3A_13 : memref<640x16xf32, #tpu.memory_space<hbm>>) target(%dma_start3A_11 : memref<640x16xf32, #tpu.memory_space<vmem_shared>>) target_semaphore(%run_scoped3A_10 : memref<!tpu.dma_semaphore, #tpu.memory_space<semaphore_mem>>)
      %dma_wait3A = arith.constant 0 : i32
      %dma_wait3A_14 = tpu.memref_slice %arg11[%mul3A_2, %dma_wait3A] : memref<10240x16xf32, #tpu.memory_space<vmem_shared>> -> memref<640x16xf32, #tpu.memory_space<vmem_shared>>
      %dma_wait3A_15 = arith.constant 0 : i32
      %dma_wait3A_16 = tpu.memref_slice %arg5[%mul3A_2, %dma_wait3A_15] : memref<10240x16xf32, #tpu.memory_space<hbm>> -> memref<640x16xf32, #tpu.memory_space<hbm>>
      tpu.wait_dma2 semaphore(%run_scoped3A_10 : memref<!tpu.dma_semaphore, #tpu.memory_space<semaphore_mem>>) src(%dma_wait3A_16 : memref<640x16xf32, #tpu.memory_space<hbm>>) dst(%dma_wait3A_14 : memref<640x16xf32, #tpu.memory_space<vmem_shared>>)
      tpu.yield
    }) : () -> ()
    "tpu.region"() ({
      %run_scoped3A_10 = tpu.sem_alloc : memref<!tpu.dma_semaphore, #tpu.memory_space<semaphore_mem>>
      tpu.enqueue_dma source(%arg4 : memref<125x16xf32, #tpu.memory_space<hbm>>) target(%arg9 : memref<125x16xf32, #tpu.memory_space<vmem>>) target_semaphore(%run_scoped3A_10 : memref<!tpu.dma_semaphore, #tpu.memory_space<semaphore_mem>>)
      tpu.wait_dma2 semaphore(%run_scoped3A_10 : memref<!tpu.dma_semaphore, #tpu.memory_space<semaphore_mem>>) src(%arg4 : memref<125x16xf32, #tpu.memory_space<hbm>>) dst(%arg9 : memref<125x16xf32, #tpu.memory_space<vmem>>)
      tpu.yield
    }) : () -> ()
    "tpu.region"() ({
      %run_scoped3A_10 = tpu.sem_alloc : memref<!tpu.dma_semaphore, #tpu.memory_space<semaphore_mem>>
      %dma_start3A = arith.constant 0 : i32
      %dma_start3A_11 = arith.constant 0 : i32
      %dma_start3A_12 = tpu.memref_slice %arg2[%add3A, %dma_start3A, %dma_start3A_11] : memref<32x80x125xi32, #tpu.memory_space<hbm>> -> memref<1x80x125xi32, #tpu.memory_space<hbm>>
      %dma_start3A_13 = tpu.memref_squeeze %dma_start3A_12 : memref<1x80x125xi32, #tpu.memory_space<hbm>> -> memref<80x125xi32, #tpu.memory_space<hbm>>
      %dma_start3A_14 = arith.constant 0 : i32
      %dma_start3A_15 = arith.constant 0 : i32
      %dma_start3A_16 = tpu.memref_slice %arg2[%add3A, %dma_start3A_14, %dma_start3A_15] : memref<32x80x125xi32, #tpu.memory_space<hbm>> -> memref<1x80x125xi32, #tpu.memory_space<hbm>>
      %dma_start3A_17 = tpu.memref_squeeze %dma_start3A_16 : memref<1x80x125xi32, #tpu.memory_space<hbm>> -> memref<80x125xi32, #tpu.memory_space<hbm>>
      tpu.enqueue_dma source(%dma_start3A_17 : memref<80x125xi32, #tpu.memory_space<hbm>>) target(%arg7 : memref<80x125xi32, #tpu.memory_space<vmem>>) target_semaphore(%run_scoped3A_10 : memref<!tpu.dma_semaphore, #tpu.memory_space<semaphore_mem>>)
      %dma_wait3A = arith.constant 0 : i32
      %dma_wait3A_18 = arith.constant 0 : i32
      %dma_wait3A_19 = tpu.memref_slice %arg2[%add3A, %dma_wait3A, %dma_wait3A_18] : memref<32x80x125xi32, #tpu.memory_space<hbm>> -> memref<1x80x125xi32, #tpu.memory_space<hbm>>
      %dma_wait3A_20 = tpu.memref_squeeze %dma_wait3A_19 : memref<1x80x125xi32, #tpu.memory_space<hbm>> -> memref<80x125xi32, #tpu.memory_space<hbm>>
      %dma_wait3A_21 = arith.constant 0 : i32
      %dma_wait3A_22 = arith.constant 0 : i32
      %dma_wait3A_23 = tpu.memref_slice %arg2[%add3A, %dma_wait3A_21, %dma_wait3A_22] : memref<32x80x125xi32, #tpu.memory_space<hbm>> -> memref<1x80x125xi32, #tpu.memory_space<hbm>>
      %dma_wait3A_24 = tpu.memref_squeeze %dma_wait3A_23 : memref<1x80x125xi32, #tpu.memory_space<hbm>> -> memref<80x125xi32, #tpu.memory_space<hbm>>
      tpu.wait_dma2 semaphore(%run_scoped3A_10 : memref<!tpu.dma_semaphore, #tpu.memory_space<semaphore_mem>>) src(%dma_wait3A_24 : memref<80x125xi32, #tpu.memory_space<hbm>>) dst(%arg7 : memref<80x125xi32, #tpu.memory_space<vmem>>)
      tpu.yield
    }) : () -> ()
    "tpu.region"() ({
      %run_scoped3A_10 = tpu.sem_alloc : memref<!tpu.dma_semaphore, #tpu.memory_space<semaphore_mem>>
      %dma_start3A = arith.constant 0 : i32
      %dma_start3A_11 = arith.constant 0 : i32
      %dma_start3A_12 = tpu.memref_slice %arg3[%add3A, %dma_start3A, %dma_start3A_11] : memref<32x80x125xi32, #tpu.memory_space<hbm>> -> memref<1x80x125xi32, #tpu.memory_space<hbm>>
      %dma_start3A_13 = tpu.memref_squeeze %dma_start3A_12 : memref<1x80x125xi32, #tpu.memory_space<hbm>> -> memref<80x125xi32, #tpu.memory_space<hbm>>
      %dma_start3A_14 = arith.constant 0 : i32
      %dma_start3A_15 = arith.constant 0 : i32
      %dma_start3A_16 = tpu.memref_slice %arg3[%add3A, %dma_start3A_14, %dma_start3A_15] : memref<32x80x125xi32, #tpu.memory_space<hbm>> -> memref<1x80x125xi32, #tpu.memory_space<hbm>>
      %dma_start3A_17 = tpu.memref_squeeze %dma_start3A_16 : memref<1x80x125xi32, #tpu.memory_space<hbm>> -> memref<80x125xi32, #tpu.memory_space<hbm>>
      tpu.enqueue_dma source(%dma_start3A_17 : memref<80x125xi32, #tpu.memory_space<hbm>>) target(%arg8 : memref<80x125xi32, #tpu.memory_space<vmem>>) target_semaphore(%run_scoped3A_10 : memref<!tpu.dma_semaphore, #tpu.memory_space<semaphore_mem>>)
      %dma_wait3A = arith.constant 0 : i32
      %dma_wait3A_18 = arith.constant 0 : i32
      %dma_wait3A_19 = tpu.memref_slice %arg3[%add3A, %dma_wait3A, %dma_wait3A_18] : memref<32x80x125xi32, #tpu.memory_space<hbm>> -> memref<1x80x125xi32, #tpu.memory_space<hbm>>
      %dma_wait3A_20 = tpu.memref_squeeze %dma_wait3A_19 : memref<1x80x125xi32, #tpu.memory_space<hbm>> -> memref<80x125xi32, #tpu.memory_space<hbm>>
      %dma_wait3A_21 = arith.constant 0 : i32
      %dma_wait3A_22 = arith.constant 0 : i32
      %dma_wait3A_23 = tpu.memref_slice %arg3[%add3A, %dma_wait3A_21, %dma_wait3A_22] : memref<32x80x125xi32, #tpu.memory_space<hbm>> -> memref<1x80x125xi32, #tpu.memory_space<hbm>>
      %dma_wait3A_24 = tpu.memref_squeeze %dma_wait3A_23 : memref<1x80x125xi32, #tpu.memory_space<hbm>> -> memref<80x125xi32, #tpu.memory_space<hbm>>
      tpu.wait_dma2 semaphore(%run_scoped3A_10 : memref<!tpu.dma_semaphore, #tpu.memory_space<semaphore_mem>>) src(%dma_wait3A_24 : memref<80x125xi32, #tpu.memory_space<hbm>>) dst(%arg8 : memref<80x125xi32, #tpu.memory_space<vmem>>)
      tpu.yield
    }) : () -> ()
    %barrier3A = arith.constant 0 : index
    tpu.barrier barrier_id(%barrier3A)
    %scan3A = arith.constant 0 : i32
    %scan3A_3 = arith.constant 0 : i32
    %scan3A_4 = arith.constant 80 : i32
    %scan3A_5 = arith.addi %scan3A_3, %scan3A_4 : i32
    %scan3A_6 = arith.constant 1 : i32
    scf.for %scan3A_10 = %scan3A_3 to %scan3A_5 step %scan3A_6  : i32 {
      "tpu.region"() ({
        %run_scoped3A_11 = tpu.sem_alloc : memref<!tpu.dma_semaphore, #tpu.memory_space<semaphore_mem>>
        %dma_start3A = arith.constant 0 : i32
        %dma_start3A_12 = tpu.memref_slice %arg7[%scan3A_10, %dma_start3A] : memref<80x125xi32, #tpu.memory_space<vmem>> -> memref<1x125xi32, #tpu.memory_space<vmem>>
        %dma_start3A_13 = tpu.memref_squeeze %dma_start3A_12 : memref<1x125xi32, #tpu.memory_space<vmem>> -> memref<125xi32, #tpu.memory_space<vmem>>
        %dma_start3A_14 = arith.constant 0 : i32
        %dma_start3A_15 = arith.constant 0 : i32
        %dma_start3A_16 = tpu.memref_slice %arg10[%dma_start3A_14, %dma_start3A_15] : memref<10240x16xf32, #tpu.memory_space<vmem_shared>> -> memref<10240x16xf32, #tpu.memory_space<vmem_shared>>
        tpu.enqueue_indirect_dma source(%arg9 : memref<125x16xf32, #tpu.memory_space<vmem>>) target(%dma_start3A_16 : memref<10240x16xf32, #tpu.memory_space<vmem_shared>>) offsets(%dma_start3A_13 : memref<125xi32, #tpu.memory_space<vmem>>) semaphore(%run_scoped3A_11 : memref<!tpu.dma_semaphore, #tpu.memory_space<semaphore_mem>>) {add = true}
        %dma_wait3A = arith.constant 0 : i32
        %dma_wait3A_17 = tpu.memref_slice %arg7[%scan3A_10, %dma_wait3A] : memref<80x125xi32, #tpu.memory_space<vmem>> -> memref<1x125xi32, #tpu.memory_space<vmem>>
        %dma_wait3A_18 = tpu.memref_squeeze %dma_wait3A_17 : memref<1x125xi32, #tpu.memory_space<vmem>> -> memref<125xi32, #tpu.memory_space<vmem>>
        %dma_wait3A_19 = arith.constant 0 : i32
        %dma_wait3A_20 = arith.constant 0 : i32
        %dma_wait3A_21 = tpu.memref_slice %arg10[%dma_wait3A_19, %dma_wait3A_20] : memref<10240x16xf32, #tpu.memory_space<vmem_shared>> -> memref<10240x16xf32, #tpu.memory_space<vmem_shared>>
        tpu.wait_indirect_dma semaphore(%run_scoped3A_11 : memref<!tpu.dma_semaphore, #tpu.memory_space<semaphore_mem>>) src(%arg9 : memref<125x16xf32, #tpu.memory_space<vmem>>) dst(%dma_wait3A_21 : memref<10240x16xf32, #tpu.memory_space<vmem_shared>>)
        tpu.yield
      }) : () -> ()
      "tpu.region"() ({
        %run_scoped3A_11 = tpu.sem_alloc : memref<!tpu.dma_semaphore, #tpu.memory_space<semaphore_mem>>
        %dma_start3A = arith.constant 0 : i32
        %dma_start3A_12 = tpu.memref_slice %arg8[%scan3A_10, %dma_start3A] : memref<80x125xi32, #tpu.memory_space<vmem>> -> memref<1x125xi32, #tpu.memory_space<vmem>>
        %dma_start3A_13 = tpu.memref_squeeze %dma_start3A_12 : memref<1x125xi32, #tpu.memory_space<vmem>> -> memref<125xi32, #tpu.memory_space<vmem>>
        %dma_start3A_14 = arith.constant 0 : i32
        %dma_start3A_15 = arith.constant 0 : i32
        %dma_start3A_16 = tpu.memref_slice %arg11[%dma_start3A_14, %dma_start3A_15] : memref<10240x16xf32, #tpu.memory_space<vmem_shared>> -> memref<10240x16xf32, #tpu.memory_space<vmem_shared>>
        tpu.enqueue_indirect_dma source(%arg9 : memref<125x16xf32, #tpu.memory_space<vmem>>) target(%dma_start3A_16 : memref<10240x16xf32, #tpu.memory_space<vmem_shared>>) offsets(%dma_start3A_13 : memref<125xi32, #tpu.memory_space<vmem>>) semaphore(%run_scoped3A_11 : memref<!tpu.dma_semaphore, #tpu.memory_space<semaphore_mem>>) {add = true}
        %dma_wait3A = arith.constant 0 : i32
        %dma_wait3A_17 = tpu.memref_slice %arg8[%scan3A_10, %dma_wait3A] : memref<80x125xi32, #tpu.memory_space<vmem>> -> memref<1x125xi32, #tpu.memory_space<vmem>>
        %dma_wait3A_18 = tpu.memref_squeeze %dma_wait3A_17 : memref<1x125xi32, #tpu.memory_space<vmem>> -> memref<125xi32, #tpu.memory_space<vmem>>
        %dma_wait3A_19 = arith.constant 0 : i32
        %dma_wait3A_20 = arith.constant 0 : i32
        %dma_wait3A_21 = tpu.memref_slice %arg11[%dma_wait3A_19, %dma_wait3A_20] : memref<10240x16xf32, #tpu.memory_space<vmem_shared>> -> memref<10240x16xf32, #tpu.memory_space<vmem_shared>>
        tpu.wait_indirect_dma semaphore(%run_scoped3A_11 : memref<!tpu.dma_semaphore, #tpu.memory_space<semaphore_mem>>) src(%arg9 : memref<125x16xf32, #tpu.memory_space<vmem>>) dst(%dma_wait3A_21 : memref<10240x16xf32, #tpu.memory_space<vmem_shared>>)
        tpu.yield
      }) : () -> ()
    }
    %scan3A_7 = arith.constant 80 : i32
    %barrier3A_8 = arith.constant 0 : index
    tpu.barrier barrier_id(%barrier3A_8)
    %run_scoped3A = arith.constant 0 : i32
    "tpu.region"() ({
      %run_scoped3A_10 = tpu.sem_alloc : memref<!tpu.dma_semaphore, #tpu.memory_space<semaphore_mem>>
      %dma_start3A = arith.constant 0 : i32
      %dma_start3A_11 = tpu.memref_slice %arg6[%arg0, %run_scoped3A, %mul3A_2, %dma_start3A] : memref<2x2x10240x16xf32, #tpu.memory_space<hbm>> -> memref<1x1x640x16xf32, #tpu.memory_space<hbm>>
      %dma_start3A_12 = tpu.memref_squeeze %dma_start3A_11 : memref<1x1x640x16xf32, #tpu.memory_space<hbm>> -> memref<640x16xf32, #tpu.memory_space<hbm>>
      %dma_start3A_13 = arith.constant 0 : i32
      %dma_start3A_14 = tpu.memref_slice %arg10[%mul3A_2, %dma_start3A_13] : memref<10240x16xf32, #tpu.memory_space<vmem_shared>> -> memref<640x16xf32, #tpu.memory_space<vmem_shared>>
      tpu.enqueue_dma source(%dma_start3A_14 : memref<640x16xf32, #tpu.memory_space<vmem_shared>>) target(%dma_start3A_12 : memref<640x16xf32, #tpu.memory_space<hbm>>) target_semaphore(%run_scoped3A_10 : memref<!tpu.dma_semaphore, #tpu.memory_space<semaphore_mem>>)
      %dma_wait3A = arith.constant 0 : i32
      %dma_wait3A_15 = tpu.memref_slice %arg6[%arg0, %run_scoped3A, %mul3A_2, %dma_wait3A] : memref<2x2x10240x16xf32, #tpu.memory_space<hbm>> -> memref<1x1x640x16xf32, #tpu.memory_space<hbm>>
      %dma_wait3A_16 = tpu.memref_squeeze %dma_wait3A_15 : memref<1x1x640x16xf32, #tpu.memory_space<hbm>> -> memref<640x16xf32, #tpu.memory_space<hbm>>
      %dma_wait3A_17 = arith.constant 0 : i32
      %dma_wait3A_18 = tpu.memref_slice %arg10[%mul3A_2, %dma_wait3A_17] : memref<10240x16xf32, #tpu.memory_space<vmem_shared>> -> memref<640x16xf32, #tpu.memory_space<vmem_shared>>
      tpu.wait_dma2 semaphore(%run_scoped3A_10 : memref<!tpu.dma_semaphore, #tpu.memory_space<semaphore_mem>>) src(%dma_wait3A_18 : memref<640x16xf32, #tpu.memory_space<vmem_shared>>) dst(%dma_wait3A_16 : memref<640x16xf32, #tpu.memory_space<hbm>>)
      tpu.yield
    }) : () -> ()
    %run_scoped3A_9 = arith.constant 1 : i32
    "tpu.region"() ({
      %run_scoped3A_10 = tpu.sem_alloc : memref<!tpu.dma_semaphore, #tpu.memory_space<semaphore_mem>>
      %dma_start3A = arith.constant 0 : i32
      %dma_start3A_11 = tpu.memref_slice %arg6[%arg0, %run_scoped3A_9, %mul3A_2, %dma_start3A] : memref<2x2x10240x16xf32, #tpu.memory_space<hbm>> -> memref<1x1x640x16xf32, #tpu.memory_space<hbm>>
      %dma_start3A_12 = tpu.memref_squeeze %dma_start3A_11 : memref<1x1x640x16xf32, #tpu.memory_space<hbm>> -> memref<640x16xf32, #tpu.memory_space<hbm>>
      %dma_start3A_13 = arith.constant 0 : i32
      %dma_start3A_14 = tpu.memref_slice %arg11[%mul3A_2, %dma_start3A_13] : memref<10240x16xf32, #tpu.memory_space<vmem_shared>> -> memref<640x16xf32, #tpu.memory_space<vmem_shared>>
      tpu.enqueue_dma source(%dma_start3A_14 : memref<640x16xf32, #tpu.memory_space<vmem_shared>>) target(%dma_start3A_12 : memref<640x16xf32, #tpu.memory_space<hbm>>) target_semaphore(%run_scoped3A_10 : memref<!tpu.dma_semaphore, #tpu.memory_space<semaphore_mem>>)
      %dma_wait3A = arith.constant 0 : i32
      %dma_wait3A_15 = tpu.memref_slice %arg6[%arg0, %run_scoped3A_9, %mul3A_2, %dma_wait3A] : memref<2x2x10240x16xf32, #tpu.memory_space<hbm>> -> memref<1x1x640x16xf32, #tpu.memory_space<hbm>>
      %dma_wait3A_16 = tpu.memref_squeeze %dma_wait3A_15 : memref<1x1x640x16xf32, #tpu.memory_space<hbm>> -> memref<640x16xf32, #tpu.memory_space<hbm>>
      %dma_wait3A_17 = arith.constant 0 : i32
      %dma_wait3A_18 = tpu.memref_slice %arg11[%mul3A_2, %dma_wait3A_17] : memref<10240x16xf32, #tpu.memory_space<vmem_shared>> -> memref<640x16xf32, #tpu.memory_space<vmem_shared>>
      tpu.wait_dma2 semaphore(%run_scoped3A_10 : memref<!tpu.dma_semaphore, #tpu.memory_space<semaphore_mem>>) src(%dma_wait3A_18 : memref<640x16xf32, #tpu.memory_space<vmem_shared>>) dst(%dma_wait3A_16 : memref<640x16xf32, #tpu.memory_space<hbm>>)
      tpu.yield
    }) : () -> ()
    return
  }
}

#map = affine_map<(d0, d1) -> (0, 0)>
#map1 = affine_map<(d0, d1) -> (0, 0, 0)>
module attributes {stable_mosaic.version = 14 : i64} {
  func.func @k(%arg0: i32, %arg1: i32, %arg2: memref<10240x128xf32, #tpu.memory_space<hbm>>, %arg3: memref<32x80x125xi32, #tpu.memory_space<hbm>>, %arg4: memref<32x80x125xi32, #tpu.memory_space<hbm>>, %arg5: memref<10240x128xf32, #tpu.memory_space<hbm>>, %arg6: memref<2x10240x128xf32, #tpu.memory_space<hbm>>, %arg7: memref<80x125xi32, #tpu.memory_space<vmem>>, %arg8: memref<125xi32, #tpu.memory_space<vmem>>, %arg9: memref<125xi32, #tpu.memory_space<vmem>>, %arg10: memref<125x128xf32, #tpu.memory_space<vmem>>, %arg11: memref<125x128xf32, #tpu.memory_space<vmem>>, %arg12: memref<!tpu.dma_semaphore, #tpu.memory_space<semaphore_mem>>, %arg13: memref<!tpu.dma_semaphore, #tpu.memory_space<semaphore_mem>>, %arg14: memref<!tpu.dma_semaphore, #tpu.memory_space<semaphore_mem>>, %arg15: memref<!tpu.dma_semaphore, #tpu.memory_space<semaphore_mem>>, %arg16: memref<!tpu.dma_semaphore, #tpu.memory_space<semaphore_mem>>, %arg17: memref<!tpu.dma_semaphore, #tpu.memory_space<semaphore_mem>>, %arg18: memref<10240x128xf32, #tpu.memory_space<vmem_shared>>) attributes {dimension_semantics = [#tpu.dimension_semantics<core_parallel>, #tpu.dimension_semantics<subcore_parallel>], iteration_bounds = array<i64: 2, 16>, scalar_prefetch = 0 : i64, scratch_operands = 12 : i64, tpu.core_type = #tpu.core_type<sc_vector_subcore>, window_params = [{transform_indices = #map}, {transform_indices = #map1}, {transform_indices = #map1}, {transform_indices = #map}, {transform_indices = #map1}]} {
    %mul3A = arith.constant 16 : i32
    %mul3A_0 = arith.muli %arg0, %mul3A : i32
    %add3A = arith.addi %mul3A_0, %arg1 : i32
    %mul3A_1 = arith.constant 640 : i32
    %mul3A_2 = arith.muli %arg1, %mul3A_1 : i32
    "tpu.region"() ({
      %run_scoped3A_41 = tpu.sem_alloc : memref<!tpu.dma_semaphore, #tpu.memory_space<semaphore_mem>>
      %dma_start3A_42 = arith.constant 0 : i32
      %dma_start3A_43 = tpu.memref_slice %arg18[%mul3A_2, %dma_start3A_42] : memref<10240x128xf32, #tpu.memory_space<vmem_shared>> -> memref<640x128xf32, #tpu.memory_space<vmem_shared>>
      %dma_start3A_44 = arith.constant 0 : i32
      %dma_start3A_45 = tpu.memref_slice %arg5[%mul3A_2, %dma_start3A_44] : memref<10240x128xf32, #tpu.memory_space<hbm>> -> memref<640x128xf32, #tpu.memory_space<hbm>>
      tpu.enqueue_dma source(%dma_start3A_45 : memref<640x128xf32, #tpu.memory_space<hbm>>) target(%dma_start3A_43 : memref<640x128xf32, #tpu.memory_space<vmem_shared>>) target_semaphore(%run_scoped3A_41 : memref<!tpu.dma_semaphore, #tpu.memory_space<semaphore_mem>>)
      %dma_wait3A_46 = arith.constant 0 : i32
      %dma_wait3A_47 = tpu.memref_slice %arg18[%mul3A_2, %dma_wait3A_46] : memref<10240x128xf32, #tpu.memory_space<vmem_shared>> -> memref<640x128xf32, #tpu.memory_space<vmem_shared>>
      %dma_wait3A_48 = arith.constant 0 : i32
      %dma_wait3A_49 = tpu.memref_slice %arg5[%mul3A_2, %dma_wait3A_48] : memref<10240x128xf32, #tpu.memory_space<hbm>> -> memref<640x128xf32, #tpu.memory_space<hbm>>
      tpu.wait_dma2 semaphore(%run_scoped3A_41 : memref<!tpu.dma_semaphore, #tpu.memory_space<semaphore_mem>>) src(%dma_wait3A_49 : memref<640x128xf32, #tpu.memory_space<hbm>>) dst(%dma_wait3A_47 : memref<640x128xf32, #tpu.memory_space<vmem_shared>>)
      tpu.yield
    }) : () -> ()
    "tpu.region"() ({
      %run_scoped3A_41 = tpu.sem_alloc : memref<!tpu.dma_semaphore, #tpu.memory_space<semaphore_mem>>
      %dma_start3A_42 = arith.constant 0 : i32
      %dma_start3A_43 = arith.constant 0 : i32
      %dma_start3A_44 = tpu.memref_slice %arg3[%add3A, %dma_start3A_42, %dma_start3A_43] : memref<32x80x125xi32, #tpu.memory_space<hbm>> -> memref<1x80x125xi32, #tpu.memory_space<hbm>>
      %dma_start3A_45 = tpu.memref_squeeze %dma_start3A_44 : memref<1x80x125xi32, #tpu.memory_space<hbm>> -> memref<80x125xi32, #tpu.memory_space<hbm>>
      %dma_start3A_46 = arith.constant 0 : i32
      %dma_start3A_47 = arith.constant 0 : i32
      %dma_start3A_48 = tpu.memref_slice %arg3[%add3A, %dma_start3A_46, %dma_start3A_47] : memref<32x80x125xi32, #tpu.memory_space<hbm>> -> memref<1x80x125xi32, #tpu.memory_space<hbm>>
      %dma_start3A_49 = tpu.memref_squeeze %dma_start3A_48 : memref<1x80x125xi32, #tpu.memory_space<hbm>> -> memref<80x125xi32, #tpu.memory_space<hbm>>
      tpu.enqueue_dma source(%dma_start3A_49 : memref<80x125xi32, #tpu.memory_space<hbm>>) target(%arg7 : memref<80x125xi32, #tpu.memory_space<vmem>>) target_semaphore(%run_scoped3A_41 : memref<!tpu.dma_semaphore, #tpu.memory_space<semaphore_mem>>)
      %dma_wait3A_50 = arith.constant 0 : i32
      %dma_wait3A_51 = arith.constant 0 : i32
      %dma_wait3A_52 = tpu.memref_slice %arg3[%add3A, %dma_wait3A_50, %dma_wait3A_51] : memref<32x80x125xi32, #tpu.memory_space<hbm>> -> memref<1x80x125xi32, #tpu.memory_space<hbm>>
      %dma_wait3A_53 = tpu.memref_squeeze %dma_wait3A_52 : memref<1x80x125xi32, #tpu.memory_space<hbm>> -> memref<80x125xi32, #tpu.memory_space<hbm>>
      %dma_wait3A_54 = arith.constant 0 : i32
      %dma_wait3A_55 = arith.constant 0 : i32
      %dma_wait3A_56 = tpu.memref_slice %arg3[%add3A, %dma_wait3A_54, %dma_wait3A_55] : memref<32x80x125xi32, #tpu.memory_space<hbm>> -> memref<1x80x125xi32, #tpu.memory_space<hbm>>
      %dma_wait3A_57 = tpu.memref_squeeze %dma_wait3A_56 : memref<1x80x125xi32, #tpu.memory_space<hbm>> -> memref<80x125xi32, #tpu.memory_space<hbm>>
      tpu.wait_dma2 semaphore(%run_scoped3A_41 : memref<!tpu.dma_semaphore, #tpu.memory_space<semaphore_mem>>) src(%dma_wait3A_57 : memref<80x125xi32, #tpu.memory_space<hbm>>) dst(%arg7 : memref<80x125xi32, #tpu.memory_space<vmem>>)
      tpu.yield
    }) : () -> ()
    %run_scoped3A = arith.constant 79 : i32
    "tpu.region"() ({
      %run_scoped3A_41 = tpu.sem_alloc : memref<!tpu.dma_semaphore, #tpu.memory_space<semaphore_mem>>
      %dma_start3A_42 = arith.constant 0 : i32
      %dma_start3A_43 = tpu.memref_slice %arg4[%add3A, %run_scoped3A, %dma_start3A_42] : memref<32x80x125xi32, #tpu.memory_space<hbm>> -> memref<1x1x125xi32, #tpu.memory_space<hbm>>
      %dma_start3A_44 = tpu.memref_squeeze %dma_start3A_43 : memref<1x1x125xi32, #tpu.memory_space<hbm>> -> memref<125xi32, #tpu.memory_space<hbm>>
      %dma_start3A_45 = arith.constant 0 : i32
      %dma_start3A_46 = tpu.memref_slice %arg4[%add3A, %run_scoped3A, %dma_start3A_45] : memref<32x80x125xi32, #tpu.memory_space<hbm>> -> memref<1x1x125xi32, #tpu.memory_space<hbm>>
      %dma_start3A_47 = tpu.memref_squeeze %dma_start3A_46 : memref<1x1x125xi32, #tpu.memory_space<hbm>> -> memref<125xi32, #tpu.memory_space<hbm>>
      tpu.enqueue_dma source(%dma_start3A_47 : memref<125xi32, #tpu.memory_space<hbm>>) target(%arg9 : memref<125xi32, #tpu.memory_space<vmem>>) target_semaphore(%run_scoped3A_41 : memref<!tpu.dma_semaphore, #tpu.memory_space<semaphore_mem>>)
      %dma_wait3A_48 = arith.constant 0 : i32
      %dma_wait3A_49 = tpu.memref_slice %arg4[%add3A, %run_scoped3A, %dma_wait3A_48] : memref<32x80x125xi32, #tpu.memory_space<hbm>> -> memref<1x1x125xi32, #tpu.memory_space<hbm>>
      %dma_wait3A_50 = tpu.memref_squeeze %dma_wait3A_49 : memref<1x1x125xi32, #tpu.memory_space<hbm>> -> memref<125xi32, #tpu.memory_space<hbm>>
      %dma_wait3A_51 = arith.constant 0 : i32
      %dma_wait3A_52 = tpu.memref_slice %arg4[%add3A, %run_scoped3A, %dma_wait3A_51] : memref<32x80x125xi32, #tpu.memory_space<hbm>> -> memref<1x1x125xi32, #tpu.memory_space<hbm>>
      %dma_wait3A_53 = tpu.memref_squeeze %dma_wait3A_52 : memref<1x1x125xi32, #tpu.memory_space<hbm>> -> memref<125xi32, #tpu.memory_space<hbm>>
      tpu.wait_dma2 semaphore(%run_scoped3A_41 : memref<!tpu.dma_semaphore, #tpu.memory_space<semaphore_mem>>) src(%dma_wait3A_53 : memref<125xi32, #tpu.memory_space<hbm>>) dst(%arg9 : memref<125xi32, #tpu.memory_space<vmem>>)
      tpu.yield
    }) : () -> ()
    "tpu.region"() ({
      %run_scoped3A_41 = tpu.sem_alloc : memref<!tpu.dma_semaphore, #tpu.memory_space<semaphore_mem>>
      %dma_start3A_42 = arith.constant 0 : i32
      %dma_start3A_43 = arith.constant 0 : i32
      %dma_start3A_44 = tpu.memref_slice %arg5[%dma_start3A_42, %dma_start3A_43] : memref<10240x128xf32, #tpu.memory_space<hbm>> -> memref<125x128xf32, #tpu.memory_space<hbm>>
      %dma_start3A_45 = arith.constant 0 : i32
      %dma_start3A_46 = arith.constant 0 : i32
      %dma_start3A_47 = tpu.memref_slice %arg5[%dma_start3A_45, %dma_start3A_46] : memref<10240x128xf32, #tpu.memory_space<hbm>> -> memref<125x128xf32, #tpu.memory_space<hbm>>
      tpu.enqueue_dma source(%dma_start3A_47 : memref<125x128xf32, #tpu.memory_space<hbm>>) target(%arg11 : memref<125x128xf32, #tpu.memory_space<vmem>>) target_semaphore(%run_scoped3A_41 : memref<!tpu.dma_semaphore, #tpu.memory_space<semaphore_mem>>)
      %dma_wait3A_48 = arith.constant 0 : i32
      %dma_wait3A_49 = arith.constant 0 : i32
      %dma_wait3A_50 = tpu.memref_slice %arg5[%dma_wait3A_48, %dma_wait3A_49] : memref<10240x128xf32, #tpu.memory_space<hbm>> -> memref<125x128xf32, #tpu.memory_space<hbm>>
      %dma_wait3A_51 = arith.constant 0 : i32
      %dma_wait3A_52 = arith.constant 0 : i32
      %dma_wait3A_53 = tpu.memref_slice %arg5[%dma_wait3A_51, %dma_wait3A_52] : memref<10240x128xf32, #tpu.memory_space<hbm>> -> memref<125x128xf32, #tpu.memory_space<hbm>>
      tpu.wait_dma2 semaphore(%run_scoped3A_41 : memref<!tpu.dma_semaphore, #tpu.memory_space<semaphore_mem>>) src(%dma_wait3A_53 : memref<125x128xf32, #tpu.memory_space<hbm>>) dst(%arg11 : memref<125x128xf32, #tpu.memory_space<vmem>>)
      tpu.yield
    }) : () -> ()
    %barrier3A = arith.constant 0 : index
    tpu.barrier barrier_id(%barrier3A)
    %dma_start3A = arith.constant 0 : i32
    %dma_start3A_3 = arith.constant 0 : i32
    %dma_start3A_4 = tpu.memref_slice %arg7[%dma_start3A, %dma_start3A_3] : memref<80x125xi32, #tpu.memory_space<vmem>> -> memref<1x125xi32, #tpu.memory_space<vmem>>
    %dma_start3A_5 = tpu.memref_squeeze %dma_start3A_4 : memref<1x125xi32, #tpu.memory_space<vmem>> -> memref<125xi32, #tpu.memory_space<vmem>>
    %dma_start3A_6 = arith.constant 0 : i32
    %dma_start3A_7 = arith.constant 0 : i32
    %dma_start3A_8 = tpu.memref_slice %arg2[%dma_start3A_6, %dma_start3A_7] : memref<10240x128xf32, #tpu.memory_space<hbm>> -> memref<10240x128xf32, #tpu.memory_space<hbm>>
    tpu.enqueue_indirect_dma source(%dma_start3A_8 : memref<10240x128xf32, #tpu.memory_space<hbm>>) target(%arg10 : memref<125x128xf32, #tpu.memory_space<vmem>>) offsets(%dma_start3A_5 : memref<125xi32, #tpu.memory_space<vmem>>) semaphore(%arg12 : memref<!tpu.dma_semaphore, #tpu.memory_space<semaphore_mem>>)
    %dma_start3A_9 = arith.constant 0 : i32
    %dma_start3A_10 = arith.constant 0 : i32
    %dma_start3A_11 = tpu.memref_slice %arg18[%dma_start3A_9, %dma_start3A_10] : memref<10240x128xf32, #tpu.memory_space<vmem_shared>> -> memref<10240x128xf32, #tpu.memory_space<vmem_shared>>
    tpu.enqueue_indirect_dma source(%arg11 : memref<125x128xf32, #tpu.memory_space<vmem>>) target(%dma_start3A_11 : memref<10240x128xf32, #tpu.memory_space<vmem_shared>>) offsets(%arg9 : memref<125xi32, #tpu.memory_space<vmem>>) semaphore(%arg15 : memref<!tpu.dma_semaphore, #tpu.memory_space<semaphore_mem>>) {add = true}
    %dma_start3A_12 = arith.constant 0 : i32
    %dma_start3A_13 = arith.constant 0 : i32
    %dma_start3A_14 = tpu.memref_slice %arg4[%add3A, %dma_start3A_12, %dma_start3A_13] : memref<32x80x125xi32, #tpu.memory_space<hbm>> -> memref<1x1x125xi32, #tpu.memory_space<hbm>>
    %dma_start3A_15 = tpu.memref_squeeze %dma_start3A_14 : memref<1x1x125xi32, #tpu.memory_space<hbm>> -> memref<125xi32, #tpu.memory_space<hbm>>
    %dma_start3A_16 = arith.constant 0 : i32
    %dma_start3A_17 = tpu.memref_slice %arg4[%add3A, %dma_start3A_12, %dma_start3A_16] : memref<32x80x125xi32, #tpu.memory_space<hbm>> -> memref<1x1x125xi32, #tpu.memory_space<hbm>>
    %dma_start3A_18 = tpu.memref_squeeze %dma_start3A_17 : memref<1x1x125xi32, #tpu.memory_space<hbm>> -> memref<125xi32, #tpu.memory_space<hbm>>
    tpu.enqueue_dma source(%dma_start3A_18 : memref<125xi32, #tpu.memory_space<hbm>>) target(%arg8 : memref<125xi32, #tpu.memory_space<vmem>>) target_semaphore(%arg16 : memref<!tpu.dma_semaphore, #tpu.memory_space<semaphore_mem>>)
    %scan3A = arith.constant 0 : i32
    %scan3A_19 = arith.constant 0 : i32
    %scan3A_20 = arith.constant 40 : i32
    %scan3A_21 = arith.addi %scan3A_19, %scan3A_20 : i32
    %scan3A_22 = arith.constant 1 : i32
    scf.for %scan3A_41 = %scan3A_19 to %scan3A_21 step %scan3A_22  : i32 {
      %mul3A_42 = arith.constant 2 : i32
      %mul3A_43 = arith.muli %mul3A_42, %scan3A_41 : i32
      %dma_wait3A_44 = arith.constant 0 : i32
      %dma_wait3A_45 = tpu.memref_slice %arg7[%mul3A_43, %dma_wait3A_44] : memref<80x125xi32, #tpu.memory_space<vmem>> -> memref<1x125xi32, #tpu.memory_space<vmem>>
      %dma_wait3A_46 = tpu.memref_squeeze %dma_wait3A_45 : memref<1x125xi32, #tpu.memory_space<vmem>> -> memref<125xi32, #tpu.memory_space<vmem>>
      %dma_wait3A_47 = arith.constant 0 : i32
      %dma_wait3A_48 = arith.constant 0 : i32
      %dma_wait3A_49 = tpu.memref_slice %arg2[%dma_wait3A_47, %dma_wait3A_48] : memref<10240x128xf32, #tpu.memory_space<hbm>> -> memref<10240x128xf32, #tpu.memory_space<hbm>>
      tpu.wait_indirect_dma semaphore(%arg12 : memref<!tpu.dma_semaphore, #tpu.memory_space<semaphore_mem>>) src(%dma_wait3A_49 : memref<10240x128xf32, #tpu.memory_space<hbm>>) dst(%arg10 : memref<125x128xf32, #tpu.memory_space<vmem>>)
      %dma_wait3A_50 = arith.constant 0 : i32
      %dma_wait3A_51 = arith.constant 0 : i32
      %dma_wait3A_52 = tpu.memref_slice %arg18[%dma_wait3A_50, %dma_wait3A_51] : memref<10240x128xf32, #tpu.memory_space<vmem_shared>> -> memref<10240x128xf32, #tpu.memory_space<vmem_shared>>
      tpu.wait_indirect_dma semaphore(%arg15 : memref<!tpu.dma_semaphore, #tpu.memory_space<semaphore_mem>>) src(%arg11 : memref<125x128xf32, #tpu.memory_space<vmem>>) dst(%dma_wait3A_52 : memref<10240x128xf32, #tpu.memory_space<vmem_shared>>)
      %add3A_53 = arith.constant 1 : i32
      %add3A_54 = arith.addi %mul3A_43, %add3A_53 : i32
      %dma_start3A_55 = arith.constant 0 : i32
      %dma_start3A_56 = tpu.memref_slice %arg7[%add3A_54, %dma_start3A_55] : memref<80x125xi32, #tpu.memory_space<vmem>> -> memref<1x125xi32, #tpu.memory_space<vmem>>
      %dma_start3A_57 = tpu.memref_squeeze %dma_start3A_56 : memref<1x125xi32, #tpu.memory_space<vmem>> -> memref<125xi32, #tpu.memory_space<vmem>>
      %dma_start3A_58 = arith.constant 0 : i32
      %dma_start3A_59 = arith.constant 0 : i32
      %dma_start3A_60 = tpu.memref_slice %arg2[%dma_start3A_58, %dma_start3A_59] : memref<10240x128xf32, #tpu.memory_space<hbm>> -> memref<10240x128xf32, #tpu.memory_space<hbm>>
      tpu.enqueue_indirect_dma source(%dma_start3A_60 : memref<10240x128xf32, #tpu.memory_space<hbm>>) target(%arg11 : memref<125x128xf32, #tpu.memory_space<vmem>>) offsets(%dma_start3A_57 : memref<125xi32, #tpu.memory_space<vmem>>) semaphore(%arg13 : memref<!tpu.dma_semaphore, #tpu.memory_space<semaphore_mem>>)
      %dma_wait3A_61 = arith.constant 0 : i32
      %dma_wait3A_62 = arith.constant 0 : i32
      %dma_wait3A_63 = tpu.memref_slice %arg4[%add3A, %dma_wait3A_61, %dma_wait3A_62] : memref<32x80x125xi32, #tpu.memory_space<hbm>> -> memref<1x1x125xi32, #tpu.memory_space<hbm>>
      %dma_wait3A_64 = tpu.memref_squeeze %dma_wait3A_63 : memref<1x1x125xi32, #tpu.memory_space<hbm>> -> memref<125xi32, #tpu.memory_space<hbm>>
      %dma_wait3A_65 = arith.constant 0 : i32
      %dma_wait3A_66 = tpu.memref_slice %arg4[%add3A, %dma_wait3A_61, %dma_wait3A_65] : memref<32x80x125xi32, #tpu.memory_space<hbm>> -> memref<1x1x125xi32, #tpu.memory_space<hbm>>
      %dma_wait3A_67 = tpu.memref_squeeze %dma_wait3A_66 : memref<1x1x125xi32, #tpu.memory_space<hbm>> -> memref<125xi32, #tpu.memory_space<hbm>>
      tpu.wait_dma2 semaphore(%arg16 : memref<!tpu.dma_semaphore, #tpu.memory_space<semaphore_mem>>) src(%dma_wait3A_67 : memref<125xi32, #tpu.memory_space<hbm>>) dst(%arg8 : memref<125xi32, #tpu.memory_space<vmem>>)
      %dma_start3A_68 = arith.constant 0 : i32
      %dma_start3A_69 = arith.constant 0 : i32
      %dma_start3A_70 = tpu.memref_slice %arg18[%dma_start3A_68, %dma_start3A_69] : memref<10240x128xf32, #tpu.memory_space<vmem_shared>> -> memref<10240x128xf32, #tpu.memory_space<vmem_shared>>
      tpu.enqueue_indirect_dma source(%arg10 : memref<125x128xf32, #tpu.memory_space<vmem>>) target(%dma_start3A_70 : memref<10240x128xf32, #tpu.memory_space<vmem_shared>>) offsets(%arg8 : memref<125xi32, #tpu.memory_space<vmem>>) semaphore(%arg14 : memref<!tpu.dma_semaphore, #tpu.memory_space<semaphore_mem>>) {add = true}
      %add3A_71 = arith.constant 1 : i32
      %add3A_72 = arith.addi %mul3A_43, %add3A_71 : i32
      %dma_start3A_73 = arith.constant 0 : i32
      %dma_start3A_74 = tpu.memref_slice %arg4[%add3A, %add3A_72, %dma_start3A_73] : memref<32x80x125xi32, #tpu.memory_space<hbm>> -> memref<1x1x125xi32, #tpu.memory_space<hbm>>
      %dma_start3A_75 = tpu.memref_squeeze %dma_start3A_74 : memref<1x1x125xi32, #tpu.memory_space<hbm>> -> memref<125xi32, #tpu.memory_space<hbm>>
      %dma_start3A_76 = arith.constant 0 : i32
      %dma_start3A_77 = tpu.memref_slice %arg4[%add3A, %add3A_72, %dma_start3A_76] : memref<32x80x125xi32, #tpu.memory_space<hbm>> -> memref<1x1x125xi32, #tpu.memory_space<hbm>>
      %dma_start3A_78 = tpu.memref_squeeze %dma_start3A_77 : memref<1x1x125xi32, #tpu.memory_space<hbm>> -> memref<125xi32, #tpu.memory_space<hbm>>
      tpu.enqueue_dma source(%dma_start3A_78 : memref<125xi32, #tpu.memory_space<hbm>>) target(%arg9 : memref<125xi32, #tpu.memory_space<vmem>>) target_semaphore(%arg17 : memref<!tpu.dma_semaphore, #tpu.memory_space<semaphore_mem>>)
      %add3A_79 = arith.constant 1 : i32
      %add3A_80 = arith.addi %mul3A_43, %add3A_79 : i32
      %dma_wait3A_81 = arith.constant 0 : i32
      %dma_wait3A_82 = tpu.memref_slice %arg7[%add3A_80, %dma_wait3A_81] : memref<80x125xi32, #tpu.memory_space<vmem>> -> memref<1x125xi32, #tpu.memory_space<vmem>>
      %dma_wait3A_83 = tpu.memref_squeeze %dma_wait3A_82 : memref<1x125xi32, #tpu.memory_space<vmem>> -> memref<125xi32, #tpu.memory_space<vmem>>
      %dma_wait3A_84 = arith.constant 0 : i32
      %dma_wait3A_85 = arith.constant 0 : i32
      %dma_wait3A_86 = tpu.memref_slice %arg2[%dma_wait3A_84, %dma_wait3A_85] : memref<10240x128xf32, #tpu.memory_space<hbm>> -> memref<10240x128xf32, #tpu.memory_space<hbm>>
      tpu.wait_indirect_dma semaphore(%arg13 : memref<!tpu.dma_semaphore, #tpu.memory_space<semaphore_mem>>) src(%dma_wait3A_86 : memref<10240x128xf32, #tpu.memory_space<hbm>>) dst(%arg11 : memref<125x128xf32, #tpu.memory_space<vmem>>)
      %dma_wait3A_87 = arith.constant 0 : i32
      %dma_wait3A_88 = arith.constant 0 : i32
      %dma_wait3A_89 = tpu.memref_slice %arg18[%dma_wait3A_87, %dma_wait3A_88] : memref<10240x128xf32, #tpu.memory_space<vmem_shared>> -> memref<10240x128xf32, #tpu.memory_space<vmem_shared>>
      tpu.wait_indirect_dma semaphore(%arg14 : memref<!tpu.dma_semaphore, #tpu.memory_space<semaphore_mem>>) src(%arg10 : memref<125x128xf32, #tpu.memory_space<vmem>>) dst(%dma_wait3A_89 : memref<10240x128xf32, #tpu.memory_space<vmem_shared>>)
      %add3A_90 = arith.constant 2 : i32
      %add3A_91 = arith.addi %mul3A_43, %add3A_90 : i32
      %lt3A = arith.constant 80 : i32
      %lt3A_92 = arith.cmpi slt, %add3A_91, %lt3A : i32
      %add3A_93 = arith.constant 2 : i32
      %add3A_94 = arith.addi %mul3A_43, %add3A_93 : i32
      %jit3A = arith.constant 0 : i32
      %select_n3A = arith.select %lt3A_92, %add3A_94, %jit3A : i32
      %dma_start3A_95 = arith.constant 0 : i32
      %dma_start3A_96 = tpu.memref_slice %arg7[%select_n3A, %dma_start3A_95] : memref<80x125xi32, #tpu.memory_space<vmem>> -> memref<1x125xi32, #tpu.memory_space<vmem>>
      %dma_start3A_97 = tpu.memref_squeeze %dma_start3A_96 : memref<1x125xi32, #tpu.memory_space<vmem>> -> memref<125xi32, #tpu.memory_space<vmem>>
      %dma_start3A_98 = arith.constant 0 : i32
      %dma_start3A_99 = arith.constant 0 : i32
      %dma_start3A_100 = tpu.memref_slice %arg2[%dma_start3A_98, %dma_start3A_99] : memref<10240x128xf32, #tpu.memory_space<hbm>> -> memref<10240x128xf32, #tpu.memory_space<hbm>>
      tpu.enqueue_indirect_dma source(%dma_start3A_100 : memref<10240x128xf32, #tpu.memory_space<hbm>>) target(%arg10 : memref<125x128xf32, #tpu.memory_space<vmem>>) offsets(%dma_start3A_97 : memref<125xi32, #tpu.memory_space<vmem>>) semaphore(%arg12 : memref<!tpu.dma_semaphore, #tpu.memory_space<semaphore_mem>>)
      %dma_wait3A_101 = arith.constant 0 : i32
      %dma_wait3A_102 = arith.constant 0 : i32
      %dma_wait3A_103 = tpu.memref_slice %arg4[%add3A, %dma_wait3A_101, %dma_wait3A_102] : memref<32x80x125xi32, #tpu.memory_space<hbm>> -> memref<1x1x125xi32, #tpu.memory_space<hbm>>
      %dma_wait3A_104 = tpu.memref_squeeze %dma_wait3A_103 : memref<1x1x125xi32, #tpu.memory_space<hbm>> -> memref<125xi32, #tpu.memory_space<hbm>>
      %dma_wait3A_105 = arith.constant 0 : i32
      %dma_wait3A_106 = tpu.memref_slice %arg4[%add3A, %dma_wait3A_101, %dma_wait3A_105] : memref<32x80x125xi32, #tpu.memory_space<hbm>> -> memref<1x1x125xi32, #tpu.memory_space<hbm>>
      %dma_wait3A_107 = tpu.memref_squeeze %dma_wait3A_106 : memref<1x1x125xi32, #tpu.memory_space<hbm>> -> memref<125xi32, #tpu.memory_space<hbm>>
      tpu.wait_dma2 semaphore(%arg17 : memref<!tpu.dma_semaphore, #tpu.memory_space<semaphore_mem>>) src(%dma_wait3A_107 : memref<125xi32, #tpu.memory_space<hbm>>) dst(%arg9 : memref<125xi32, #tpu.memory_space<vmem>>)
      %dma_start3A_108 = arith.constant 0 : i32
      %dma_start3A_109 = arith.constant 0 : i32
      %dma_start3A_110 = tpu.memref_slice %arg18[%dma_start3A_108, %dma_start3A_109] : memref<10240x128xf32, #tpu.memory_space<vmem_shared>> -> memref<10240x128xf32, #tpu.memory_space<vmem_shared>>
      tpu.enqueue_indirect_dma source(%arg11 : memref<125x128xf32, #tpu.memory_space<vmem>>) target(%dma_start3A_110 : memref<10240x128xf32, #tpu.memory_space<vmem_shared>>) offsets(%arg9 : memref<125xi32, #tpu.memory_space<vmem>>) semaphore(%arg15 : memref<!tpu.dma_semaphore, #tpu.memory_space<semaphore_mem>>) {add = true}
      %dma_start3A_111 = arith.constant 0 : i32
      %dma_start3A_112 = tpu.memref_slice %arg4[%add3A, %select_n3A, %dma_start3A_111] : memref<32x80x125xi32, #tpu.memory_space<hbm>> -> memref<1x1x125xi32, #tpu.memory_space<hbm>>
      %dma_start3A_113 = tpu.memref_squeeze %dma_start3A_112 : memref<1x1x125xi32, #tpu.memory_space<hbm>> -> memref<125xi32, #tpu.memory_space<hbm>>
      %dma_start3A_114 = arith.constant 0 : i32
      %dma_start3A_115 = tpu.memref_slice %arg4[%add3A, %select_n3A, %dma_start3A_114] : memref<32x80x125xi32, #tpu.memory_space<hbm>> -> memref<1x1x125xi32, #tpu.memory_space<hbm>>
      %dma_start3A_116 = tpu.memref_squeeze %dma_start3A_115 : memref<1x1x125xi32, #tpu.memory_space<hbm>> -> memref<125xi32, #tpu.memory_space<hbm>>
      tpu.enqueue_dma source(%dma_start3A_116 : memref<125xi32, #tpu.memory_space<hbm>>) target(%arg8 : memref<125xi32, #tpu.memory_space<vmem>>) target_semaphore(%arg16 : memref<!tpu.dma_semaphore, #tpu.memory_space<semaphore_mem>>)
    }
    %scan3A_23 = arith.constant 40 : i32
    %dma_wait3A = arith.constant 0 : i32
    %dma_wait3A_24 = arith.constant 0 : i32
    %dma_wait3A_25 = tpu.memref_slice %arg7[%dma_wait3A, %dma_wait3A_24] : memref<80x125xi32, #tpu.memory_space<vmem>> -> memref<1x125xi32, #tpu.memory_space<vmem>>
    %dma_wait3A_26 = tpu.memref_squeeze %dma_wait3A_25 : memref<1x125xi32, #tpu.memory_space<vmem>> -> memref<125xi32, #tpu.memory_space<vmem>>
    %dma_wait3A_27 = arith.constant 0 : i32
    %dma_wait3A_28 = arith.constant 0 : i32
    %dma_wait3A_29 = tpu.memref_slice %arg2[%dma_wait3A_27, %dma_wait3A_28] : memref<10240x128xf32, #tpu.memory_space<hbm>> -> memref<10240x128xf32, #tpu.memory_space<hbm>>
    tpu.wait_indirect_dma semaphore(%arg12 : memref<!tpu.dma_semaphore, #tpu.memory_space<semaphore_mem>>) src(%dma_wait3A_29 : memref<10240x128xf32, #tpu.memory_space<hbm>>) dst(%arg10 : memref<125x128xf32, #tpu.memory_space<vmem>>)
    %dma_wait3A_30 = arith.constant 0 : i32
    %dma_wait3A_31 = arith.constant 0 : i32
    %dma_wait3A_32 = tpu.memref_slice %arg18[%dma_wait3A_30, %dma_wait3A_31] : memref<10240x128xf32, #tpu.memory_space<vmem_shared>> -> memref<10240x128xf32, #tpu.memory_space<vmem_shared>>
    tpu.wait_indirect_dma semaphore(%arg15 : memref<!tpu.dma_semaphore, #tpu.memory_space<semaphore_mem>>) src(%arg11 : memref<125x128xf32, #tpu.memory_space<vmem>>) dst(%dma_wait3A_32 : memref<10240x128xf32, #tpu.memory_space<vmem_shared>>)
    %dma_wait3A_33 = arith.constant 0 : i32
    %dma_wait3A_34 = arith.constant 0 : i32
    %dma_wait3A_35 = tpu.memref_slice %arg4[%add3A, %dma_wait3A_33, %dma_wait3A_34] : memref<32x80x125xi32, #tpu.memory_space<hbm>> -> memref<1x1x125xi32, #tpu.memory_space<hbm>>
    %dma_wait3A_36 = tpu.memref_squeeze %dma_wait3A_35 : memref<1x1x125xi32, #tpu.memory_space<hbm>> -> memref<125xi32, #tpu.memory_space<hbm>>
    %dma_wait3A_37 = arith.constant 0 : i32
    %dma_wait3A_38 = tpu.memref_slice %arg4[%add3A, %dma_wait3A_33, %dma_wait3A_37] : memref<32x80x125xi32, #tpu.memory_space<hbm>> -> memref<1x1x125xi32, #tpu.memory_space<hbm>>
    %dma_wait3A_39 = tpu.memref_squeeze %dma_wait3A_38 : memref<1x1x125xi32, #tpu.memory_space<hbm>> -> memref<125xi32, #tpu.memory_space<hbm>>
    tpu.wait_dma2 semaphore(%arg16 : memref<!tpu.dma_semaphore, #tpu.memory_space<semaphore_mem>>) src(%dma_wait3A_39 : memref<125xi32, #tpu.memory_space<hbm>>) dst(%arg8 : memref<125xi32, #tpu.memory_space<vmem>>)
    %barrier3A_40 = arith.constant 0 : index
    tpu.barrier barrier_id(%barrier3A_40)
    "tpu.region"() ({
      %run_scoped3A_41 = tpu.sem_alloc : memref<!tpu.dma_semaphore, #tpu.memory_space<semaphore_mem>>
      %dma_start3A_42 = arith.constant 0 : i32
      %dma_start3A_43 = tpu.memref_slice %arg6[%arg0, %mul3A_2, %dma_start3A_42] : memref<2x10240x128xf32, #tpu.memory_space<hbm>> -> memref<1x640x128xf32, #tpu.memory_space<hbm>>
      %dma_start3A_44 = tpu.memref_squeeze %dma_start3A_43 : memref<1x640x128xf32, #tpu.memory_space<hbm>> -> memref<640x128xf32, #tpu.memory_space<hbm>>
      %dma_start3A_45 = arith.constant 0 : i32
      %dma_start3A_46 = tpu.memref_slice %arg18[%mul3A_2, %dma_start3A_45] : memref<10240x128xf32, #tpu.memory_space<vmem_shared>> -> memref<640x128xf32, #tpu.memory_space<vmem_shared>>
      tpu.enqueue_dma source(%dma_start3A_46 : memref<640x128xf32, #tpu.memory_space<vmem_shared>>) target(%dma_start3A_44 : memref<640x128xf32, #tpu.memory_space<hbm>>) target_semaphore(%run_scoped3A_41 : memref<!tpu.dma_semaphore, #tpu.memory_space<semaphore_mem>>)
      %dma_wait3A_47 = arith.constant 0 : i32
      %dma_wait3A_48 = tpu.memref_slice %arg6[%arg0, %mul3A_2, %dma_wait3A_47] : memref<2x10240x128xf32, #tpu.memory_space<hbm>> -> memref<1x640x128xf32, #tpu.memory_space<hbm>>
      %dma_wait3A_49 = tpu.memref_squeeze %dma_wait3A_48 : memref<1x640x128xf32, #tpu.memory_space<hbm>> -> memref<640x128xf32, #tpu.memory_space<hbm>>
      %dma_wait3A_50 = arith.constant 0 : i32
      %dma_wait3A_51 = tpu.memref_slice %arg18[%mul3A_2, %dma_wait3A_50] : memref<10240x128xf32, #tpu.memory_space<vmem_shared>> -> memref<640x128xf32, #tpu.memory_space<vmem_shared>>
      tpu.wait_dma2 semaphore(%run_scoped3A_41 : memref<!tpu.dma_semaphore, #tpu.memory_space<semaphore_mem>>) src(%dma_wait3A_51 : memref<640x128xf32, #tpu.memory_space<vmem_shared>>) dst(%dma_wait3A_49 : memref<640x128xf32, #tpu.memory_space<hbm>>)
      tpu.yield
    }) : () -> ()
    return
  }
}

#map = affine_map<(d0, d1) -> (0, 0)>
#map1 = affine_map<(d0, d1) -> (0, 0, 0)>
module attributes {stable_mosaic.version = 14 : i64} {
  func.func @k(%arg0: i32, %arg1: i32, %arg2: memref<10240x48xf32, #tpu.memory_space<hbm>>, %arg3: memref<32x80x125xi32, #tpu.memory_space<hbm>>, %arg4: memref<32x80x125xi32, #tpu.memory_space<hbm>>, %arg5: memref<10240x48xf32, #tpu.memory_space<hbm>>, %arg6: memref<2x10240x48xf32, #tpu.memory_space<hbm>>, %arg7: memref<80x125xi32, #tpu.memory_space<vmem>>, %arg8: memref<125xi32, #tpu.memory_space<vmem>>, %arg9: memref<125xi32, #tpu.memory_space<vmem>>, %arg10: memref<125x48xf32, #tpu.memory_space<vmem>>, %arg11: memref<125x48xf32, #tpu.memory_space<vmem>>, %arg12: memref<!tpu.dma_semaphore, #tpu.memory_space<semaphore_mem>>, %arg13: memref<!tpu.dma_semaphore, #tpu.memory_space<semaphore_mem>>, %arg14: memref<!tpu.dma_semaphore, #tpu.memory_space<semaphore_mem>>, %arg15: memref<!tpu.dma_semaphore, #tpu.memory_space<semaphore_mem>>, %arg16: memref<!tpu.dma_semaphore, #tpu.memory_space<semaphore_mem>>, %arg17: memref<!tpu.dma_semaphore, #tpu.memory_space<semaphore_mem>>, %arg18: memref<10240x48xf32, #tpu.memory_space<vmem_shared>>) attributes {dimension_semantics = [#tpu.dimension_semantics<core_parallel>, #tpu.dimension_semantics<subcore_parallel>], iteration_bounds = array<i64: 2, 16>, scalar_prefetch = 0 : i64, scratch_operands = 12 : i64, tpu.core_type = #tpu.core_type<sc_vector_subcore>, window_params = [{transform_indices = #map}, {transform_indices = #map1}, {transform_indices = #map1}, {transform_indices = #map}, {transform_indices = #map1}]} {
    %mul3A = arith.constant 16 : i32
    %mul3A_0 = arith.muli %arg0, %mul3A : i32
    %add3A = arith.addi %mul3A_0, %arg1 : i32
    %mul3A_1 = arith.constant 640 : i32
    %mul3A_2 = arith.muli %arg1, %mul3A_1 : i32
    "tpu.region"() ({
      %run_scoped3A_41 = tpu.sem_alloc : memref<!tpu.dma_semaphore, #tpu.memory_space<semaphore_mem>>
      %dma_start3A_42 = arith.constant 0 : i32
      %dma_start3A_43 = tpu.memref_slice %arg18[%mul3A_2, %dma_start3A_42] : memref<10240x48xf32, #tpu.memory_space<vmem_shared>> -> memref<640x48xf32, #tpu.memory_space<vmem_shared>>
      %dma_start3A_44 = arith.constant 0 : i32
      %dma_start3A_45 = tpu.memref_slice %arg5[%mul3A_2, %dma_start3A_44] : memref<10240x48xf32, #tpu.memory_space<hbm>> -> memref<640x48xf32, #tpu.memory_space<hbm>>
      tpu.enqueue_dma source(%dma_start3A_45 : memref<640x48xf32, #tpu.memory_space<hbm>>) target(%dma_start3A_43 : memref<640x48xf32, #tpu.memory_space<vmem_shared>>) target_semaphore(%run_scoped3A_41 : memref<!tpu.dma_semaphore, #tpu.memory_space<semaphore_mem>>)
      %dma_wait3A_46 = arith.constant 0 : i32
      %dma_wait3A_47 = tpu.memref_slice %arg18[%mul3A_2, %dma_wait3A_46] : memref<10240x48xf32, #tpu.memory_space<vmem_shared>> -> memref<640x48xf32, #tpu.memory_space<vmem_shared>>
      %dma_wait3A_48 = arith.constant 0 : i32
      %dma_wait3A_49 = tpu.memref_slice %arg5[%mul3A_2, %dma_wait3A_48] : memref<10240x48xf32, #tpu.memory_space<hbm>> -> memref<640x48xf32, #tpu.memory_space<hbm>>
      tpu.wait_dma2 semaphore(%run_scoped3A_41 : memref<!tpu.dma_semaphore, #tpu.memory_space<semaphore_mem>>) src(%dma_wait3A_49 : memref<640x48xf32, #tpu.memory_space<hbm>>) dst(%dma_wait3A_47 : memref<640x48xf32, #tpu.memory_space<vmem_shared>>)
      tpu.yield
    }) : () -> ()
    "tpu.region"() ({
      %run_scoped3A_41 = tpu.sem_alloc : memref<!tpu.dma_semaphore, #tpu.memory_space<semaphore_mem>>
      %dma_start3A_42 = arith.constant 0 : i32
      %dma_start3A_43 = arith.constant 0 : i32
      %dma_start3A_44 = tpu.memref_slice %arg3[%add3A, %dma_start3A_42, %dma_start3A_43] : memref<32x80x125xi32, #tpu.memory_space<hbm>> -> memref<1x80x125xi32, #tpu.memory_space<hbm>>
      %dma_start3A_45 = tpu.memref_squeeze %dma_start3A_44 : memref<1x80x125xi32, #tpu.memory_space<hbm>> -> memref<80x125xi32, #tpu.memory_space<hbm>>
      %dma_start3A_46 = arith.constant 0 : i32
      %dma_start3A_47 = arith.constant 0 : i32
      %dma_start3A_48 = tpu.memref_slice %arg3[%add3A, %dma_start3A_46, %dma_start3A_47] : memref<32x80x125xi32, #tpu.memory_space<hbm>> -> memref<1x80x125xi32, #tpu.memory_space<hbm>>
      %dma_start3A_49 = tpu.memref_squeeze %dma_start3A_48 : memref<1x80x125xi32, #tpu.memory_space<hbm>> -> memref<80x125xi32, #tpu.memory_space<hbm>>
      tpu.enqueue_dma source(%dma_start3A_49 : memref<80x125xi32, #tpu.memory_space<hbm>>) target(%arg7 : memref<80x125xi32, #tpu.memory_space<vmem>>) target_semaphore(%run_scoped3A_41 : memref<!tpu.dma_semaphore, #tpu.memory_space<semaphore_mem>>)
      %dma_wait3A_50 = arith.constant 0 : i32
      %dma_wait3A_51 = arith.constant 0 : i32
      %dma_wait3A_52 = tpu.memref_slice %arg3[%add3A, %dma_wait3A_50, %dma_wait3A_51] : memref<32x80x125xi32, #tpu.memory_space<hbm>> -> memref<1x80x125xi32, #tpu.memory_space<hbm>>
      %dma_wait3A_53 = tpu.memref_squeeze %dma_wait3A_52 : memref<1x80x125xi32, #tpu.memory_space<hbm>> -> memref<80x125xi32, #tpu.memory_space<hbm>>
      %dma_wait3A_54 = arith.constant 0 : i32
      %dma_wait3A_55 = arith.constant 0 : i32
      %dma_wait3A_56 = tpu.memref_slice %arg3[%add3A, %dma_wait3A_54, %dma_wait3A_55] : memref<32x80x125xi32, #tpu.memory_space<hbm>> -> memref<1x80x125xi32, #tpu.memory_space<hbm>>
      %dma_wait3A_57 = tpu.memref_squeeze %dma_wait3A_56 : memref<1x80x125xi32, #tpu.memory_space<hbm>> -> memref<80x125xi32, #tpu.memory_space<hbm>>
      tpu.wait_dma2 semaphore(%run_scoped3A_41 : memref<!tpu.dma_semaphore, #tpu.memory_space<semaphore_mem>>) src(%dma_wait3A_57 : memref<80x125xi32, #tpu.memory_space<hbm>>) dst(%arg7 : memref<80x125xi32, #tpu.memory_space<vmem>>)
      tpu.yield
    }) : () -> ()
    %run_scoped3A = arith.constant 79 : i32
    "tpu.region"() ({
      %run_scoped3A_41 = tpu.sem_alloc : memref<!tpu.dma_semaphore, #tpu.memory_space<semaphore_mem>>
      %dma_start3A_42 = arith.constant 0 : i32
      %dma_start3A_43 = tpu.memref_slice %arg4[%add3A, %run_scoped3A, %dma_start3A_42] : memref<32x80x125xi32, #tpu.memory_space<hbm>> -> memref<1x1x125xi32, #tpu.memory_space<hbm>>
      %dma_start3A_44 = tpu.memref_squeeze %dma_start3A_43 : memref<1x1x125xi32, #tpu.memory_space<hbm>> -> memref<125xi32, #tpu.memory_space<hbm>>
      %dma_start3A_45 = arith.constant 0 : i32
      %dma_start3A_46 = tpu.memref_slice %arg4[%add3A, %run_scoped3A, %dma_start3A_45] : memref<32x80x125xi32, #tpu.memory_space<hbm>> -> memref<1x1x125xi32, #tpu.memory_space<hbm>>
      %dma_start3A_47 = tpu.memref_squeeze %dma_start3A_46 : memref<1x1x125xi32, #tpu.memory_space<hbm>> -> memref<125xi32, #tpu.memory_space<hbm>>
      tpu.enqueue_dma source(%dma_start3A_47 : memref<125xi32, #tpu.memory_space<hbm>>) target(%arg9 : memref<125xi32, #tpu.memory_space<vmem>>) target_semaphore(%run_scoped3A_41 : memref<!tpu.dma_semaphore, #tpu.memory_space<semaphore_mem>>)
      %dma_wait3A_48 = arith.constant 0 : i32
      %dma_wait3A_49 = tpu.memref_slice %arg4[%add3A, %run_scoped3A, %dma_wait3A_48] : memref<32x80x125xi32, #tpu.memory_space<hbm>> -> memref<1x1x125xi32, #tpu.memory_space<hbm>>
      %dma_wait3A_50 = tpu.memref_squeeze %dma_wait3A_49 : memref<1x1x125xi32, #tpu.memory_space<hbm>> -> memref<125xi32, #tpu.memory_space<hbm>>
      %dma_wait3A_51 = arith.constant 0 : i32
      %dma_wait3A_52 = tpu.memref_slice %arg4[%add3A, %run_scoped3A, %dma_wait3A_51] : memref<32x80x125xi32, #tpu.memory_space<hbm>> -> memref<1x1x125xi32, #tpu.memory_space<hbm>>
      %dma_wait3A_53 = tpu.memref_squeeze %dma_wait3A_52 : memref<1x1x125xi32, #tpu.memory_space<hbm>> -> memref<125xi32, #tpu.memory_space<hbm>>
      tpu.wait_dma2 semaphore(%run_scoped3A_41 : memref<!tpu.dma_semaphore, #tpu.memory_space<semaphore_mem>>) src(%dma_wait3A_53 : memref<125xi32, #tpu.memory_space<hbm>>) dst(%arg9 : memref<125xi32, #tpu.memory_space<vmem>>)
      tpu.yield
    }) : () -> ()
    "tpu.region"() ({
      %run_scoped3A_41 = tpu.sem_alloc : memref<!tpu.dma_semaphore, #tpu.memory_space<semaphore_mem>>
      %dma_start3A_42 = arith.constant 0 : i32
      %dma_start3A_43 = arith.constant 0 : i32
      %dma_start3A_44 = tpu.memref_slice %arg5[%dma_start3A_42, %dma_start3A_43] : memref<10240x48xf32, #tpu.memory_space<hbm>> -> memref<125x48xf32, #tpu.memory_space<hbm>>
      %dma_start3A_45 = arith.constant 0 : i32
      %dma_start3A_46 = arith.constant 0 : i32
      %dma_start3A_47 = tpu.memref_slice %arg5[%dma_start3A_45, %dma_start3A_46] : memref<10240x48xf32, #tpu.memory_space<hbm>> -> memref<125x48xf32, #tpu.memory_space<hbm>>
      tpu.enqueue_dma source(%dma_start3A_47 : memref<125x48xf32, #tpu.memory_space<hbm>>) target(%arg11 : memref<125x48xf32, #tpu.memory_space<vmem>>) target_semaphore(%run_scoped3A_41 : memref<!tpu.dma_semaphore, #tpu.memory_space<semaphore_mem>>)
      %dma_wait3A_48 = arith.constant 0 : i32
      %dma_wait3A_49 = arith.constant 0 : i32
      %dma_wait3A_50 = tpu.memref_slice %arg5[%dma_wait3A_48, %dma_wait3A_49] : memref<10240x48xf32, #tpu.memory_space<hbm>> -> memref<125x48xf32, #tpu.memory_space<hbm>>
      %dma_wait3A_51 = arith.constant 0 : i32
      %dma_wait3A_52 = arith.constant 0 : i32
      %dma_wait3A_53 = tpu.memref_slice %arg5[%dma_wait3A_51, %dma_wait3A_52] : memref<10240x48xf32, #tpu.memory_space<hbm>> -> memref<125x48xf32, #tpu.memory_space<hbm>>
      tpu.wait_dma2 semaphore(%run_scoped3A_41 : memref<!tpu.dma_semaphore, #tpu.memory_space<semaphore_mem>>) src(%dma_wait3A_53 : memref<125x48xf32, #tpu.memory_space<hbm>>) dst(%arg11 : memref<125x48xf32, #tpu.memory_space<vmem>>)
      tpu.yield
    }) : () -> ()
    %barrier3A = arith.constant 0 : index
    tpu.barrier barrier_id(%barrier3A)
    %dma_start3A = arith.constant 0 : i32
    %dma_start3A_3 = arith.constant 0 : i32
    %dma_start3A_4 = tpu.memref_slice %arg7[%dma_start3A, %dma_start3A_3] : memref<80x125xi32, #tpu.memory_space<vmem>> -> memref<1x125xi32, #tpu.memory_space<vmem>>
    %dma_start3A_5 = tpu.memref_squeeze %dma_start3A_4 : memref<1x125xi32, #tpu.memory_space<vmem>> -> memref<125xi32, #tpu.memory_space<vmem>>
    %dma_start3A_6 = arith.constant 0 : i32
    %dma_start3A_7 = arith.constant 0 : i32
    %dma_start3A_8 = tpu.memref_slice %arg2[%dma_start3A_6, %dma_start3A_7] : memref<10240x48xf32, #tpu.memory_space<hbm>> -> memref<10240x48xf32, #tpu.memory_space<hbm>>
    tpu.enqueue_indirect_dma source(%dma_start3A_8 : memref<10240x48xf32, #tpu.memory_space<hbm>>) target(%arg10 : memref<125x48xf32, #tpu.memory_space<vmem>>) offsets(%dma_start3A_5 : memref<125xi32, #tpu.memory_space<vmem>>) semaphore(%arg12 : memref<!tpu.dma_semaphore, #tpu.memory_space<semaphore_mem>>)
    %dma_start3A_9 = arith.constant 0 : i32
    %dma_start3A_10 = arith.constant 0 : i32
    %dma_start3A_11 = tpu.memref_slice %arg18[%dma_start3A_9, %dma_start3A_10] : memref<10240x48xf32, #tpu.memory_space<vmem_shared>> -> memref<10240x48xf32, #tpu.memory_space<vmem_shared>>
    tpu.enqueue_indirect_dma source(%arg11 : memref<125x48xf32, #tpu.memory_space<vmem>>) target(%dma_start3A_11 : memref<10240x48xf32, #tpu.memory_space<vmem_shared>>) offsets(%arg9 : memref<125xi32, #tpu.memory_space<vmem>>) semaphore(%arg15 : memref<!tpu.dma_semaphore, #tpu.memory_space<semaphore_mem>>) {add = true}
    %dma_start3A_12 = arith.constant 0 : i32
    %dma_start3A_13 = arith.constant 0 : i32
    %dma_start3A_14 = tpu.memref_slice %arg4[%add3A, %dma_start3A_12, %dma_start3A_13] : memref<32x80x125xi32, #tpu.memory_space<hbm>> -> memref<1x1x125xi32, #tpu.memory_space<hbm>>
    %dma_start3A_15 = tpu.memref_squeeze %dma_start3A_14 : memref<1x1x125xi32, #tpu.memory_space<hbm>> -> memref<125xi32, #tpu.memory_space<hbm>>
    %dma_start3A_16 = arith.constant 0 : i32
    %dma_start3A_17 = tpu.memref_slice %arg4[%add3A, %dma_start3A_12, %dma_start3A_16] : memref<32x80x125xi32, #tpu.memory_space<hbm>> -> memref<1x1x125xi32, #tpu.memory_space<hbm>>
    %dma_start3A_18 = tpu.memref_squeeze %dma_start3A_17 : memref<1x1x125xi32, #tpu.memory_space<hbm>> -> memref<125xi32, #tpu.memory_space<hbm>>
    tpu.enqueue_dma source(%dma_start3A_18 : memref<125xi32, #tpu.memory_space<hbm>>) target(%arg8 : memref<125xi32, #tpu.memory_space<vmem>>) target_semaphore(%arg16 : memref<!tpu.dma_semaphore, #tpu.memory_space<semaphore_mem>>)
    %scan3A = arith.constant 0 : i32
    %scan3A_19 = arith.constant 0 : i32
    %scan3A_20 = arith.constant 40 : i32
    %scan3A_21 = arith.addi %scan3A_19, %scan3A_20 : i32
    %scan3A_22 = arith.constant 1 : i32
    scf.for %scan3A_41 = %scan3A_19 to %scan3A_21 step %scan3A_22  : i32 {
      %mul3A_42 = arith.constant 2 : i32
      %mul3A_43 = arith.muli %mul3A_42, %scan3A_41 : i32
      %dma_wait3A_44 = arith.constant 0 : i32
      %dma_wait3A_45 = tpu.memref_slice %arg7[%mul3A_43, %dma_wait3A_44] : memref<80x125xi32, #tpu.memory_space<vmem>> -> memref<1x125xi32, #tpu.memory_space<vmem>>
      %dma_wait3A_46 = tpu.memref_squeeze %dma_wait3A_45 : memref<1x125xi32, #tpu.memory_space<vmem>> -> memref<125xi32, #tpu.memory_space<vmem>>
      %dma_wait3A_47 = arith.constant 0 : i32
      %dma_wait3A_48 = arith.constant 0 : i32
      %dma_wait3A_49 = tpu.memref_slice %arg2[%dma_wait3A_47, %dma_wait3A_48] : memref<10240x48xf32, #tpu.memory_space<hbm>> -> memref<10240x48xf32, #tpu.memory_space<hbm>>
      tpu.wait_indirect_dma semaphore(%arg12 : memref<!tpu.dma_semaphore, #tpu.memory_space<semaphore_mem>>) src(%dma_wait3A_49 : memref<10240x48xf32, #tpu.memory_space<hbm>>) dst(%arg10 : memref<125x48xf32, #tpu.memory_space<vmem>>)
      %dma_wait3A_50 = arith.constant 0 : i32
      %dma_wait3A_51 = arith.constant 0 : i32
      %dma_wait3A_52 = tpu.memref_slice %arg18[%dma_wait3A_50, %dma_wait3A_51] : memref<10240x48xf32, #tpu.memory_space<vmem_shared>> -> memref<10240x48xf32, #tpu.memory_space<vmem_shared>>
      tpu.wait_indirect_dma semaphore(%arg15 : memref<!tpu.dma_semaphore, #tpu.memory_space<semaphore_mem>>) src(%arg11 : memref<125x48xf32, #tpu.memory_space<vmem>>) dst(%dma_wait3A_52 : memref<10240x48xf32, #tpu.memory_space<vmem_shared>>)
      %add3A_53 = arith.constant 1 : i32
      %add3A_54 = arith.addi %mul3A_43, %add3A_53 : i32
      %dma_start3A_55 = arith.constant 0 : i32
      %dma_start3A_56 = tpu.memref_slice %arg7[%add3A_54, %dma_start3A_55] : memref<80x125xi32, #tpu.memory_space<vmem>> -> memref<1x125xi32, #tpu.memory_space<vmem>>
      %dma_start3A_57 = tpu.memref_squeeze %dma_start3A_56 : memref<1x125xi32, #tpu.memory_space<vmem>> -> memref<125xi32, #tpu.memory_space<vmem>>
      %dma_start3A_58 = arith.constant 0 : i32
      %dma_start3A_59 = arith.constant 0 : i32
      %dma_start3A_60 = tpu.memref_slice %arg2[%dma_start3A_58, %dma_start3A_59] : memref<10240x48xf32, #tpu.memory_space<hbm>> -> memref<10240x48xf32, #tpu.memory_space<hbm>>
      tpu.enqueue_indirect_dma source(%dma_start3A_60 : memref<10240x48xf32, #tpu.memory_space<hbm>>) target(%arg11 : memref<125x48xf32, #tpu.memory_space<vmem>>) offsets(%dma_start3A_57 : memref<125xi32, #tpu.memory_space<vmem>>) semaphore(%arg13 : memref<!tpu.dma_semaphore, #tpu.memory_space<semaphore_mem>>)
      %dma_wait3A_61 = arith.constant 0 : i32
      %dma_wait3A_62 = arith.constant 0 : i32
      %dma_wait3A_63 = tpu.memref_slice %arg4[%add3A, %dma_wait3A_61, %dma_wait3A_62] : memref<32x80x125xi32, #tpu.memory_space<hbm>> -> memref<1x1x125xi32, #tpu.memory_space<hbm>>
      %dma_wait3A_64 = tpu.memref_squeeze %dma_wait3A_63 : memref<1x1x125xi32, #tpu.memory_space<hbm>> -> memref<125xi32, #tpu.memory_space<hbm>>
      %dma_wait3A_65 = arith.constant 0 : i32
      %dma_wait3A_66 = tpu.memref_slice %arg4[%add3A, %dma_wait3A_61, %dma_wait3A_65] : memref<32x80x125xi32, #tpu.memory_space<hbm>> -> memref<1x1x125xi32, #tpu.memory_space<hbm>>
      %dma_wait3A_67 = tpu.memref_squeeze %dma_wait3A_66 : memref<1x1x125xi32, #tpu.memory_space<hbm>> -> memref<125xi32, #tpu.memory_space<hbm>>
      tpu.wait_dma2 semaphore(%arg16 : memref<!tpu.dma_semaphore, #tpu.memory_space<semaphore_mem>>) src(%dma_wait3A_67 : memref<125xi32, #tpu.memory_space<hbm>>) dst(%arg8 : memref<125xi32, #tpu.memory_space<vmem>>)
      %dma_start3A_68 = arith.constant 0 : i32
      %dma_start3A_69 = arith.constant 0 : i32
      %dma_start3A_70 = tpu.memref_slice %arg18[%dma_start3A_68, %dma_start3A_69] : memref<10240x48xf32, #tpu.memory_space<vmem_shared>> -> memref<10240x48xf32, #tpu.memory_space<vmem_shared>>
      tpu.enqueue_indirect_dma source(%arg10 : memref<125x48xf32, #tpu.memory_space<vmem>>) target(%dma_start3A_70 : memref<10240x48xf32, #tpu.memory_space<vmem_shared>>) offsets(%arg8 : memref<125xi32, #tpu.memory_space<vmem>>) semaphore(%arg14 : memref<!tpu.dma_semaphore, #tpu.memory_space<semaphore_mem>>) {add = true}
      %add3A_71 = arith.constant 1 : i32
      %add3A_72 = arith.addi %mul3A_43, %add3A_71 : i32
      %dma_start3A_73 = arith.constant 0 : i32
      %dma_start3A_74 = tpu.memref_slice %arg4[%add3A, %add3A_72, %dma_start3A_73] : memref<32x80x125xi32, #tpu.memory_space<hbm>> -> memref<1x1x125xi32, #tpu.memory_space<hbm>>
      %dma_start3A_75 = tpu.memref_squeeze %dma_start3A_74 : memref<1x1x125xi32, #tpu.memory_space<hbm>> -> memref<125xi32, #tpu.memory_space<hbm>>
      %dma_start3A_76 = arith.constant 0 : i32
      %dma_start3A_77 = tpu.memref_slice %arg4[%add3A, %add3A_72, %dma_start3A_76] : memref<32x80x125xi32, #tpu.memory_space<hbm>> -> memref<1x1x125xi32, #tpu.memory_space<hbm>>
      %dma_start3A_78 = tpu.memref_squeeze %dma_start3A_77 : memref<1x1x125xi32, #tpu.memory_space<hbm>> -> memref<125xi32, #tpu.memory_space<hbm>>
      tpu.enqueue_dma source(%dma_start3A_78 : memref<125xi32, #tpu.memory_space<hbm>>) target(%arg9 : memref<125xi32, #tpu.memory_space<vmem>>) target_semaphore(%arg17 : memref<!tpu.dma_semaphore, #tpu.memory_space<semaphore_mem>>)
      %add3A_79 = arith.constant 1 : i32
      %add3A_80 = arith.addi %mul3A_43, %add3A_79 : i32
      %dma_wait3A_81 = arith.constant 0 : i32
      %dma_wait3A_82 = tpu.memref_slice %arg7[%add3A_80, %dma_wait3A_81] : memref<80x125xi32, #tpu.memory_space<vmem>> -> memref<1x125xi32, #tpu.memory_space<vmem>>
      %dma_wait3A_83 = tpu.memref_squeeze %dma_wait3A_82 : memref<1x125xi32, #tpu.memory_space<vmem>> -> memref<125xi32, #tpu.memory_space<vmem>>
      %dma_wait3A_84 = arith.constant 0 : i32
      %dma_wait3A_85 = arith.constant 0 : i32
      %dma_wait3A_86 = tpu.memref_slice %arg2[%dma_wait3A_84, %dma_wait3A_85] : memref<10240x48xf32, #tpu.memory_space<hbm>> -> memref<10240x48xf32, #tpu.memory_space<hbm>>
      tpu.wait_indirect_dma semaphore(%arg13 : memref<!tpu.dma_semaphore, #tpu.memory_space<semaphore_mem>>) src(%dma_wait3A_86 : memref<10240x48xf32, #tpu.memory_space<hbm>>) dst(%arg11 : memref<125x48xf32, #tpu.memory_space<vmem>>)
      %dma_wait3A_87 = arith.constant 0 : i32
      %dma_wait3A_88 = arith.constant 0 : i32
      %dma_wait3A_89 = tpu.memref_slice %arg18[%dma_wait3A_87, %dma_wait3A_88] : memref<10240x48xf32, #tpu.memory_space<vmem_shared>> -> memref<10240x48xf32, #tpu.memory_space<vmem_shared>>
      tpu.wait_indirect_dma semaphore(%arg14 : memref<!tpu.dma_semaphore, #tpu.memory_space<semaphore_mem>>) src(%arg10 : memref<125x48xf32, #tpu.memory_space<vmem>>) dst(%dma_wait3A_89 : memref<10240x48xf32, #tpu.memory_space<vmem_shared>>)
      %add3A_90 = arith.constant 2 : i32
      %add3A_91 = arith.addi %mul3A_43, %add3A_90 : i32
      %lt3A = arith.constant 80 : i32
      %lt3A_92 = arith.cmpi slt, %add3A_91, %lt3A : i32
      %add3A_93 = arith.constant 2 : i32
      %add3A_94 = arith.addi %mul3A_43, %add3A_93 : i32
      %jit3A = arith.constant 0 : i32
      %select_n3A = arith.select %lt3A_92, %add3A_94, %jit3A : i32
      %dma_start3A_95 = arith.constant 0 : i32
      %dma_start3A_96 = tpu.memref_slice %arg7[%select_n3A, %dma_start3A_95] : memref<80x125xi32, #tpu.memory_space<vmem>> -> memref<1x125xi32, #tpu.memory_space<vmem>>
      %dma_start3A_97 = tpu.memref_squeeze %dma_start3A_96 : memref<1x125xi32, #tpu.memory_space<vmem>> -> memref<125xi32, #tpu.memory_space<vmem>>
      %dma_start3A_98 = arith.constant 0 : i32
      %dma_start3A_99 = arith.constant 0 : i32
      %dma_start3A_100 = tpu.memref_slice %arg2[%dma_start3A_98, %dma_start3A_99] : memref<10240x48xf32, #tpu.memory_space<hbm>> -> memref<10240x48xf32, #tpu.memory_space<hbm>>
      tpu.enqueue_indirect_dma source(%dma_start3A_100 : memref<10240x48xf32, #tpu.memory_space<hbm>>) target(%arg10 : memref<125x48xf32, #tpu.memory_space<vmem>>) offsets(%dma_start3A_97 : memref<125xi32, #tpu.memory_space<vmem>>) semaphore(%arg12 : memref<!tpu.dma_semaphore, #tpu.memory_space<semaphore_mem>>)
      %dma_wait3A_101 = arith.constant 0 : i32
      %dma_wait3A_102 = arith.constant 0 : i32
      %dma_wait3A_103 = tpu.memref_slice %arg4[%add3A, %dma_wait3A_101, %dma_wait3A_102] : memref<32x80x125xi32, #tpu.memory_space<hbm>> -> memref<1x1x125xi32, #tpu.memory_space<hbm>>
      %dma_wait3A_104 = tpu.memref_squeeze %dma_wait3A_103 : memref<1x1x125xi32, #tpu.memory_space<hbm>> -> memref<125xi32, #tpu.memory_space<hbm>>
      %dma_wait3A_105 = arith.constant 0 : i32
      %dma_wait3A_106 = tpu.memref_slice %arg4[%add3A, %dma_wait3A_101, %dma_wait3A_105] : memref<32x80x125xi32, #tpu.memory_space<hbm>> -> memref<1x1x125xi32, #tpu.memory_space<hbm>>
      %dma_wait3A_107 = tpu.memref_squeeze %dma_wait3A_106 : memref<1x1x125xi32, #tpu.memory_space<hbm>> -> memref<125xi32, #tpu.memory_space<hbm>>
      tpu.wait_dma2 semaphore(%arg17 : memref<!tpu.dma_semaphore, #tpu.memory_space<semaphore_mem>>) src(%dma_wait3A_107 : memref<125xi32, #tpu.memory_space<hbm>>) dst(%arg9 : memref<125xi32, #tpu.memory_space<vmem>>)
      %dma_start3A_108 = arith.constant 0 : i32
      %dma_start3A_109 = arith.constant 0 : i32
      %dma_start3A_110 = tpu.memref_slice %arg18[%dma_start3A_108, %dma_start3A_109] : memref<10240x48xf32, #tpu.memory_space<vmem_shared>> -> memref<10240x48xf32, #tpu.memory_space<vmem_shared>>
      tpu.enqueue_indirect_dma source(%arg11 : memref<125x48xf32, #tpu.memory_space<vmem>>) target(%dma_start3A_110 : memref<10240x48xf32, #tpu.memory_space<vmem_shared>>) offsets(%arg9 : memref<125xi32, #tpu.memory_space<vmem>>) semaphore(%arg15 : memref<!tpu.dma_semaphore, #tpu.memory_space<semaphore_mem>>) {add = true}
      %dma_start3A_111 = arith.constant 0 : i32
      %dma_start3A_112 = tpu.memref_slice %arg4[%add3A, %select_n3A, %dma_start3A_111] : memref<32x80x125xi32, #tpu.memory_space<hbm>> -> memref<1x1x125xi32, #tpu.memory_space<hbm>>
      %dma_start3A_113 = tpu.memref_squeeze %dma_start3A_112 : memref<1x1x125xi32, #tpu.memory_space<hbm>> -> memref<125xi32, #tpu.memory_space<hbm>>
      %dma_start3A_114 = arith.constant 0 : i32
      %dma_start3A_115 = tpu.memref_slice %arg4[%add3A, %select_n3A, %dma_start3A_114] : memref<32x80x125xi32, #tpu.memory_space<hbm>> -> memref<1x1x125xi32, #tpu.memory_space<hbm>>
      %dma_start3A_116 = tpu.memref_squeeze %dma_start3A_115 : memref<1x1x125xi32, #tpu.memory_space<hbm>> -> memref<125xi32, #tpu.memory_space<hbm>>
      tpu.enqueue_dma source(%dma_start3A_116 : memref<125xi32, #tpu.memory_space<hbm>>) target(%arg8 : memref<125xi32, #tpu.memory_space<vmem>>) target_semaphore(%arg16 : memref<!tpu.dma_semaphore, #tpu.memory_space<semaphore_mem>>)
    }
    %scan3A_23 = arith.constant 40 : i32
    %dma_wait3A = arith.constant 0 : i32
    %dma_wait3A_24 = arith.constant 0 : i32
    %dma_wait3A_25 = tpu.memref_slice %arg7[%dma_wait3A, %dma_wait3A_24] : memref<80x125xi32, #tpu.memory_space<vmem>> -> memref<1x125xi32, #tpu.memory_space<vmem>>
    %dma_wait3A_26 = tpu.memref_squeeze %dma_wait3A_25 : memref<1x125xi32, #tpu.memory_space<vmem>> -> memref<125xi32, #tpu.memory_space<vmem>>
    %dma_wait3A_27 = arith.constant 0 : i32
    %dma_wait3A_28 = arith.constant 0 : i32
    %dma_wait3A_29 = tpu.memref_slice %arg2[%dma_wait3A_27, %dma_wait3A_28] : memref<10240x48xf32, #tpu.memory_space<hbm>> -> memref<10240x48xf32, #tpu.memory_space<hbm>>
    tpu.wait_indirect_dma semaphore(%arg12 : memref<!tpu.dma_semaphore, #tpu.memory_space<semaphore_mem>>) src(%dma_wait3A_29 : memref<10240x48xf32, #tpu.memory_space<hbm>>) dst(%arg10 : memref<125x48xf32, #tpu.memory_space<vmem>>)
    %dma_wait3A_30 = arith.constant 0 : i32
    %dma_wait3A_31 = arith.constant 0 : i32
    %dma_wait3A_32 = tpu.memref_slice %arg18[%dma_wait3A_30, %dma_wait3A_31] : memref<10240x48xf32, #tpu.memory_space<vmem_shared>> -> memref<10240x48xf32, #tpu.memory_space<vmem_shared>>
    tpu.wait_indirect_dma semaphore(%arg15 : memref<!tpu.dma_semaphore, #tpu.memory_space<semaphore_mem>>) src(%arg11 : memref<125x48xf32, #tpu.memory_space<vmem>>) dst(%dma_wait3A_32 : memref<10240x48xf32, #tpu.memory_space<vmem_shared>>)
    %dma_wait3A_33 = arith.constant 0 : i32
    %dma_wait3A_34 = arith.constant 0 : i32
    %dma_wait3A_35 = tpu.memref_slice %arg4[%add3A, %dma_wait3A_33, %dma_wait3A_34] : memref<32x80x125xi32, #tpu.memory_space<hbm>> -> memref<1x1x125xi32, #tpu.memory_space<hbm>>
    %dma_wait3A_36 = tpu.memref_squeeze %dma_wait3A_35 : memref<1x1x125xi32, #tpu.memory_space<hbm>> -> memref<125xi32, #tpu.memory_space<hbm>>
    %dma_wait3A_37 = arith.constant 0 : i32
    %dma_wait3A_38 = tpu.memref_slice %arg4[%add3A, %dma_wait3A_33, %dma_wait3A_37] : memref<32x80x125xi32, #tpu.memory_space<hbm>> -> memref<1x1x125xi32, #tpu.memory_space<hbm>>
    %dma_wait3A_39 = tpu.memref_squeeze %dma_wait3A_38 : memref<1x1x125xi32, #tpu.memory_space<hbm>> -> memref<125xi32, #tpu.memory_space<hbm>>
    tpu.wait_dma2 semaphore(%arg16 : memref<!tpu.dma_semaphore, #tpu.memory_space<semaphore_mem>>) src(%dma_wait3A_39 : memref<125xi32, #tpu.memory_space<hbm>>) dst(%arg8 : memref<125xi32, #tpu.memory_space<vmem>>)
    %barrier3A_40 = arith.constant 0 : index
    tpu.barrier barrier_id(%barrier3A_40)
    "tpu.region"() ({
      %run_scoped3A_41 = tpu.sem_alloc : memref<!tpu.dma_semaphore, #tpu.memory_space<semaphore_mem>>
      %dma_start3A_42 = arith.constant 0 : i32
      %dma_start3A_43 = tpu.memref_slice %arg6[%arg0, %mul3A_2, %dma_start3A_42] : memref<2x10240x48xf32, #tpu.memory_space<hbm>> -> memref<1x640x48xf32, #tpu.memory_space<hbm>>
      %dma_start3A_44 = tpu.memref_squeeze %dma_start3A_43 : memref<1x640x48xf32, #tpu.memory_space<hbm>> -> memref<640x48xf32, #tpu.memory_space<hbm>>
      %dma_start3A_45 = arith.constant 0 : i32
      %dma_start3A_46 = tpu.memref_slice %arg18[%mul3A_2, %dma_start3A_45] : memref<10240x48xf32, #tpu.memory_space<vmem_shared>> -> memref<640x48xf32, #tpu.memory_space<vmem_shared>>
      tpu.enqueue_dma source(%dma_start3A_46 : memref<640x48xf32, #tpu.memory_space<vmem_shared>>) target(%dma_start3A_44 : memref<640x48xf32, #tpu.memory_space<hbm>>) target_semaphore(%run_scoped3A_41 : memref<!tpu.dma_semaphore, #tpu.memory_space<semaphore_mem>>)
      %dma_wait3A_47 = arith.constant 0 : i32
      %dma_wait3A_48 = tpu.memref_slice %arg6[%arg0, %mul3A_2, %dma_wait3A_47] : memref<2x10240x48xf32, #tpu.memory_space<hbm>> -> memref<1x640x48xf32, #tpu.memory_space<hbm>>
      %dma_wait3A_49 = tpu.memref_squeeze %dma_wait3A_48 : memref<1x640x48xf32, #tpu.memory_space<hbm>> -> memref<640x48xf32, #tpu.memory_space<hbm>>
      %dma_wait3A_50 = arith.constant 0 : i32
      %dma_wait3A_51 = tpu.memref_slice %arg18[%mul3A_2, %dma_wait3A_50] : memref<10240x48xf32, #tpu.memory_space<vmem_shared>> -> memref<640x48xf32, #tpu.memory_space<vmem_shared>>
      tpu.wait_dma2 semaphore(%run_scoped3A_41 : memref<!tpu.dma_semaphore, #tpu.memory_space<semaphore_mem>>) src(%dma_wait3A_51 : memref<640x48xf32, #tpu.memory_space<vmem_shared>>) dst(%dma_wait3A_49 : memref<640x48xf32, #tpu.memory_space<hbm>>)
      tpu.yield
    }) : () -> ()
    return
  }
}

module attributes {stable_mosaic.version = 14 : i64} {
  func.func @body(%arg0: i32, %arg1: memref<2x2x256x128xf32, #tpu.memory_space<vmem>>, %arg2: memref<2048x128xf32, #tpu.memory_space<vmem>>, %arg3: memref<2048x128xf32, #tpu.memory_space<vmem>>, %arg4: memref<2048x128xf32, #tpu.memory_space<vmem>>, %arg5: memref<2048x128xf32, #tpu.memory_space<vmem>>) attributes {dimension_semantics = [#tpu.dimension_semantics<arbitrary>], iteration_bounds = array<i64: 5>, scalar_prefetch = 0 : i64, scratch_operands = 0 : i64, tpu.core_type = #tpu.core_type<tc>, window_params = [{transform_indices = @transform_0, window_bounds = array<i64: 2, 2, 256, 128>}, {transform_indices = @transform_1, window_bounds = array<i64: 2048, 128>}, {transform_indices = @transform_2, window_bounds = array<i64: 2048, 128>}, {transform_indices = @transform_3, window_bounds = array<i64: 2048, 128>}, {transform_indices = @transform_4, window_bounds = array<i64: 2048, 128>}]} {
    %iota3A = tpu.iota {dimensions = array<i32: 0>} : vector<128x8xi32>
    %iota3A_0 = tpu.iota {dimensions = array<i32: 1>} : vector<128x8xi32>
    %mul3A = arith.constant 16 : i32
    %mul3A_1 = vector.broadcast %mul3A : i32 to vector<128x8xi32>
    %mul3A_2 = arith.muli %iota3A_0, %mul3A_1 : vector<128x8xi32>
    %eq3A = arith.cmpi eq, %iota3A, %mul3A_2 : vector<128x8xi32>
    %convert_element_type3A = arith.extui %eq3A : vector<128x8xi1> to vector<128x8xi32>
    %convert_element_type3A_3 = arith.sitofp %convert_element_type3A : vector<128x8xi32> to vector<128x8xf32>
    %iota3A_4 = tpu.iota {dimensions = array<i32: 0>} : vector<8x1024xi32>
    %iota3A_5 = tpu.iota {dimensions = array<i32: 1>} : vector<8x1024xi32>
    %jit3A = arith.constant 128 : i32
    %div3A = vector.broadcast %jit3A : i32 to vector<8x1024xi32>
    %div3A_6 = arith.divsi %iota3A_5, %div3A : vector<8x1024xi32>
    %sign3A = arith.constant 0 : i32
    %sign3A_7 = vector.broadcast %sign3A : i32 to vector<8x1024xi32>
    %sign3A_8 = arith.cmpi sgt, %iota3A_5, %sign3A_7 : vector<8x1024xi32>
    %sign3A_9 = arith.extui %sign3A_8 : vector<8x1024xi1> to vector<8x1024xi32>
    %sign3A_10 = arith.constant 0 : i32
    %sign3A_11 = vector.broadcast %sign3A_10 : i32 to vector<8x1024xi32>
    %sign3A_12 = arith.cmpi slt, %iota3A_5, %sign3A_11 : vector<8x1024xi32>
    %sign3A_13 = arith.extui %sign3A_12 : vector<8x1024xi1> to vector<8x1024xi32>
    %sign3A_14 = arith.subi %sign3A_9, %sign3A_13 : vector<8x1024xi32>
    %sign3A_15 = arith.constant 0 : i32
    %sign3A_16 = arith.cmpi sgt, %jit3A, %sign3A_15 : i32
    %sign3A_17 = arith.extui %sign3A_16 : i1 to i32
    %sign3A_18 = arith.constant 0 : i32
    %sign3A_19 = arith.cmpi slt, %jit3A, %sign3A_18 : i32
    %sign3A_20 = arith.extui %sign3A_19 : i1 to i32
    %sign3A_21 = arith.subi %sign3A_17, %sign3A_20 : i32
    %ne3A = vector.broadcast %sign3A_21 : i32 to vector<8x1024xi32>
    %ne3A_22 = arith.cmpi ne, %sign3A_14, %ne3A : vector<8x1024xi32>
    %rem3A = vector.broadcast %jit3A : i32 to vector<8x1024xi32>
    %rem3A_23 = arith.remsi %iota3A_5, %rem3A : vector<8x1024xi32>
    %ne3A_24 = arith.constant 0 : i32
    %ne3A_25 = vector.broadcast %ne3A_24 : i32 to vector<8x1024xi32>
    %ne3A_26 = arith.cmpi ne, %rem3A_23, %ne3A_25 : vector<8x1024xi32>
    %and3A = arith.andi %ne3A_22, %ne3A_26 : vector<8x1024xi1>
    %sub3A = arith.constant 1 : i32
    %sub3A_27 = vector.broadcast %sub3A : i32 to vector<8x1024xi32>
    %sub3A_28 = arith.subi %div3A_6, %sub3A_27 : vector<8x1024xi32>
    %select_n3A = arith.select %and3A, %sub3A_28, %div3A_6 : vector<8x1024xi1>, vector<8x1024xi32>
    %eq3A_29 = arith.cmpi eq, %select_n3A, %iota3A_4 : vector<8x1024xi32>
    %convert_element_type3A_30 = arith.extui %eq3A_29 : vector<8x1024xi1> to vector<8x1024xi32>
    %convert_element_type3A_31 = arith.sitofp %convert_element_type3A_30 : vector<8x1024xi32> to vector<8x1024xf32>
    %get3A = arith.constant 0 : index
    %get3A_32 = arith.constant 0 : index
    %get3A_33 = arith.constant 0 : index
    %get3A_34 = arith.constant 0 : index
    %get3A_35 = vector.load %arg1[%get3A, %get3A_32, %get3A_33, %get3A_34] : memref<2x2x256x128xf32, #tpu.memory_space<vmem>>, vector<1x1x256x128xf32>
    %get3A_36 = vector.shape_cast %get3A_35 : vector<1x1x256x128xf32> to vector<256x128xf32>
    %dot_general3A = arith.constant dense<0.000000e+00> : vector<256x8xf32>
    %dot_general3A_37 = tpu.matmul %get3A_36, %convert_element_type3A_3, %dot_general3A {dimension_numbers = #tpu.dot_dimension_numbers<[1], [0], [0], [1], [0, 0, 1, 1], [], []>, transpose_lhs_hint = false} : vector<256x128xf32>, vector<128x8xf32>, vector<256x8xf32> -> vector<256x8xf32>
    %get3A_38 = arith.constant 1 : index
    %get3A_39 = arith.constant 0 : index
    %get3A_40 = arith.constant 0 : index
    %get3A_41 = arith.constant 0 : index
    %get3A_42 = vector.load %arg1[%get3A_38, %get3A_39, %get3A_40, %get3A_41] : memref<2x2x256x128xf32, #tpu.memory_space<vmem>>, vector<1x1x256x128xf32>
    %get3A_43 = vector.shape_cast %get3A_42 : vector<1x1x256x128xf32> to vector<256x128xf32>
    %dot_general3A_44 = arith.constant dense<0.000000e+00> : vector<256x8xf32>
    %dot_general3A_45 = tpu.matmul %get3A_43, %convert_element_type3A_3, %dot_general3A_44 {dimension_numbers = #tpu.dot_dimension_numbers<[1], [0], [0], [1], [0, 0, 1, 1], [], []>, transpose_lhs_hint = false} : vector<256x128xf32>, vector<128x8xf32>, vector<256x8xf32> -> vector<256x8xf32>
    %add3A = arith.addf %dot_general3A_37, %dot_general3A_45 : vector<256x8xf32>
    %max3A = arith.constant 1.000000e+00 : f32
    %max3A_46 = vector.broadcast %max3A : f32 to vector<256x8xf32>
    %max3A_47 = arith.maximumf %add3A, %max3A_46 : vector<256x8xf32>
    %rsqrt3A = math.rsqrt %max3A_47 : vector<256x8xf32>
    %dot_general3A_48 = arith.constant dense<0.000000e+00> : vector<256x1024xf32>
    %dot_general3A_49 = tpu.matmul %rsqrt3A, %convert_element_type3A_31, %dot_general3A_48 {dimension_numbers = #tpu.dot_dimension_numbers<[1], [0], [0], [1], [0, 0, 1, 1], [], []>, transpose_lhs_hint = false} : vector<256x8xf32>, vector<8x1024xf32>, vector<256x1024xf32> -> vector<256x1024xf32>
    %reshape3A = vector.shape_cast %dot_general3A_49 : vector<256x1024xf32> to vector<2048x128xf32>
    %get3A_50 = arith.constant 0 : index
    %get3A_51 = arith.constant 1 : index
    %get3A_52 = arith.constant 0 : index
    %get3A_53 = arith.constant 0 : index
    %get3A_54 = vector.load %arg1[%get3A_50, %get3A_51, %get3A_52, %get3A_53] : memref<2x2x256x128xf32, #tpu.memory_space<vmem>>, vector<1x1x256x128xf32>
    %get3A_55 = vector.shape_cast %get3A_54 : vector<1x1x256x128xf32> to vector<256x128xf32>
    %dot_general3A_56 = arith.constant dense<0.000000e+00> : vector<256x8xf32>
    %dot_general3A_57 = tpu.matmul %get3A_55, %convert_element_type3A_3, %dot_general3A_56 {dimension_numbers = #tpu.dot_dimension_numbers<[1], [0], [0], [1], [0, 0, 1, 1], [], []>, transpose_lhs_hint = false} : vector<256x128xf32>, vector<128x8xf32>, vector<256x8xf32> -> vector<256x8xf32>
    %get3A_58 = arith.constant 1 : index
    %get3A_59 = arith.constant 1 : index
    %get3A_60 = arith.constant 0 : index
    %get3A_61 = arith.constant 0 : index
    %get3A_62 = vector.load %arg1[%get3A_58, %get3A_59, %get3A_60, %get3A_61] : memref<2x2x256x128xf32, #tpu.memory_space<vmem>>, vector<1x1x256x128xf32>
    %get3A_63 = vector.shape_cast %get3A_62 : vector<1x1x256x128xf32> to vector<256x128xf32>
    %dot_general3A_64 = arith.constant dense<0.000000e+00> : vector<256x8xf32>
    %dot_general3A_65 = tpu.matmul %get3A_63, %convert_element_type3A_3, %dot_general3A_64 {dimension_numbers = #tpu.dot_dimension_numbers<[1], [0], [0], [1], [0, 0, 1, 1], [], []>, transpose_lhs_hint = false} : vector<256x128xf32>, vector<128x8xf32>, vector<256x8xf32> -> vector<256x8xf32>
    %add3A_66 = arith.addf %dot_general3A_57, %dot_general3A_65 : vector<256x8xf32>
    %max3A_67 = arith.constant 1.000000e+00 : f32
    %max3A_68 = vector.broadcast %max3A_67 : f32 to vector<256x8xf32>
    %max3A_69 = arith.maximumf %add3A_66, %max3A_68 : vector<256x8xf32>
    %rsqrt3A_70 = math.rsqrt %max3A_69 : vector<256x8xf32>
    %dot_general3A_71 = arith.constant dense<0.000000e+00> : vector<256x1024xf32>
    %dot_general3A_72 = tpu.matmul %rsqrt3A_70, %convert_element_type3A_31, %dot_general3A_71 {dimension_numbers = #tpu.dot_dimension_numbers<[1], [0], [0], [1], [0, 0, 1, 1], [], []>, transpose_lhs_hint = false} : vector<256x8xf32>, vector<8x1024xf32>, vector<256x1024xf32> -> vector<256x1024xf32>
    %reshape3A_73 = vector.shape_cast %dot_general3A_72 : vector<256x1024xf32> to vector<2048x128xf32>
    %get3A_74 = arith.constant 0 : index
    %get3A_75 = arith.constant 0 : index
    %get3A_76 = vector.load %arg2[%get3A_74, %get3A_75] : memref<2048x128xf32, #tpu.memory_space<vmem>>, vector<2048x128xf32>
    %mul3A_77 = arith.mulf %get3A_76, %reshape3A : vector<2048x128xf32>
    %swap3A = arith.constant 0 : index
    %swap3A_78 = arith.constant 0 : index
    %swap3A_79 = vector.load %arg3[%swap3A, %swap3A_78] : memref<2048x128xf32, #tpu.memory_space<vmem>>, vector<2048x128xf32>
    tpu.vector_store %arg3[%swap3A, %swap3A_78], %mul3A_77 {strides = array<i32>} : memref<2048x128xf32, #tpu.memory_space<vmem>>, vector<2048x128xf32>,
    %swap3A_80 = arith.constant 0 : index
    %swap3A_81 = arith.constant 0 : index
    %swap3A_82 = vector.load %arg4[%swap3A_80, %swap3A_81] : memref<2048x128xf32, #tpu.memory_space<vmem>>, vector<2048x128xf32>
    tpu.vector_store %arg4[%swap3A_80, %swap3A_81], %reshape3A {strides = array<i32>} : memref<2048x128xf32, #tpu.memory_space<vmem>>, vector<2048x128xf32>,
    %swap3A_83 = arith.constant 0 : index
    %swap3A_84 = arith.constant 0 : index
    %swap3A_85 = vector.load %arg5[%swap3A_83, %swap3A_84] : memref<2048x128xf32, #tpu.memory_space<vmem>>, vector<2048x128xf32>
    tpu.vector_store %arg5[%swap3A_83, %swap3A_84], %reshape3A_73 {strides = array<i32>} : memref<2048x128xf32, #tpu.memory_space<vmem>>, vector<2048x128xf32>,
    return
  }
  func.func @transform_0(%arg0: i32) -> (i32, i32, i32, i32) {
    %c0_i32 = arith.constant 0 : i32
    %c0_i32_0 = arith.constant 0 : i32
    %c0_i32_1 = arith.constant 0 : i32
    %c0_i32_2 = arith.constant 0 : i32
    return %c0_i32, %c0_i32_0, %arg0, %c0_i32_1 : i32, i32, i32, i32
  }
  func.func @transform_1(%arg0: i32) -> (i32, i32) {
    %c0_i32 = arith.constant 0 : i32
    %c0_i32_0 = arith.constant 0 : i32
    return %arg0, %c0_i32 : i32, i32
  }
  func.func @transform_2(%arg0: i32) -> (i32, i32) {
    %c0_i32 = arith.constant 0 : i32
    %c0_i32_0 = arith.constant 0 : i32
    return %arg0, %c0_i32 : i32, i32
  }
  func.func @transform_3(%arg0: i32) -> (i32, i32) {
    %c0_i32 = arith.constant 0 : i32
    %c0_i32_0 = arith.constant 0 : i32
    return %arg0, %c0_i32 : i32, i32
  }
  func.func @transform_4(%arg0: i32) -> (i32, i32) {
    %c0_i32 = arith.constant 0 : i32
    %c0_i32_0 = arith.constant 0 : i32
    return %arg0, %c0_i32 : i32, i32
  }
}

module attributes {stable_mosaic.version = 14 : i64} {
  func.func @body(%arg0: i32, %arg1: memref<2x2048x128xf32, #tpu.memory_space<vmem>>, %arg2: memref<2048x128xf32, #tpu.memory_space<vmem>>, %arg3: memref<2048x128xf32, #tpu.memory_space<vmem>>, %arg4: memref<128x128xf32, #tpu.memory_space<vmem>>, %arg5: memref<1x128xf32, #tpu.memory_space<vmem>>, %arg6: memref<2048x128xf32, #tpu.memory_space<vmem>>) attributes {dimension_semantics = [#tpu.dimension_semantics<arbitrary>], iteration_bounds = array<i64: 5>, scalar_prefetch = 0 : i64, scratch_operands = 0 : i64, tpu.core_type = #tpu.core_type<tc>, window_params = [{transform_indices = @transform_0, window_bounds = array<i64: 2, 2048, 128>}, {transform_indices = @transform_1, window_bounds = array<i64: 2048, 128>}, {transform_indices = @transform_2, window_bounds = array<i64: 2048, 128>}, {pipeline_mode = #tpu.pipeline_mode<synchronous>, transform_indices = @transform_3, window_bounds = array<i64: 128, 128>}, {pipeline_mode = #tpu.pipeline_mode<synchronous>, transform_indices = @transform_4, window_bounds = array<i64: 1, 128>}, {transform_indices = @transform_5, window_bounds = array<i64: 2048, 128>}]} {
    %get3A = arith.constant 0 : index
    %get3A_0 = arith.constant 0 : index
    %get3A_1 = arith.constant 0 : index
    %get3A_2 = vector.load %arg1[%get3A, %get3A_0, %get3A_1] : memref<2x2048x128xf32, #tpu.memory_space<vmem>>, vector<1x2048x128xf32>
    %get3A_3 = vector.shape_cast %get3A_2 : vector<1x2048x128xf32> to vector<2048x128xf32>
    %get3A_4 = arith.constant 1 : index
    %get3A_5 = arith.constant 0 : index
    %get3A_6 = arith.constant 0 : index
    %get3A_7 = vector.load %arg1[%get3A_4, %get3A_5, %get3A_6] : memref<2x2048x128xf32, #tpu.memory_space<vmem>>, vector<1x2048x128xf32>
    %get3A_8 = vector.shape_cast %get3A_7 : vector<1x2048x128xf32> to vector<2048x128xf32>
    %add3A = arith.addf %get3A_3, %get3A_8 : vector<2048x128xf32>
    %get3A_9 = arith.constant 0 : index
    %get3A_10 = arith.constant 0 : index
    %get3A_11 = vector.load %arg2[%get3A_9, %get3A_10] : memref<2048x128xf32, #tpu.memory_space<vmem>>, vector<2048x128xf32>
    %mul3A = arith.mulf %add3A, %get3A_11 : vector<2048x128xf32>
    %get3A_12 = arith.constant 0 : index
    %get3A_13 = arith.constant 0 : index
    %get3A_14 = vector.load %arg4[%get3A_12, %get3A_13] : memref<128x128xf32, #tpu.memory_space<vmem>>, vector<128x128xf32>
    %dot_general3A = arith.constant dense<0.000000e+00> : vector<2048x128xf32>
    %dot_general3A_15 = tpu.matmul %mul3A, %get3A_14, %dot_general3A {dimension_numbers = #tpu.dot_dimension_numbers<[1], [0], [0], [1], [0, 0, 1, 1], [], []>, transpose_lhs_hint = false} : vector<2048x128xf32>, vector<128x128xf32>, vector<2048x128xf32> -> vector<2048x128xf32>
    %get3A_16 = arith.constant 0 : index
    %get3A_17 = arith.constant 0 : index
    %get3A_18 = vector.load %arg5[%get3A_16, %get3A_17] : memref<1x128xf32, #tpu.memory_space<vmem>>, vector<1x128xf32>
    %add3A_19 = vector.broadcast %get3A_18 : vector<1x128xf32> to vector<2048x128xf32>
    %add3A_20 = arith.addf %dot_general3A_15, %add3A_19 : vector<2048x128xf32>
    %max3A = arith.constant 0.000000e+00 : f32
    %max3A_21 = vector.broadcast %max3A : f32 to vector<2048x128xf32>
    %max3A_22 = arith.maximumf %add3A_20, %max3A_21 : vector<2048x128xf32>
    %get3A_23 = arith.constant 0 : index
    %get3A_24 = arith.constant 0 : index
    %get3A_25 = vector.load %arg3[%get3A_23, %get3A_24] : memref<2048x128xf32, #tpu.memory_space<vmem>>, vector<2048x128xf32>
    %mul3A_26 = arith.mulf %max3A_22, %get3A_25 : vector<2048x128xf32>
    %swap3A = arith.constant 0 : index
    %swap3A_27 = arith.constant 0 : index
    %swap3A_28 = vector.load %arg6[%swap3A, %swap3A_27] : memref<2048x128xf32, #tpu.memory_space<vmem>>, vector<2048x128xf32>
    tpu.vector_store %arg6[%swap3A, %swap3A_27], %mul3A_26 {strides = array<i32>} : memref<2048x128xf32, #tpu.memory_space<vmem>>, vector<2048x128xf32>,
    return
  }
  func.func @transform_0(%arg0: i32) -> (i32, i32, i32) {
    %c0_i32 = arith.constant 0 : i32
    %c0_i32_0 = arith.constant 0 : i32
    %c0_i32_1 = arith.constant 0 : i32
    return %c0_i32, %arg0, %c0_i32_0 : i32, i32, i32
  }
  func.func @transform_1(%arg0: i32) -> (i32, i32) {
    %c0_i32 = arith.constant 0 : i32
    %c0_i32_0 = arith.constant 0 : i32
    return %arg0, %c0_i32 : i32, i32
  }
  func.func @transform_2(%arg0: i32) -> (i32, i32) {
    %c0_i32 = arith.constant 0 : i32
    %c0_i32_0 = arith.constant 0 : i32
    return %arg0, %c0_i32 : i32, i32
  }
  func.func @transform_3(%arg0: i32) -> (i32, i32) {
    %c0_i32 = arith.constant 0 : i32
    %c0_i32_0 = arith.constant 0 : i32
    %c0_i32_1 = arith.constant 0 : i32
    return %c0_i32, %c0_i32_0 : i32, i32
  }
  func.func @transform_4(%arg0: i32) -> (i32, i32) {
    %c0_i32 = arith.constant 0 : i32
    %c0_i32_0 = arith.constant 0 : i32
    %c0_i32_1 = arith.constant 0 : i32
    return %c0_i32, %c0_i32_0 : i32, i32
  }
  func.func @transform_5(%arg0: i32) -> (i32, i32) {
    %c0_i32 = arith.constant 0 : i32
    %c0_i32_0 = arith.constant 0 : i32
    return %arg0, %c0_i32 : i32, i32
  }
}

module attributes {stable_mosaic.version = 14 : i64} {
  func.func @body(%arg0: i32, %arg1: memref<2x2048x128xf32, #tpu.memory_space<vmem>>, %arg2: memref<2048x128xf32, #tpu.memory_space<vmem>>, %arg3: memref<2048x128xf32, #tpu.memory_space<vmem>>, %arg4: memref<128x128xf32, #tpu.memory_space<vmem>>, %arg5: memref<1x128xf32, #tpu.memory_space<vmem>>, %arg6: memref<128x48xf32, #tpu.memory_space<vmem>>, %arg7: memref<2048x48xf32, #tpu.memory_space<vmem>>) attributes {dimension_semantics = [#tpu.dimension_semantics<arbitrary>], iteration_bounds = array<i64: 5>, scalar_prefetch = 0 : i64, scratch_operands = 0 : i64, tpu.core_type = #tpu.core_type<tc>, window_params = [{transform_indices = @transform_0, window_bounds = array<i64: 2, 2048, 128>}, {transform_indices = @transform_1, window_bounds = array<i64: 2048, 128>}, {transform_indices = @transform_2, window_bounds = array<i64: 2048, 128>}, {pipeline_mode = #tpu.pipeline_mode<synchronous>, transform_indices = @transform_3, window_bounds = array<i64: 128, 128>}, {pipeline_mode = #tpu.pipeline_mode<synchronous>, transform_indices = @transform_4, window_bounds = array<i64: 1, 128>}, {pipeline_mode = #tpu.pipeline_mode<synchronous>, transform_indices = @transform_5, window_bounds = array<i64: 128, 48>}, {transform_indices = @transform_6, window_bounds = array<i64: 2048, 48>}]} {
    %get3A = arith.constant 0 : index
    %get3A_0 = arith.constant 0 : index
    %get3A_1 = arith.constant 0 : index
    %get3A_2 = vector.load %arg1[%get3A, %get3A_0, %get3A_1] : memref<2x2048x128xf32, #tpu.memory_space<vmem>>, vector<1x2048x128xf32>
    %get3A_3 = vector.shape_cast %get3A_2 : vector<1x2048x128xf32> to vector<2048x128xf32>
    %get3A_4 = arith.constant 1 : index
    %get3A_5 = arith.constant 0 : index
    %get3A_6 = arith.constant 0 : index
    %get3A_7 = vector.load %arg1[%get3A_4, %get3A_5, %get3A_6] : memref<2x2048x128xf32, #tpu.memory_space<vmem>>, vector<1x2048x128xf32>
    %get3A_8 = vector.shape_cast %get3A_7 : vector<1x2048x128xf32> to vector<2048x128xf32>
    %add3A = arith.addf %get3A_3, %get3A_8 : vector<2048x128xf32>
    %get3A_9 = arith.constant 0 : index
    %get3A_10 = arith.constant 0 : index
    %get3A_11 = vector.load %arg2[%get3A_9, %get3A_10] : memref<2048x128xf32, #tpu.memory_space<vmem>>, vector<2048x128xf32>
    %mul3A = arith.mulf %add3A, %get3A_11 : vector<2048x128xf32>
    %get3A_12 = arith.constant 0 : index
    %get3A_13 = arith.constant 0 : index
    %get3A_14 = vector.load %arg4[%get3A_12, %get3A_13] : memref<128x128xf32, #tpu.memory_space<vmem>>, vector<128x128xf32>
    %dot_general3A = arith.constant dense<0.000000e+00> : vector<2048x128xf32>
    %dot_general3A_15 = tpu.matmul %mul3A, %get3A_14, %dot_general3A {dimension_numbers = #tpu.dot_dimension_numbers<[1], [0], [0], [1], [0, 0, 1, 1], [], []>, transpose_lhs_hint = false} : vector<2048x128xf32>, vector<128x128xf32>, vector<2048x128xf32> -> vector<2048x128xf32>
    %get3A_16 = arith.constant 0 : index
    %get3A_17 = arith.constant 0 : index
    %get3A_18 = vector.load %arg5[%get3A_16, %get3A_17] : memref<1x128xf32, #tpu.memory_space<vmem>>, vector<1x128xf32>
    %add3A_19 = vector.broadcast %get3A_18 : vector<1x128xf32> to vector<2048x128xf32>
    %add3A_20 = arith.addf %dot_general3A_15, %add3A_19 : vector<2048x128xf32>
    %max3A = arith.constant 0.000000e+00 : f32
    %max3A_21 = vector.broadcast %max3A : f32 to vector<2048x128xf32>
    %max3A_22 = arith.maximumf %add3A_20, %max3A_21 : vector<2048x128xf32>
    %get3A_23 = arith.constant 0 : index
    %get3A_24 = arith.constant 0 : index
    %get3A_25 = vector.load %arg6[%get3A_23, %get3A_24] : memref<128x48xf32, #tpu.memory_space<vmem>>, vector<128x48xf32>
    %dot_general3A_26 = arith.constant dense<0.000000e+00> : vector<2048x48xf32>
    %dot_general3A_27 = tpu.matmul %max3A_22, %get3A_25, %dot_general3A_26 {dimension_numbers = #tpu.dot_dimension_numbers<[1], [0], [0], [1], [0, 0, 1, 1], [], []>, transpose_lhs_hint = false} : vector<2048x128xf32>, vector<128x48xf32>, vector<2048x48xf32> -> vector<2048x48xf32>
    %get3A_28 = arith.constant 0 : index
    %get3A_29 = arith.constant 0 : index
    %get3A_30 = vector.load %arg3[%get3A_28, %get3A_29] : memref<2048x128xf32, #tpu.memory_space<vmem>>, vector<2048x128xf32>
    %slice3A = vector.extract_strided_slice %get3A_30 {offsets = [0, 0], sizes = [2048, 48], strides = [1, 1]} : vector<2048x128xf32> to vector<2048x48xf32>
    %mul3A_31 = arith.mulf %dot_general3A_27, %slice3A : vector<2048x48xf32>
    %swap3A = arith.constant 0 : index
    %swap3A_32 = arith.constant 0 : index
    %swap3A_33 = vector.load %arg7[%swap3A, %swap3A_32] : memref<2048x48xf32, #tpu.memory_space<vmem>>, vector<2048x48xf32>
    tpu.vector_store %arg7[%swap3A, %swap3A_32], %mul3A_31 {strides = array<i32>} : memref<2048x48xf32, #tpu.memory_space<vmem>>, vector<2048x48xf32>,
    return
  }
  func.func @transform_0(%arg0: i32) -> (i32, i32, i32) {
    %c0_i32 = arith.constant 0 : i32
    %c0_i32_0 = arith.constant 0 : i32
    %c0_i32_1 = arith.constant 0 : i32
    return %c0_i32, %arg0, %c0_i32_0 : i32, i32, i32
  }
  func.func @transform_1(%arg0: i32) -> (i32, i32) {
    %c0_i32 = arith.constant 0 : i32
    %c0_i32_0 = arith.constant 0 : i32
    return %arg0, %c0_i32 : i32, i32
  }
  func.func @transform_2(%arg0: i32) -> (i32, i32) {
    %c0_i32 = arith.constant 0 : i32
    %c0_i32_0 = arith.constant 0 : i32
    return %arg0, %c0_i32 : i32, i32
  }
  func.func @transform_3(%arg0: i32) -> (i32, i32) {
    %c0_i32 = arith.constant 0 : i32
    %c0_i32_0 = arith.constant 0 : i32
    %c0_i32_1 = arith.constant 0 : i32
    return %c0_i32, %c0_i32_0 : i32, i32
  }
  func.func @transform_4(%arg0: i32) -> (i32, i32) {
    %c0_i32 = arith.constant 0 : i32
    %c0_i32_0 = arith.constant 0 : i32
    %c0_i32_1 = arith.constant 0 : i32
    return %c0_i32, %c0_i32_0 : i32, i32
  }
  func.func @transform_5(%arg0: i32) -> (i32, i32) {
    %c0_i32 = arith.constant 0 : i32
    %c0_i32_0 = arith.constant 0 : i32
    %c0_i32_1 = arith.constant 0 : i32
    return %c0_i32, %c0_i32_0 : i32, i32
  }
  func.func @transform_6(%arg0: i32) -> (i32, i32) {
    %c0_i32 = arith.constant 0 : i32
    %c0_i32_0 = arith.constant 0 : i32
    return %arg0, %c0_i32 : i32, i32
  }
}

module attributes {stable_mosaic.version = 14 : i64} {
  func.func @body(%arg0: i32, %arg1: memref<2x2048x48xf32, #tpu.memory_space<vmem>>, %arg2: memref<2048x128xf32, #tpu.memory_space<vmem>>, %arg3: memref<1x48xf32, #tpu.memory_space<vmem>>, %arg4: memref<2048x48xf32, #tpu.memory_space<vmem>>) attributes {dimension_semantics = [#tpu.dimension_semantics<arbitrary>], iteration_bounds = array<i64: 5>, scalar_prefetch = 0 : i64, scratch_operands = 0 : i64, tpu.core_type = #tpu.core_type<tc>, window_params = [{transform_indices = @transform_0, window_bounds = array<i64: 2, 2048, 48>}, {transform_indices = @transform_1, window_bounds = array<i64: 2048, 128>}, {pipeline_mode = #tpu.pipeline_mode<synchronous>, transform_indices = @transform_2, window_bounds = array<i64: 1, 48>}, {transform_indices = @transform_3, window_bounds = array<i64: 2048, 48>}]} {
    %get3A = arith.constant 0 : index
    %get3A_0 = arith.constant 0 : index
    %get3A_1 = arith.constant 0 : index
    %get3A_2 = vector.load %arg1[%get3A, %get3A_0, %get3A_1] : memref<2x2048x48xf32, #tpu.memory_space<vmem>>, vector<1x2048x48xf32>
    %get3A_3 = vector.shape_cast %get3A_2 : vector<1x2048x48xf32> to vector<2048x48xf32>
    %get3A_4 = arith.constant 1 : index
    %get3A_5 = arith.constant 0 : index
    %get3A_6 = arith.constant 0 : index
    %get3A_7 = vector.load %arg1[%get3A_4, %get3A_5, %get3A_6] : memref<2x2048x48xf32, #tpu.memory_space<vmem>>, vector<1x2048x48xf32>
    %get3A_8 = vector.shape_cast %get3A_7 : vector<1x2048x48xf32> to vector<2048x48xf32>
    %add3A = arith.addf %get3A_3, %get3A_8 : vector<2048x48xf32>
    %get3A_9 = arith.constant 0 : index
    %get3A_10 = arith.constant 0 : index
    %get3A_11 = vector.load %arg2[%get3A_9, %get3A_10] : memref<2048x128xf32, #tpu.memory_space<vmem>>, vector<2048x128xf32>
    %slice3A = vector.extract_strided_slice %get3A_11 {offsets = [0, 0], sizes = [2048, 48], strides = [1, 1]} : vector<2048x128xf32> to vector<2048x48xf32>
    %mul3A = arith.mulf %add3A, %slice3A : vector<2048x48xf32>
    %get3A_12 = arith.constant 0 : index
    %get3A_13 = arith.constant 0 : index
    %get3A_14 = vector.load %arg3[%get3A_12, %get3A_13] : memref<1x48xf32, #tpu.memory_space<vmem>>, vector<1x48xf32>
    %add3A_15 = vector.broadcast %get3A_14 : vector<1x48xf32> to vector<2048x48xf32>
    %add3A_16 = arith.addf %mul3A, %add3A_15 : vector<2048x48xf32>
    %swap3A = arith.constant 0 : index
    %swap3A_17 = arith.constant 0 : index
    %swap3A_18 = vector.load %arg4[%swap3A, %swap3A_17] : memref<2048x48xf32, #tpu.memory_space<vmem>>, vector<2048x48xf32>
    tpu.vector_store %arg4[%swap3A, %swap3A_17], %add3A_16 {strides = array<i32>} : memref<2048x48xf32, #tpu.memory_space<vmem>>, vector<2048x48xf32>,
    return
  }
  func.func @transform_0(%arg0: i32) -> (i32, i32, i32) {
    %c0_i32 = arith.constant 0 : i32
    %c0_i32_0 = arith.constant 0 : i32
    %c0_i32_1 = arith.constant 0 : i32
    return %c0_i32, %arg0, %c0_i32_0 : i32, i32, i32
  }
  func.func @transform_1(%arg0: i32) -> (i32, i32) {
    %c0_i32 = arith.constant 0 : i32
    %c0_i32_0 = arith.constant 0 : i32
    return %arg0, %c0_i32 : i32, i32
  }
  func.func @transform_2(%arg0: i32) -> (i32, i32) {
    %c0_i32 = arith.constant 0 : i32
    %c0_i32_0 = arith.constant 0 : i32
    %c0_i32_1 = arith.constant 0 : i32
    return %c0_i32, %c0_i32_0 : i32, i32
  }
  func.func @transform_3(%arg0: i32) -> (i32, i32) {
    %c0_i32 = arith.constant 0 : i32
    %c0_i32_0 = arith.constant 0 : i32
    return %arg0, %c0_i32 : i32, i32
  }
}

</mosaic_0001>

<sc_bundles>
// kernel: kernel.10.cloned.1.call-start
scs
__scs_entry_jumppad:
0x0: {  	(pc) =	sbr.rel $0x88, $3  }
0x1: {  	(tag) =	ssettag $0x0;
	lr =	simm.s32 $0x1  }
0x2: {  	[smem:$0x3F99] =	sst lr;
	_ =	strace $0xD0000000  }
0x3: {  	_ = 	snop  }
0x4: {  	_ = 	snop  }
0x5: {  	_ = 	snop  }
0x6: {  	_ = 	snop  }
0x7: {  	_ = 	snop  }
__scs_overlays_trampoline_lowered:
0x8: {  	[smem:$0x3FA8] =	sst s0  }
0x9: {  	[smem:$0x3FA9] =	sst s1  }
0xa: {  	[smem:$0x3FAA] =	sst s2  }
0xb: {  	[smem:$0x3FAB] =	sst s3  }
0xc: {  	[smem:$0x3FAC] =	sst s4  }
0xd: {  	[smem:$0x3FAD] =	sst s5  }
0xe: {  	[smem:$0x3FAE] =	sst s6  }
0xf: {  	[smem:$0x3FAF] =	sst s7  }
0x10: {  	[smem:$0x3FB0] =	sst s8  }
0x11: {  	[smem:$0x3FB1] =	sst s9;
	s0 =	simm.s32 @!p0 $0x0  }
0x12: {  	s1 =	sld [smem:$0x3F97];
	s0 =	simm.s32 @p0 $0x1  }
0x13: {  	[smem:$0x3FB2] =	sst s0;
	s0 =	simm.s32 @!p1 $0x0  }
0x14: {  	s2 =	sld [smem:$0x3F96];
	s0 =	simm.s32 @p1 $0x1  }
0x15: {  	[smem:$0x3FB3] =	sst s0;
	s0 =	simm.s32 @!p2 $0x0  }
0x16: {  	s3 =	sld [smem:$0x3FDB];
	s0 =	simm.s32 @p2 $0x1  }
0x17: {  	s4 =	simm.s32 $0x1BF5;
	[smem:$0x3FB5] =	sst s0  }
0x18: {  	s0 =	sld [smem:$0x3F98];
	_ =	swait.ge [sflag:s4], $0x0  }
0x19: {  	s7 =	sld [smem:$0x3F99]  }
0x1a: {  	s8 =	sadd.s32 $0xFFFFE003, lr  }
0x1b: {  	s9 =	sadd.s32 $0xFFFFFEF7, lr;
	s5 =	simm.s32 $0xFFFFFFFF;
	p2 =	slt.u32 s8, $0xFFFFF086  }
0x1c: {  	p1 =	slt.u32 s9, $0xF7A;
	s5 =	simm.s32 @!p2 $0x0  }
0x1d: {  	s5 =	simm.s32 @p1 $0x1;
	p0 =	seq.s32 s7, s2  }
0x1e: {  	s7 =	smul.u32 @!p0 $0xF7A, s2;
	p2 =	seq.s32 @!p0 s5, $0x0  }
0x1f: {  	s9 =	smul.u32 $0xF7A, s1;
	s8 =	simm.s32 @!p0 $0x1BF5;
	p2 =	por !p2, p0  }
0x20: {  	[sflag:s8] =	ssyncset.s32 @!p0 $0xFFFFF086;
	s6 =	sadd.s32 @!p0 s3, s7;
	s7 =	simm.s32 @!p0 $0x108  }
0x21: {  	s3 =	sadd.s32 s3, s9;
	s6 =	sadd.s32 @!p0 $0x88, s6;
	s7 =	simm.s32 @p2 $0x1082  }
0x22: {  	[simem:s7], [sflag:s8] =	dma.local @!p0 [hbm:s6], $0xF7A  }
0x23: {  	s9 =	sor.u32 $0xD0000000, s2;
	s6 =	simm.s32 $0x108;
	_ =	swait.ge @!p0 [sflag:s8], $0x0  }
0x24: {  	s3 =	sadd.s32 $0x88, s3;
	s6 =	simm.s32 @!p1 $0x1082;
	[sflag:s4] =	ssyncset.s32 $0xFFFFF086  }
0x25: {  	[simem:s6], [sflag:s4] =	dma.local [hbm:s3], $0xF7A  }
0x26: {  	[smem:$0x3F99] =	sst s1;
	(tag) =	ssettag s2;
	_ =	strace s9  }
0x27: {  	s1 =	sld [smem:$0x3FA9]  }
0x28: {  	s2 =	sld [smem:$0x3FAA]  }
0x29: {  	s4 =	sld [smem:$0x3FAC]  }
0x2a: {  	p0 =	seq.s32 s5, $0x0;
	s5 =	sld [smem:$0x3FAD]  }
0x2b: {  	s6 =	sld [smem:$0x3FAE]  }
0x2c: {  	s7 =	sld [smem:$0x3FAF]  }
0x2d: {  	s3 =	simm.s32 $0x108;
	s8 =	sld [smem:$0x3FB0]  }
0x2e: {  	s3 =	simm.s32 @!p0 $0x1082;
	s9 =	sld [smem:$0x3FB1]  }
0x2f: {  	lr =	sadd.s32 s0, s3;
	s0 =	sld [smem:$0x3FA8]  }
0x30: {  	s3 =	sld [smem:$0x3FAB]  }
0x31: {  	[smem:$0x3FB4] =	sst s10  }
0x32: {  	s10 =	sld [smem:$0x3FB2];
	_ =	sdelay $0x3  }
0x33: {  	p0 =	seq.s32 s10, $0x1;
	s10 =	sld [smem:$0x3FB4];
	_ =	sdelay $0x3  }
0x34: {  	[smem:$0x3FB4] =	sst s10  }
0x35: {  	s10 =	sld [smem:$0x3FB3];
	_ =	sdelay $0x3  }
0x36: {  	p1 =	seq.s32 s10, $0x1;
	s10 =	sld [smem:$0x3FB4];
	_ =	sdelay $0x3  }
0x37: {  	[smem:$0x3FB4] =	sst s10  }
0x38: {  	s10 =	sld [smem:$0x3FB5]  }
0x39: {  	_ = 	snop;
	(pc) =	sbr.ind lr, $3  }
0x3a: {  	_ = 	snop  }
0x3b: {  	_ = 	snop  }
0x3c: {  	p2 =	seq.s32 s10, $0x1;
	s10 =	sld [smem:$0x3FB4]  }
0x3d: {  	_ =	shalt  }
0x3e: {  	_ =	shalt  }
0x3f: {  	_ =	shalt  }
0x40: {  	_ =	shalt  }
0x41: {  	_ =	shalt  }
0x42: {  	_ =	shalt  }
0x43: {  	_ =	shalt  }
0x44: {  	_ =	shalt  }
0x45: {  	_ =	shalt  }
0x46: {  	_ =	shalt  }
0x47: {  	_ =	shalt  }
0x48: {  	_ =	shalt  }
0x49: {  	_ =	shalt  }
0x4a: {  	_ =	shalt  }
0x4b: {  	_ =	shalt  }
0x4c: {  	_ =	shalt  }
0x4d: {  	_ =	shalt  }
0x4e: {  	_ =	shalt  }
0x4f: {  	_ =	shalt  }
0x50: {  	_ =	shalt  }
0x51: {  	_ =	shalt  }
0x52: {  	_ =	shalt  }
0x53: {  	_ =	shalt  }
0x54: {  	_ =	shalt  }
0x55: {  	_ =	shalt  }
0x56: {  	_ =	shalt  }
0x57: {  	_ =	shalt  }
0x58: {  	_ =	shalt  }
0x59: {  	_ =	shalt  }
0x5a: {  	_ =	shalt  }
0x5b: {  	_ =	shalt  }
0x5c: {  	_ =	shalt  }
0x5d: {  	_ =	shalt  }
0x5e: {  	_ =	shalt  }
0x5f: {  	_ =	shalt  }
0x60: {  	_ =	shalt  }
0x61: {  	_ =	shalt  }
0x62: {  	_ =	shalt  }
0x63: {  	_ =	shalt  }
0x64: {  	_ =	shalt  }
0x65: {  	_ =	shalt  }
0x66: {  	_ =	shalt  }
0x67: {  	_ =	shalt  }
0x68: {  	_ =	shalt  }
0x69: {  	_ =	shalt  }
0x6a: {  	_ =	shalt  }
0x6b: {  	_ =	shalt  }
0x6c: {  	_ =	shalt  }
0x6d: {  	_ =	shalt  }
0x6e: {  	_ =	shalt  }
0x6f: {  	_ =	shalt  }
0x70: {  	_ =	shalt  }
0x71: {  	_ =	shalt  }
0x72: {  	_ =	shalt  }
0x73: {  	_ =	shalt  }
0x74: {  	_ =	shalt  }
0x75: {  	_ =	shalt  }
0x76: {  	_ =	shalt  }
0x77: {  	_ =	shalt  }
0x78: {  	_ =	shalt  }
0x79: {  	_ =	shalt  }
0x7a: {  	_ =	shalt  }
0x7b: {  	_ =	shalt  }
0x7c: {  	_ =	shalt  }
0x7d: {  	_ =	shalt  }
0x7e: {  	_ =	shalt  }
0x7f: {  	_ =	shalt  }
0x80: {  	_ =	shalt  }
0x81: {  	_ =	shalt  }
0x82: {  	_ =	shalt  }
0x83: {  	_ =	shalt  }
0x84: {  	_ =	shalt  }
0x85: {  	_ =	shalt  }
0x86: {  	_ =	shalt  }
0x87: {  	_ =	shalt  }
.Lfunc_end0:
.L_simem_size_0:
called_computation_lowered:
.L_overlay_start_0:
0x88: {  	s2 =	sld [smem:$0x3FD9]  }
0x89: {  	s3 =	sld [smem:$0x3FFE];
	_ =	sdelay $0x1  }
0x8a: {  	s1 =	srdreg.scid  }
0x8b: {  	s0 =	sand.u32 $0x1, s1  }
0x8c: {  	s17 =	sshll.u32 s0, $0xA;
	s2 =	sadd.s32 s3, s2  }
0x8d: {  	s2 =	sadd.s32 s2, s17  }
0x8e: {  	[smem:$0x3FC0] =	sst s2  }
0x8f: {  	_ = 	snop  }
0x90: {  	s2 =	sld [smem:$0x3FD0];
	(tm) =	ssettm $0x1  }
0x91: {  	s18 =	sld [smem:$0x3FFB];
	_ =	sdelay $0x3  }
0x92: {  	_ =	strace s18  }
0x93: {  	s3 =	sld [smem:$0x3FFC];
	_ =	sdelay $0x3  }
0x94: {  	_ =	strace s3  }
0x95: {  	s3 =	sld [smem:$0x3FFD];
	_ =	sdelay $0x3  }
0x96: {  	_ =	strace s3  }
0x97: {  	_ =	strace $0x8FFFFFFF  }
0x98: {  	s19 =	sld [smem:$0x3FDB];
	_ =	sdelay $0x1  }
0x99: {  	s4 =	simm.s32 $_scs_section_size  }
0x9a: {  	s5 =	simm.s32 $_size__tile_overlayer_lowered;
	s6 =	simm.s32 $_tile_overlayer_lowered  }
0x9b: {  	s22 =	simm.s32 $0x1BFF;
	s21 =	sshll.u32 s6, $0x1;
	s3 =	sadd.s32 s4, s19  }
0x9c: {  	s7 =	simm.s32 $0x0;
	s20 =	sshll.u32 s5, $0x1;
	s5 =	sadd.s32 s21, s3  }
0x9d: {  	[timem:s7], [sflag:s22] =	dma.local [hbm:s5], s20  }
0x9e: {  	_ =	swait.ge [sflag:s22], s20  }
0x9f: {  	s4 =	ssub.s32 $0x0, s20;
	[sflag:s22] =	ssyncset.done $0x0  }
0xa0: {  	[sflag:s22] =	ssyncadd.s32 s4;
	_ =	sdelay $0x1  }
0xa1: {  	s23 =	simm.s32 $0x1B8B  }
0xa2: {  	_ =	swait.ge [sflag:s23], $0x1  }
0xa3: {  	[sflag:s23] =	ssyncset.done $0x0  }
0xa4: {  	s25 =	simm.s32 $0x1B8E;
	s24 =	sld [smem:$0x3FFE];
	[sflag:s23] =	ssyncadd.s32 $0xFFFFFFFF  }
0xa5: {  	s26 =	simm.s32 $execute0_lowered;
	[smem:$0x3FD2] =	sst s25  }
0xa6: {  	s5 =	sshll.u32 s26, $0x1;
	_ =	strace $0x80000046;
	[dreg:$0x1] =	wrdreg $0xFFFFFFFF  }
0xa7: {  	s28 =	simm.s32 $_size_execute0_lowered;
	s3 =	sadd.s32 s3, s5;
	[dreg:$0x0] =	wrdreg $0x0  }
0xa8: {  	s5 =	sshll.u32 s28, $0x1;
	[dreg:$0x2] =	wrdreg s3  }
0xa9: {  	[dreg:$0x3] =	wrdreg s5  }
0xaa: {  	[dreg:$0x4] =	wrdreg $0xC0  }
0xab: {  	_ =	task [dreg:s7], $0x5FFFF  }
0xac: {  	[dreg:$0x1] =	wrdreg $0xFFFFFFFF  }
0xad: {  	[dreg:$0x0] =	wrdreg $0x60  }
0xae: {  	[dreg:$0x2] =	wrdreg s2  }
0xaf: {  	[dreg:$0x3] =	wrdreg s24  }
0xb0: {  	[dreg:$0x4] =	wrdreg $0x57D00  }
0xb1: {  	[dreg:$0x5] =	wrdreg $0x7FD00  }
0xb2: {  	[dreg:$0x6] =	wrdreg $0x9  }
0xb3: {  	_ =	task.clear_ibuf [dreg:s7], $0x7FFFF;
	_ =	strace $0x90000046  }
0xb4: {  	s29 =	simm.s32 $0x9;
	_ =	strace $0x80000048  }
0xb5: {  	_ =	swait.ge [sflag:s29], $0x1  }
0xb6: {  	[sflag:s29] =	ssyncadd.s32 $0xFFFFFFFF  }
0xb7: {  	_ =	strace $0x90000048  }
0xb8: {  	_ =	sfence  }
0xb9: {  	s30 =	sld [smem:$0x0];
	_ =	sdelay $0x2  }
0xba: {  	s31 =	sshll.u32 s1, $0xD;
	s1 =	sshrl.u32 s1, $0x2  }
0xbb: {  	s3 =	sand.u32 $0x4000, s31;
	s1 =	sadd.s32 s1, s30  }
0xbc: {  	s0 =	sor.u32 s3, s0;
	s1 =	sshll.u32 s1, $0x11  }
0xbd: {  	s0 =	sor.u32 s1, s0  }
0xbe: {  	s0 =	sadd.s32 $0x8F2B, s0  }
0xbf: {  	[sflag:s0] =	ssyncadd.remote.s32 $0x1  }
0xc0: {  	_ =	sfence.sel $0xFFFF  }
0xc1: {  	[dreg:$0x0] =	wrdreg $0xFFFFFFFF;
	(pc) =	sbr.abs _section_cstart, $3  }
0xc2: {  	[dreg:$0x1] =	wrdreg $0xFFFFFFFF  }
0xc3: {  	_ =	task.clear_ibuf [dreg:s7], $0x2FFFF;
	_ =	strace $0x9FFFFFFF  }
0xc4: {  	(tm) =	ssettm $0x7FFFFFFF  }
0xc5: {  	_ =	shalt  }
tec
execute0_lowered:
.L_overlay_start_1:
0x0: {  	(tag) =	ssettag $0x1  }
0x1: {  	s8 =	rddreg [dreg:$0x0]  }
0x2: {  	s7 =	rddreg [dreg:$0x1]  }
0x3: {  	s0 =	srdreg.scid;
	s2 =	rddreg [dreg:$0x2]  }
0x4: {  	s3 =	rddreg [dreg:$0x3];
	s4 =	simm.s32 $0x0;
	s17 =	simm.s32 $0x2800  }
0x5: {  	s18 =	simm.s32 $0x7D;
	s6 =	sand.u32 $0x1, s0;
	s0 =	stileid.u32  }
0x6: {  	s19 =	simm.s32 $0x0;
	[smem:$0x7FF] =	sst s4;
	s10 =	smul.u32 $0x2800, s0  }
0x7: {  	s5 =	sadd.s32 $0x11400, s7;
	s1 =	sshll.u32 s6, $0x4;
	s11 =	smul.u32 $0x50000, s6  }
0x8: {  	s6 =	ssub.s32 $0x2, s6;
	s31 =	sshll.u32 s0, $0x6;
	s1 =	sor.u32 s0, s1  }
0x9: {  	s30 =	sshrl.u32 s6, $0x1;
	s9 =	smul.u32 $0x500, s1;
	s1 =	rddreg [dreg:$0x4]  }
0xa: {  	_ =	strace $0x80000047;
	s11 =	sadd.s32 s10, s11;
	s13 =	sshrl.u32 s10, $0x3  }
0xb: {  	s14 =	ssub.s32 s6, s30;
	s15 =	sadd.s32 s10, s2;
	s16 =	sadd.s32 s10, s3  }
0xc: {  	s11 =	sshrl.u32 s11, $0x3;
	s13 =	sadd.s32 s13, s7;
	s12 =	sadd.s32 s9, s7  }
0xd: {  	s11 =	sadd.s32 s11, s7;
	s6 =	sadd.s32 $0xC400, s13;
	s7 =	sor.u32 $0x1C01, s31  }
0xe: {  	s8 =	sadd.s32 s8, s9;
	s13 =	sshrl.u32 s15, $0x3;
	s15 =	sshrl.u32 s16, $0x3  }
0xf: {  	s16 =	simm.s32 $0x5000;
	s9 =	sadd.s32 $0x2400, s12;
	s10 =	sadd.s32 $0x11600, s11  }
0x10: {  	s11 =	sadd.s32 $0x16600, s11;
	s12 =	smax.u32 s14, $0x1;
	s14 =	simm.s32 $0x1  }
.LBB2_1:
0x11: {  	[spmem:s13], [sflag:s7] =	dma.local [hbm:s6], $0x500  }
0x12: {  	_ =	swait.ge [sflag:s14], $0x500  }
0x13: {  	[sflag:s14] =	ssyncset.done $0x0  }
0x14: {  	[sflag:s14] =	ssyncadd.s32 $0xFFFFFB00  }
0x15: {  	[spmem:s15], [sflag:s7] =	dma.local [hbm:s6], $0x500  }
0x16: {  	_ =	swait.ge [sflag:s14], $0x500  }
0x17: {  	[sflag:s14] =	ssyncset.done $0x0  }
0x18: {  	[sflag:s14] =	ssyncadd.s32 $0xFFFFFB00  }
0x19: {  	[tilespmem:s16], [sflag:$0x1] =	stream.linear.gather [hbm4b:s5+s4], $0x7D0, $0x38;
	[tilespmem:$0xA7D0] =	vst v63  }
0x1a: {  	_ =	swait.ge [sflag:s14], $0x7D0  }
0x1b: {  	[sflag:s14] =	ssyncset.done $0x0  }
0x1c: {  	[sflag:s14] =	ssyncadd.s32 $0xFFFFF830  }
0x1d: {  	[tilespmem:s4], [sflag:$0x1] =	stream.linear.gather [hbm4b:s8+s4], $0x2800, $0x38;
	[tilespmem:$0xA7D0] =	vst v63  }
0x1e: {  	_ =	swait.ge [sflag:s14], $0x2800  }
0x1f: {  	[sflag:s14] =	ssyncset.done $0x0  }
0x20: {  	[sflag:s14] =	ssyncadd.s32 $0xFFFFD800  }
0x21: {  	[tilespmem:s17], [sflag:$0x1] =	stream.linear.gather [hbm4b:s9+s4], $0x2800, $0x38;
	[tilespmem:$0xA7D0] =	vst v63  }
0x22: {  	_ =	swait.ge [sflag:s14], $0x2800  }
0x23: {  	[sflag:s14] =	ssyncset.done $0x0  }
0x24: {  	[sflag:s14] =	ssyncadd.s32 $0xFFFFD800  }
0x25: {  	s20 =	simm.s32 $0x0;
	[bflag:$0x0] =	sbarrier.arrive $0xFFFF  }
0x26: {  	[spmem:s2] =	stream.indirect.scatter.add.f32 [tilespmem:s16], [sflag:$0x1], $0x10, s20, s18, $0xb8;
	[tilespmem:$0xA7D0] =	vst v63  }
0x27: {  	_ =	swait.ge [sflag:s14], $0x7D0  }
0x28: {  	[sflag:s14] =	ssyncset.done $0x0  }
0x29: {  	s31 =	simm.s32 $0x2800;
	[sflag:s14] =	ssyncadd.s32 $0xFFFFF830  }
0x2a: {  	[spmem:s3] =	stream.indirect.scatter.add.f32 [tilespmem:s16], [sflag:$0x1], $0x10, s31, s18, $0xb8;
	[tilespmem:$0xA7D0] =	vst v63  }
0x2b: {  	_ =	swait.ge [sflag:s14], $0x7D0  }
0x2c: {  	s21 =	simm.s32 $0x400;
	s20 =	simm.s32 $0x200;
	[sflag:s14] =	ssyncset.done $0x0  }
.LBB2_2:
0x2d: {  	s22 =	sshra.s32 s20, $0x2  }
0x2e: {  	[sflag:s14] =	ssyncadd.s32 $0xFFFFF830;
	s20 =	smov.u32 s21;
	s23 =	sadd.s32 $0x200, s21  }
0x2f: {  	[spmem:s2] =	stream.indirect.scatter.add.f32 [tilespmem:s16], [sflag:$0x1], $0x10, s22, s18, $0xb8;
	[tilespmem:$0xA7D0] =	vst v63  }
0x30: {  	p0 =	sne.s32 s21, $0x9E00;
	_ =	swait.ge [sflag:s14], $0x7D0  }
.Ltmp0:
0x31: {  	[sflag:s14] =	ssyncset.done $0x0;
	(pc) =	sbr.rel @p0 .LBB2_2-.Ltmp0, $4  }
0x32: {  	s21 =	sadd.s32 $0x2800, s22;
	[sflag:s14] =	ssyncadd.s32 $0xFFFFF830  }
0x33: {  	[spmem:s3] =	stream.indirect.scatter.add.f32 [tilespmem:s16], [sflag:$0x1], $0x10, s21, s18, $0xb8;
	[tilespmem:$0xA7D0] =	vst v63  }
0x34: {  	_ =	swait.ge [sflag:s14], $0x7D0  }
0x35: {  	s21 =	smov.u32 s23;
	[sflag:s14] =	ssyncset.done $0x0  }
0x36: {  	s20 =	sshra.s32 s20, $0x2;
	[sflag:s14] =	ssyncadd.s32 $0xFFFFF830  }
0x37: {  	[spmem:s2] =	stream.indirect.scatter.add.f32 [tilespmem:s16], [sflag:$0x1], $0x10, s20, s18, $0xb8;
	[tilespmem:$0xA7D0] =	vst v63  }
0x38: {  	_ =	swait.ge [sflag:s14], $0x7D0  }
0x39: {  	[sflag:s14] =	ssyncset.done $0x0  }
0x3a: {  	s20 =	sadd.s32 $0x2800, s20;
	[sflag:s14] =	ssyncadd.s32 $0xFFFFF830  }
0x3b: {  	[spmem:s3] =	stream.indirect.scatter.add.f32 [tilespmem:s16], [sflag:$0x1], $0x10, s20, s18, $0xb8;
	[tilespmem:$0xA7D0] =	vst v63  }
0x3c: {  	_ =	swait.ge [sflag:s14], $0x7D0  }
0x3d: {  	[sflag:s14] =	ssyncset.done $0x0  }
0x3e: {  	[sflag:s14] =	ssyncadd.s32 $0xFFFFF830  }
0x3f: {  	[bflag:$0x0] =	sbarrier.arrive $0xFFFF  }
0x40: {  	[hbm:s10], [sflag:s7] =	dma.local [spmem:s13], $0x500  }
0x41: {  	s19 =	sadd.s32 $0x1, s19;
	_ =	swait.ge [sflag:s14], $0x500  }
0x42: {  	p0 =	sne.s32 s19, s12;
	[sflag:s14] =	ssyncset.done $0x0  }
.Ltmp1:
0x43: {  	[sflag:s14] =	ssyncadd.s32 $0xFFFFFB00;
	(pc) =	sbr.rel @p0 .LBB2_1-.Ltmp1, $4  }
0x44: {  	[hbm:s11], [sflag:s7] =	dma.local [spmem:s15], $0x500  }
0x45: {  	_ =	swait.ge [sflag:s14], $0x500  }
0x46: {  	[sflag:s14] =	ssyncset.done $0x0  }
0x47: {  	[sflag:s14] =	ssyncadd.s32 $0xFFFFFB00  }
0x48: {  	_ =	sfence.sel $0x180000  }
0x49: {  	[bflag:$0x0] =	sbarrier.arrive $0xFFFF  }
0x4a: {  	p0 =	sne.s32 s0, $0x0;
	_ =	strace $0x90000047  }
0x4b: {  	s0 =	sadd.s32 @!p0 $0x100000, s1;
	[bflag:$0x2] =	sbarrier.arrive $0xFFFF  }
0x4c: {  	[sflag:s0] =	ssyncadd.tile.s32 @!p0 $0x1;
	_ =	shalt  }
.Lfunc_end2:
_tile_overlayer_lowered:
.L_overlay_start_2:
0x4d: {  	(tag) =	ssettag $0x2  }
0x4e: {  	s0 =	rddreg [dreg:$0x0];
	s2 =	stileid.u32  }
0x4f: {  	s1 =	rddreg [dreg:$0x1];
	p0 =	sne.s32 s2, $0x0  }
0x50: {  	s3 =	rddreg [dreg:$0x2];
	[bflag:$0x3] =	sbarrier.arrive $0xFFFF;
	s2 =	simm.s32 @!p0 $0x1C01  }
0x51: {  	[timem:s3], [sflag:s2] =	dma.local @!p0 [hbm:s0], s1  }
0x52: {  	s0 =	simm.s32 @!p0 $0x1  }
0x53: {  	_ =	swait.ge @!p0 [sflag:s0], s1  }
0x54: {  	s1 =	ssub.s32 @!p0 $0x0, s1;
	[sflag:s0] =	ssyncset.done @!p0 $0x0  }
0x55: {  	[sflag:s0] =	ssyncadd.s32 @!p0 s1  }
0x56: {  	[bflag:$0x3] =	sbarrier.arrive $0xFFFF  }
0x57: {  	_ =	shalt  }

// kernel: kernel.13.cloned.1.call-start
scs
__scs_entry_jumppad:
0x0: {  	(pc) =	sbr.rel $0x88, $3  }
0x1: {  	(tag) =	ssettag $0x0;
	lr =	simm.s32 $0x1  }
0x2: {  	[smem:$0x3F99] =	sst lr;
	_ =	strace $0xD0000000  }
0x3: {  	_ = 	snop  }
0x4: {  	_ = 	snop  }
0x5: {  	_ = 	snop  }
0x6: {  	_ = 	snop  }
0x7: {  	_ = 	snop  }
__scs_overlays_trampoline_lowered:
0x8: {  	[smem:$0x3FA8] =	sst s0  }
0x9: {  	[smem:$0x3FA9] =	sst s1  }
0xa: {  	[smem:$0x3FAA] =	sst s2  }
0xb: {  	[smem:$0x3FAB] =	sst s3  }
0xc: {  	[smem:$0x3FAC] =	sst s4  }
0xd: {  	[smem:$0x3FAD] =	sst s5  }
0xe: {  	[smem:$0x3FAE] =	sst s6  }
0xf: {  	[smem:$0x3FAF] =	sst s7  }
0x10: {  	[smem:$0x3FB0] =	sst s8  }
0x11: {  	[smem:$0x3FB1] =	sst s9;
	s0 =	simm.s32 @!p0 $0x0  }
0x12: {  	s1 =	sld [smem:$0x3F97];
	s0 =	simm.s32 @p0 $0x1  }
0x13: {  	[smem:$0x3FB2] =	sst s0;
	s0 =	simm.s32 @!p1 $0x0  }
0x14: {  	s2 =	sld [smem:$0x3F96];
	s0 =	simm.s32 @p1 $0x1  }
0x15: {  	[smem:$0x3FB3] =	sst s0;
	s0 =	simm.s32 @!p2 $0x0  }
0x16: {  	s3 =	sld [smem:$0x3FDB];
	s0 =	simm.s32 @p2 $0x1  }
0x17: {  	s4 =	simm.s32 $0x1BF5;
	[smem:$0x3FB5] =	sst s0  }
0x18: {  	s0 =	sld [smem:$0x3F98];
	_ =	swait.ge [sflag:s4], $0x0  }
0x19: {  	s7 =	sld [smem:$0x3F99]  }
0x1a: {  	s8 =	sadd.s32 $0xFFFFE003, lr  }
0x1b: {  	s9 =	sadd.s32 $0xFFFFFEF7, lr;
	s5 =	simm.s32 $0xFFFFFFFF;
	p2 =	slt.u32 s8, $0xFFFFF086  }
0x1c: {  	p1 =	slt.u32 s9, $0xF7A;
	s5 =	simm.s32 @!p2 $0x0  }
0x1d: {  	s5 =	simm.s32 @p1 $0x1;
	p0 =	seq.s32 s7, s2  }
0x1e: {  	s7 =	smul.u32 @!p0 $0xF7A, s2;
	p2 =	seq.s32 @!p0 s5, $0x0  }
0x1f: {  	s9 =	smul.u32 $0xF7A, s1;
	s8 =	simm.s32 @!p0 $0x1BF5;
	p2 =	por !p2, p0  }
0x20: {  	[sflag:s8] =	ssyncset.s32 @!p0 $0xFFFFF086;
	s6 =	sadd.s32 @!p0 s3, s7;
	s7 =	simm.s32 @!p0 $0x108  }
0x21: {  	s3 =	sadd.s32 s3, s9;
	s6 =	sadd.s32 @!p0 $0x88, s6;
	s7 =	simm.s32 @p2 $0x1082  }
0x22: {  	[simem:s7], [sflag:s8] =	dma.local @!p0 [hbm:s6], $0xF7A  }
0x23: {  	s9 =	sor.u32 $0xD0000000, s2;
	s6 =	simm.s32 $0x108;
	_ =	swait.ge @!p0 [sflag:s8], $0x0  }
0x24: {  	s3 =	sadd.s32 $0x88, s3;
	s6 =	simm.s32 @!p1 $0x1082;
	[sflag:s4] =	ssyncset.s32 $0xFFFFF086  }
0x25: {  	[simem:s6], [sflag:s4] =	dma.local [hbm:s3], $0xF7A  }
0x26: {  	[smem:$0x3F99] =	sst s1;
	(tag) =	ssettag s2;
	_ =	strace s9  }
0x27: {  	s1 =	sld [smem:$0x3FA9]  }
0x28: {  	s2 =	sld [smem:$0x3FAA]  }
0x29: {  	s4 =	sld [smem:$0x3FAC]  }
0x2a: {  	p0 =	seq.s32 s5, $0x0;
	s5 =	sld [smem:$0x3FAD]  }
0x2b: {  	s6 =	sld [smem:$0x3FAE]  }
0x2c: {  	s7 =	sld [smem:$0x3FAF]  }
0x2d: {  	s3 =	simm.s32 $0x108;
	s8 =	sld [smem:$0x3FB0]  }
0x2e: {  	s3 =	simm.s32 @!p0 $0x1082;
	s9 =	sld [smem:$0x3FB1]  }
0x2f: {  	lr =	sadd.s32 s0, s3;
	s0 =	sld [smem:$0x3FA8]  }
0x30: {  	s3 =	sld [smem:$0x3FAB]  }
0x31: {  	[smem:$0x3FB4] =	sst s10  }
0x32: {  	s10 =	sld [smem:$0x3FB2];
	_ =	sdelay $0x3  }
0x33: {  	p0 =	seq.s32 s10, $0x1;
	s10 =	sld [smem:$0x3FB4];
	_ =	sdelay $0x3  }
0x34: {  	[smem:$0x3FB4] =	sst s10  }
0x35: {  	s10 =	sld [smem:$0x3FB3];
	_ =	sdelay $0x3  }
0x36: {  	p1 =	seq.s32 s10, $0x1;
	s10 =	sld [smem:$0x3FB4];
	_ =	sdelay $0x3  }
0x37: {  	[smem:$0x3FB4] =	sst s10  }
0x38: {  	s10 =	sld [smem:$0x3FB5]  }
0x39: {  	_ = 	snop;
	(pc) =	sbr.ind lr, $3  }
0x3a: {  	_ = 	snop  }
0x3b: {  	_ = 	snop  }
0x3c: {  	p2 =	seq.s32 s10, $0x1;
	s10 =	sld [smem:$0x3FB4]  }
0x3d: {  	_ =	shalt  }
0x3e: {  	_ =	shalt  }
0x3f: {  	_ =	shalt  }
0x40: {  	_ =	shalt  }
0x41: {  	_ =	shalt  }
0x42: {  	_ =	shalt  }
0x43: {  	_ =	shalt  }
0x44: {  	_ =	shalt  }
0x45: {  	_ =	shalt  }
0x46: {  	_ =	shalt  }
0x47: {  	_ =	shalt  }
0x48: {  	_ =	shalt  }
0x49: {  	_ =	shalt  }
0x4a: {  	_ =	shalt  }
0x4b: {  	_ =	shalt  }
0x4c: {  	_ =	shalt  }
0x4d: {  	_ =	shalt  }
0x4e: {  	_ =	shalt  }
0x4f: {  	_ =	shalt  }
0x50: {  	_ =	shalt  }
0x51: {  	_ =	shalt  }
0x52: {  	_ =	shalt  }
0x53: {  	_ =	shalt  }
0x54: {  	_ =	shalt  }
0x55: {  	_ =	shalt  }
0x56: {  	_ =	shalt  }
0x57: {  	_ =	shalt  }
0x58: {  	_ =	shalt  }
0x59: {  	_ =	shalt  }
0x5a: {  	_ =	shalt  }
0x5b: {  	_ =	shalt  }
0x5c: {  	_ =	shalt  }
0x5d: {  	_ =	shalt  }
0x5e: {  	_ =	shalt  }
0x5f: {  	_ =	shalt  }
0x60: {  	_ =	shalt  }
0x61: {  	_ =	shalt  }
0x62: {  	_ =	shalt  }
0x63: {  	_ =	shalt  }
0x64: {  	_ =	shalt  }
0x65: {  	_ =	shalt  }
0x66: {  	_ =	shalt  }
0x67: {  	_ =	shalt  }
0x68: {  	_ =	shalt  }
0x69: {  	_ =	shalt  }
0x6a: {  	_ =	shalt  }
0x6b: {  	_ =	shalt  }
0x6c: {  	_ =	shalt  }
0x6d: {  	_ =	shalt  }
0x6e: {  	_ =	shalt  }
0x6f: {  	_ =	shalt  }
0x70: {  	_ =	shalt  }
0x71: {  	_ =	shalt  }
0x72: {  	_ =	shalt  }
0x73: {  	_ =	shalt  }
0x74: {  	_ =	shalt  }
0x75: {  	_ =	shalt  }
0x76: {  	_ =	shalt  }
0x77: {  	_ =	shalt  }
0x78: {  	_ =	shalt  }
0x79: {  	_ =	shalt  }
0x7a: {  	_ =	shalt  }
0x7b: {  	_ =	shalt  }
0x7c: {  	_ =	shalt  }
0x7d: {  	_ =	shalt  }
0x7e: {  	_ =	shalt  }
0x7f: {  	_ =	shalt  }
0x80: {  	_ =	shalt  }
0x81: {  	_ =	shalt  }
0x82: {  	_ =	shalt  }
0x83: {  	_ =	shalt  }
0x84: {  	_ =	shalt  }
0x85: {  	_ =	shalt  }
0x86: {  	_ =	shalt  }
0x87: {  	_ =	shalt  }
.Lfunc_end0:
.L_simem_size_0:
called_computation.1_lowered:
.L_overlay_start_0:
0x88: {  	s2 =	sld [smem:$0x3FD9]  }
0x89: {  	s3 =	sld [smem:$0x3FFE];
	_ =	sdelay $0x1  }
0x8a: {  	s1 =	srdreg.scid  }
0x8b: {  	s0 =	sand.u32 $0x1, s1  }
0x8c: {  	s17 =	sshll.u32 s0, $0xA;
	s2 =	sadd.s32 s3, s2  }
0x8d: {  	s2 =	sadd.s32 s2, s17  }
0x8e: {  	[smem:$0x3FC0] =	sst s2  }
0x8f: {  	_ = 	snop  }
0x90: {  	s2 =	sld [smem:$0x3FD0];
	(tm) =	ssettm $0x1  }
0x91: {  	s18 =	sld [smem:$0x3FFB];
	_ =	sdelay $0x3  }
0x92: {  	_ =	strace s18  }
0x93: {  	s3 =	sld [smem:$0x3FFC];
	_ =	sdelay $0x3  }
0x94: {  	_ =	strace s3  }
0x95: {  	s3 =	sld [smem:$0x3FFD];
	_ =	sdelay $0x3  }
0x96: {  	_ =	strace s3  }
0x97: {  	_ =	strace $0x8FFFFFFF  }
0x98: {  	s19 =	sld [smem:$0x3FDB];
	_ =	sdelay $0x1  }
0x99: {  	s4 =	simm.s32 $_scs_section_size  }
0x9a: {  	s5 =	simm.s32 $_size__tile_overlayer_lowered;
	s6 =	simm.s32 $_tile_overlayer_lowered  }
0x9b: {  	s22 =	simm.s32 $0x1BFF;
	s21 =	sshll.u32 s6, $0x1;
	s3 =	sadd.s32 s4, s19  }
0x9c: {  	s7 =	simm.s32 $0x0;
	s20 =	sshll.u32 s5, $0x1;
	s5 =	sadd.s32 s21, s3  }
0x9d: {  	[timem:s7], [sflag:s22] =	dma.local [hbm:s5], s20  }
0x9e: {  	_ =	swait.ge [sflag:s22], s20  }
0x9f: {  	s4 =	ssub.s32 $0x0, s20;
	[sflag:s22] =	ssyncset.done $0x0  }
0xa0: {  	[sflag:s22] =	ssyncadd.s32 s4;
	_ =	sdelay $0x1  }
0xa1: {  	s23 =	simm.s32 $0x1B8B  }
0xa2: {  	_ =	swait.ge [sflag:s23], $0x1  }
0xa3: {  	[sflag:s23] =	ssyncset.done $0x0  }
0xa4: {  	s25 =	simm.s32 $0x1B8E;
	s24 =	sld [smem:$0x3FFE];
	[sflag:s23] =	ssyncadd.s32 $0xFFFFFFFF  }
0xa5: {  	s26 =	simm.s32 $execute0_lowered;
	[smem:$0x3FD2] =	sst s25  }
0xa6: {  	s5 =	sshll.u32 s26, $0x1;
	_ =	strace $0x80000049;
	[dreg:$0x1] =	wrdreg $0xFFFFFFFF  }
0xa7: {  	s28 =	simm.s32 $_size_execute0_lowered;
	s3 =	sadd.s32 s3, s5;
	[dreg:$0x0] =	wrdreg $0x0  }
0xa8: {  	s5 =	sshll.u32 s28, $0x1;
	[dreg:$0x2] =	wrdreg s3  }
0xa9: {  	[dreg:$0x3] =	wrdreg s5  }
0xaa: {  	[dreg:$0x4] =	wrdreg $0xC0  }
0xab: {  	_ =	task [dreg:s7], $0x5FFFF  }
0xac: {  	[dreg:$0x1] =	wrdreg $0xFFFFFFFF  }
0xad: {  	[dreg:$0x0] =	wrdreg $0x60  }
0xae: {  	[dreg:$0x2] =	wrdreg s24  }
0xaf: {  	[dreg:$0x3] =	wrdreg s2  }
0xb0: {  	[dreg:$0x4] =	wrdreg $0xA6000  }
0xb1: {  	[dreg:$0x5] =	wrdreg $0x9  }
0xb2: {  	_ =	task.clear_ibuf [dreg:s7], $0x6FFFF;
	_ =	strace $0x90000049  }
0xb3: {  	s29 =	simm.s32 $0x9;
	_ =	strace $0x8000004B  }
0xb4: {  	_ =	swait.ge [sflag:s29], $0x1  }
0xb5: {  	[sflag:s29] =	ssyncadd.s32 $0xFFFFFFFF  }
0xb6: {  	_ =	strace $0x9000004B  }
0xb7: {  	_ =	sfence  }
0xb8: {  	s30 =	sld [smem:$0x0];
	_ =	sdelay $0x2  }
0xb9: {  	s31 =	sshll.u32 s1, $0xD;
	s1 =	sshrl.u32 s1, $0x2  }
0xba: {  	s3 =	sand.u32 $0x4000, s31;
	s1 =	sadd.s32 s1, s30  }
0xbb: {  	s0 =	sor.u32 s3, s0;
	s1 =	sshll.u32 s1, $0x11  }
0xbc: {  	s0 =	sor.u32 s1, s0  }
0xbd: {  	s0 =	sadd.s32 $0x8F2B, s0  }
0xbe: {  	[sflag:s0] =	ssyncadd.remote.s32 $0x1  }
0xbf: {  	_ =	sfence.sel $0xFFFF  }
0xc0: {  	[dreg:$0x0] =	wrdreg $0xFFFFFFFF;
	(pc) =	sbr.abs _section_cstart, $3  }
0xc1: {  	[dreg:$0x1] =	wrdreg $0xFFFFFFFF  }
0xc2: {  	_ =	task.clear_ibuf [dreg:s7], $0x2FFFF;
	_ =	strace $0x9FFFFFFF  }
0xc3: {  	(tm) =	ssettm $0x7FFFFFFF  }
tec
execute0_lowered:
.L_overlay_start_1:
0x0: {  	(tag) =	ssettag $0x1  }
0x1: {  	s0 =	rddreg [dreg:$0x0]  }
0x2: {  	s1 =	rddreg [dreg:$0x1]  }
0x3: {  	s2 =	rddreg [dreg:$0x2]  }
0x4: {  	s4 =	srdreg.scid;
	s11 =	stileid.u32;
	s3 =	simm.s32 $0x0  }
0x5: {  	s16 =	simm.s32 $0x7;
	s17 =	simm.s32 $0x2880;
	s18 =	simm.s32 $0x6780  }
0x6: {  	s19 =	simm.s32 $0x7D;
	s20 =	simm.s32 $0x2900;
	s21 =	simm.s32 $0x2800  }
0x7: {  	s22 =	simm.s32 $0x1;
	s28 =	simm.s32 $0x6;
	s30 =	simm.s32 $0x0  }
0x8: {  	s6 =	sand.u32 $0x1, s4;
	s7 =	smul.u32 $0x14000, s11;
	[smem:$0x7FF] =	sst s3  }
0x9: {  	s4 =	sadd.s32 $0xC400, s0;
	s14 =	sadd.s32 $0x2400, s0;
	s5 =	sadd.s32 $0x34400, s0  }
0xa: {  	s26 =	sshll.u32 s11, $0x6;
	s8 =	smul.u32 $0x140000, s6;
	_ =	strace $0x8000004A  }
0xb: {  	s9 =	sshll.u32 s6, $0x4;
	s10 =	ssub.s32 $0x2, s6;
	s24 =	smul.u32 $0x28000, s6  }
0xc: {  	s9 =	sor.u32 s11, s9;
	s23 =	sshrl.u32 s10, $0x1;
	s15 =	sadd.s32 s7, s2  }
0xd: {  	s25 =	sshrl.u32 s7, $0x3;
	s11 =	smul.u32 $0x2800, s11;
	s8 =	sadd.s32 s7, s8  }
0xe: {  	s9 =	smul.u32 $0x2800, s9;
	s12 =	ssub.s32 s10, s23;
	s6 =	sadd.s32 s5, s25  }
0xf: {  	s7 =	sor.u32 $0x1C07, s26;
	s15 =	sshrl.u32 s15, $0x3;
	s23 =	simm.s32 $0x4  }
0x10: {  	s25 =	simm.s32 $0x2;
	s26 =	simm.s32 $0x3;
	s8 =	sshrl.u32 s8, $0x3  }
0x11: {  	s29 =	sadd.s32 s11, s24;
	s12 =	smax.u32 s12, $0x1;
	s24 =	simm.s32 $0x5  }
0x12: {  	s0 =	sadd.s32 s8, s0;
	s9 =	sshrl.u32 s9, $0x3;
	s13 =	sor.u32 $0x100, s29  }
0x13: {  	s8 =	sadd.s32 s1, s9;
	s9 =	sadd.s32 s14, s9;
	s1 =	sor.u32 $0x80, s29  }
0x14: {  	s11 =	sadd.s32 $0x5C400, s0;
	s31 =	sshrl.u32 s13, $0x3;
	s1 =	sshrl.u32 s1, $0x3  }
0x15: {  	s10 =	sadd.s32 $0x4F0, s9;
	s13 =	sadd.s32 s31, s14;
	s14 =	sadd.s32 s1, s14  }
.LBB2_1:
0x16: {  	[spmem:s15], [sflag:s7] =	dma.local [hbm:s6], $0x2800  }
0x17: {  	_ =	swait.ge [sflag:s16], $0x2800  }
0x18: {  	[sflag:s16] =	ssyncset.done $0x0  }
0x19: {  	[sflag:s16] =	ssyncadd.s32 $0xFFFFD800  }
0x1a: {  	[tilespmem:s3], [sflag:$0x7] =	stream.linear.gather [hbm4b:s8+s3], $0x2800, $0x38;
	[tilespmem:$0x1E600] =	vst v63  }
0x1b: {  	_ =	swait.ge [sflag:s16], $0x2800  }
0x1c: {  	[sflag:s16] =	ssyncset.done $0x0  }
0x1d: {  	[sflag:s16] =	ssyncadd.s32 $0xFFFFD800  }
0x1e: {  	[tilespmem:s17], [sflag:$0x7] =	stream.linear.gather [hbm4b:s10+s3], $0x80, $0x38;
	[tilespmem:$0x1E600] =	vst v63  }
0x1f: {  	_ =	swait.ge [sflag:s16], $0x80  }
0x20: {  	[sflag:s16] =	ssyncset.done $0x0  }
0x21: {  	[sflag:s16] =	ssyncadd.s32 $0xFFFFFF80  }
0x22: {  	[tilespmem:s18], [sflag:$0x7] =	stream.linear.gather [hbm4b:s5+s3], $0x3E80, $0x38;
	[tilespmem:$0x1E600] =	vst v63  }
0x23: {  	_ =	swait.ge [sflag:s16], $0x3E80  }
0x24: {  	[sflag:s16] =	ssyncset.done $0x0  }
0x25: {  	[sflag:s16] =	ssyncadd.s32 $0xFFFFC180  }
0x26: {  	[bflag:$0x0] =	sbarrier.arrive $0xFFFF  }
0x27: {  	[tilespmem:s20], [sflag:$0x1] =	stream.indirect.gather [hbm4b:s4+s19], $0x80, s3, s19, $0xb8;
	[tilespmem:$0x1E600] =	vst v63  }
0x28: {  	_ = 	snop  }
0x29: {  	[spmem:s2] =	stream.indirect.scatter.add.f32 [tilespmem:s18], [sflag:$0x4], $0x80, s17, s19, $0xb8;
	[tilespmem:$0x1E600] =	vst v63  }
0x2a: {  	_ = 	snop  }
0x2b: {  	[tilespmem:s21], [sflag:$0x5] =	stream.linear.gather [hbm4b:s9+s3], $0x80, $0x38;
	[tilespmem:$0x1E600] =	vst v63  }
0x2c: {  	_ =	swait.ge [sflag:s22], $0x3E80  }
0x2d: {  	[sflag:s22] =	ssyncset.done $0x0  }
0x2e: {  	[sflag:s22] =	ssyncadd.s32 $0xFFFFC180  }
0x2f: {  	_ =	swait.ge [sflag:s23], $0x3E80  }
0x30: {  	[sflag:s23] =	ssyncset.done $0x0  }
0x31: {  	s0 =	simm.s32 $0x80;
	[sflag:s23] =	ssyncadd.s32 $0xFFFFC180  }
0x32: {  	[tilespmem:s18], [sflag:$0x2] =	stream.indirect.gather [hbm4b:s4+s19], $0x80, s0, s19, $0xb8;
	[tilespmem:$0x1E600] =	vst v63  }
0x33: {  	_ =	swait.ge [sflag:s24], $0x80  }
0x34: {  	[sflag:s24] =	ssyncset.done $0x0  }
0x35: {  	[sflag:s24] =	ssyncadd.s32 $0xFFFFFF80  }
0x36: {  	[spmem:s2] =	stream.indirect.scatter.add.f32 [tilespmem:s20], [sflag:$0x3], $0x80, s21, s19, $0xb8;
	[tilespmem:$0x1E600] =	vst v63  }
0x37: {  	s1 =	sadd.s32 $0x0, s14  }
0x38: {  	[tilespmem:s17], [sflag:$0x6] =	stream.linear.gather [hbm4b:s1+s3], $0x80, $0x38;
	[tilespmem:$0x1E600] =	vst v63  }
0x39: {  	_ =	swait.ge [sflag:s25], $0x3E80  }
0x3a: {  	[sflag:s25] =	ssyncset.done $0x0  }
0x3b: {  	[sflag:s25] =	ssyncadd.s32 $0xFFFFC180  }
0x3c: {  	_ =	swait.ge [sflag:s26], $0x3E80  }
0x3d: {  	[sflag:s26] =	ssyncset.done $0x0  }
0x3e: {  	s29 =	simm.s32 $0x100;
	[sflag:s26] =	ssyncadd.s32 $0xFFFFC180  }
0x3f: {  	[tilespmem:s20], [sflag:$0x1] =	stream.indirect.gather [hbm4b:s4+s19], $0x80, s29, s19, $0xb8;
	[tilespmem:$0x1E600] =	vst v63  }
0x40: {  	_ =	swait.ge [sflag:s28], $0x80  }
0x41: {  	s31 =	simm.s32 $0x20;
	[sflag:s28] =	ssyncset.done $0x0  }
0x42: {  	s0 =	simm.s32 $0x200;
	s1 =	sadd.s32 $0x0, s13;
	[sflag:s28] =	ssyncadd.s32 $0xFFFFFF80  }
0x43: {  	[spmem:s2] =	stream.indirect.scatter.add.f32 [tilespmem:s18], [sflag:$0x4], $0x80, s17, s19, $0xb8;
	[tilespmem:$0x1E600] =	vst v63  }
.LBB2_2:
0x44: {  	[tilespmem:s21], [sflag:$0x5] =	stream.linear.gather [hbm4b:s1+s3], $0x80, $0x38;
	[tilespmem:$0x1E600] =	vst v63  }
0x45: {  	s1 =	smov.u32 s31  }
0x46: {  	p0 =	sne.s32 s31, $0x4C0;
	s31 =	sadd.s32 $0x20, s31;
	_ =	swait.ge [sflag:s22], $0x3E80  }
0x47: {  	[sflag:s22] =	ssyncset.done $0x0  }
0x48: {  	[sflag:s22] =	ssyncadd.s32 $0xFFFFC180  }
0x49: {  	_ =	swait.ge [sflag:s23], $0x3E80  }
0x4a: {  	[sflag:s23] =	ssyncset.done $0x0  }
0x4b: {  	s29 =	sadd.s32 $0xFFFFFF80, s0;
	[sflag:s23] =	ssyncadd.s32 $0xFFFFC180  }
0x4c: {  	[tilespmem:s18], [sflag:$0x2] =	stream.indirect.gather [hbm4b:s4+s19], $0x80, s29, s19, $0xb8;
	[tilespmem:$0x1E600] =	vst v63  }
0x4d: {  	_ =	swait.ge [sflag:s24], $0x80  }
0x4e: {  	[sflag:s24] =	ssyncset.done $0x0  }
0x4f: {  	[sflag:s24] =	ssyncadd.s32 $0xFFFFFF80  }
0x50: {  	[spmem:s2] =	stream.indirect.scatter.add.f32 [tilespmem:s20], [sflag:$0x3], $0x80, s21, s19, $0xb8;
	[tilespmem:$0x1E600] =	vst v63  }
0x51: {  	s29 =	sadd.s32 s1, s14  }
0x52: {  	[tilespmem:s17], [sflag:$0x6] =	stream.linear.gather [hbm4b:s29+s3], $0x80, $0x38;
	[tilespmem:$0x1E600] =	vst v63  }
0x53: {  	_ =	swait.ge [sflag:s25], $0x3E80  }
0x54: {  	[sflag:s25] =	ssyncset.done $0x0  }
0x55: {  	[sflag:s25] =	ssyncadd.s32 $0xFFFFC180  }
0x56: {  	_ =	swait.ge [sflag:s26], $0x3E80  }
0x57: {  	[sflag:s26] =	ssyncset.done $0x0  }
0x58: {  	[sflag:s26] =	ssyncadd.s32 $0xFFFFC180  }
0x59: {  	[tilespmem:s20], [sflag:$0x1] =	stream.indirect.gather [hbm4b:s4+s19], $0x80, s0, s19, $0xb8;
	[tilespmem:$0x1E600] =	vst v63  }
.Ltmp0:
0x5a: {  	_ =	swait.ge [sflag:s28], $0x80;
	(pc) =	sbr.rel @p0 .LBB2_2-.Ltmp0, $4  }
0x5b: {  	[sflag:s28] =	ssyncset.done $0x0  }
0x5c: {  	[sflag:s28] =	ssyncadd.s32 $0xFFFFFF80  }
0x5d: {  	[spmem:s2] =	stream.indirect.scatter.add.f32 [tilespmem:s18], [sflag:$0x4], $0x80, s17, s19, $0xb8;
	[tilespmem:$0x1E600] =	vst v63  }
0x5e: {  	s1 =	sadd.s32 s1, s13;
	s0 =	sadd.s32 $0x100, s0  }
0x5f: {  	[tilespmem:s21], [sflag:$0x5] =	stream.linear.gather [hbm4b:s1+s3], $0x80, $0x38;
	[tilespmem:$0x1E600] =	vst v63  }
0x60: {  	_ =	swait.ge [sflag:s22], $0x3E80  }
0x61: {  	[sflag:s22] =	ssyncset.done $0x0  }
0x62: {  	[sflag:s22] =	ssyncadd.s32 $0xFFFFC180  }
0x63: {  	_ =	swait.ge [sflag:s23], $0x3E80  }
0x64: {  	[sflag:s23] =	ssyncset.done $0x0  }
0x65: {  	s0 =	simm.s32 $0x2780;
	[sflag:s23] =	ssyncadd.s32 $0xFFFFC180  }
0x66: {  	[tilespmem:s18], [sflag:$0x2] =	stream.indirect.gather [hbm4b:s4+s19], $0x80, s0, s19, $0xb8;
	[tilespmem:$0x1E600] =	vst v63  }
0x67: {  	_ =	swait.ge [sflag:s24], $0x80  }
0x68: {  	[sflag:s24] =	ssyncset.done $0x0  }
0x69: {  	[sflag:s24] =	ssyncadd.s32 $0xFFFFFF80  }
0x6a: {  	[spmem:s2] =	stream.indirect.scatter.add.f32 [tilespmem:s20], [sflag:$0x3], $0x80, s21, s19, $0xb8;
	[tilespmem:$0x1E600] =	vst v63  }
0x6b: {  	_ = 	snop  }
0x6c: {  	[tilespmem:s17], [sflag:$0x6] =	stream.linear.gather [hbm4b:s10+s3], $0x80, $0x38;
	[tilespmem:$0x1E600] =	vst v63  }
0x6d: {  	_ =	swait.ge [sflag:s25], $0x3E80  }
0x6e: {  	[sflag:s25] =	ssyncset.done $0x0  }
0x6f: {  	[sflag:s25] =	ssyncadd.s32 $0xFFFFC180  }
0x70: {  	_ =	swait.ge [sflag:s26], $0x3E80  }
0x71: {  	[sflag:s26] =	ssyncset.done $0x0  }
0x72: {  	[sflag:s26] =	ssyncadd.s32 $0xFFFFC180  }
0x73: {  	[tilespmem:s20], [sflag:$0x1] =	stream.indirect.gather [hbm4b:s4+s19], $0x80, s3, s19, $0xb8;
	[tilespmem:$0x1E600] =	vst v63  }
0x74: {  	_ =	swait.ge [sflag:s28], $0x80  }
0x75: {  	[sflag:s28] =	ssyncset.done $0x0  }
0x76: {  	[sflag:s28] =	ssyncadd.s32 $0xFFFFFF80  }
0x77: {  	[spmem:s2] =	stream.indirect.scatter.add.f32 [tilespmem:s18], [sflag:$0x4], $0x80, s17, s19, $0xb8;
	[tilespmem:$0x1E600] =	vst v63  }
0x78: {  	_ = 	snop  }
0x79: {  	[tilespmem:s21], [sflag:$0x5] =	stream.linear.gather [hbm4b:s9+s3], $0x80, $0x38;
	[tilespmem:$0x1E600] =	vst v63  }
0x7a: {  	_ =	swait.ge [sflag:s22], $0x3E80  }
0x7b: {  	[sflag:s22] =	ssyncset.done $0x0  }
0x7c: {  	[sflag:s22] =	ssyncadd.s32 $0xFFFFC180  }
0x7d: {  	_ =	swait.ge [sflag:s23], $0x3E80  }
0x7e: {  	[sflag:s23] =	ssyncset.done $0x0  }
0x7f: {  	[sflag:s23] =	ssyncadd.s32 $0xFFFFC180  }
0x80: {  	_ =	swait.ge [sflag:s24], $0x80  }
0x81: {  	s30 =	sadd.s32 $0x1, s30;
	[sflag:s24] =	ssyncset.done $0x0  }
0x82: {  	p0 =	sne.s32 s30, s12;
	[sflag:s24] =	ssyncadd.s32 $0xFFFFFF80  }
.Ltmp1:
0x83: {  	[bflag:$0x0] =	sbarrier.arrive $0xFFFF;
	(pc) =	sbr.rel @p0 .LBB2_1-.Ltmp1, $4  }
0x84: {  	[hbm:s11], [sflag:s7] =	dma.local [spmem:s15], $0x2800  }
0x85: {  	_ =	swait.ge [sflag:s16], $0x2800  }
0x86: {  	[sflag:s16] =	ssyncset.done $0x0  }
0x87: {  	[sflag:s16] =	ssyncadd.s32 $0xFFFFD800  }
0x88: {  	_ =	sfence.sel $0x180000  }
0x89: {  	[bflag:$0x0] =	sbarrier.arrive $0xFFFF  }
0x8a: {  	_ =	strace $0x9000004A  }
0x8b: {  	s0 =	stileid.u32;
	[bflag:$0x2] =	sbarrier.arrive $0xFFFF  }
0x8c: {  	p0 =	sne.s32 s0, $0x0;
	s0 =	rddreg [dreg:$0x3]  }
0x8d: {  	s0 =	sadd.s32 @!p0 $0x100000, s0  }
0x8e: {  	[sflag:s0] =	ssyncadd.tile.s32 @!p0 $0x1;
	_ =	shalt  }
.Lfunc_end2:
_tile_overlayer_lowered:
.L_overlay_start_2:
0x8f: {  	(tag) =	ssettag $0x2  }
0x90: {  	s0 =	rddreg [dreg:$0x0];
	s2 =	stileid.u32  }
0x91: {  	s1 =	rddreg [dreg:$0x1];
	p0 =	sne.s32 s2, $0x0  }
0x92: {  	s3 =	rddreg [dreg:$0x2];
	[bflag:$0x3] =	sbarrier.arrive $0xFFFF;
	s2 =	simm.s32 @!p0 $0x1C07  }
0x93: {  	[timem:s3], [sflag:s2] =	dma.local @!p0 [hbm:s0], s1  }
0x94: {  	s0 =	simm.s32 @!p0 $0x7  }
0x95: {  	_ =	swait.ge @!p0 [sflag:s0], s1  }
0x96: {  	s1 =	ssub.s32 @!p0 $0x0, s1;
	[sflag:s0] =	ssyncset.done @!p0 $0x0  }
0x97: {  	[sflag:s0] =	ssyncadd.s32 @!p0 s1  }
0x98: {  	[bflag:$0x3] =	sbarrier.arrive $0xFFFF  }
0x99: {  	_ =	shalt  }

// kernel: kernel.16.cloned.1.call-start
scs
__scs_entry_jumppad:
0x0: {  	(pc) =	sbr.rel $0x88, $3  }
0x1: {  	(tag) =	ssettag $0x0;
	lr =	simm.s32 $0x1  }
0x2: {  	[smem:$0x3F99] =	sst lr;
	_ =	strace $0xD0000000  }
0x3: {  	_ = 	snop  }
0x4: {  	_ = 	snop  }
0x5: {  	_ = 	snop  }
0x6: {  	_ = 	snop  }
0x7: {  	_ = 	snop  }
__scs_overlays_trampoline_lowered:
0x8: {  	[smem:$0x3FA8] =	sst s0  }
0x9: {  	[smem:$0x3FA9] =	sst s1  }
0xa: {  	[smem:$0x3FAA] =	sst s2  }
0xb: {  	[smem:$0x3FAB] =	sst s3  }
0xc: {  	[smem:$0x3FAC] =	sst s4  }
0xd: {  	[smem:$0x3FAD] =	sst s5  }
0xe: {  	[smem:$0x3FAE] =	sst s6  }
0xf: {  	[smem:$0x3FAF] =	sst s7  }
0x10: {  	[smem:$0x3FB0] =	sst s8  }
0x11: {  	[smem:$0x3FB1] =	sst s9;
	s0 =	simm.s32 @!p0 $0x0  }
0x12: {  	s1 =	sld [smem:$0x3F97];
	s0 =	simm.s32 @p0 $0x1  }
0x13: {  	[smem:$0x3FB2] =	sst s0;
	s0 =	simm.s32 @!p1 $0x0  }
0x14: {  	s2 =	sld [smem:$0x3F96];
	s0 =	simm.s32 @p1 $0x1  }
0x15: {  	[smem:$0x3FB3] =	sst s0;
	s0 =	simm.s32 @!p2 $0x0  }
0x16: {  	s3 =	sld [smem:$0x3FDB];
	s0 =	simm.s32 @p2 $0x1  }
0x17: {  	s4 =	simm.s32 $0x1BF5;
	[smem:$0x3FB5] =	sst s0  }
0x18: {  	s0 =	sld [smem:$0x3F98];
	_ =	swait.ge [sflag:s4], $0x0  }
0x19: {  	s7 =	sld [smem:$0x3F99]  }
0x1a: {  	s8 =	sadd.s32 $0xFFFFE003, lr  }
0x1b: {  	s9 =	sadd.s32 $0xFFFFFEF7, lr;
	s5 =	simm.s32 $0xFFFFFFFF;
	p2 =	slt.u32 s8, $0xFFFFF086  }
0x1c: {  	p1 =	slt.u32 s9, $0xF7A;
	s5 =	simm.s32 @!p2 $0x0  }
0x1d: {  	s5 =	simm.s32 @p1 $0x1;
	p0 =	seq.s32 s7, s2  }
0x1e: {  	s7 =	smul.u32 @!p0 $0xF7A, s2;
	p2 =	seq.s32 @!p0 s5, $0x0  }
0x1f: {  	s9 =	smul.u32 $0xF7A, s1;
	s8 =	simm.s32 @!p0 $0x1BF5;
	p2 =	por !p2, p0  }
0x20: {  	[sflag:s8] =	ssyncset.s32 @!p0 $0xFFFFF086;
	s6 =	sadd.s32 @!p0 s3, s7;
	s7 =	simm.s32 @!p0 $0x108  }
0x21: {  	s3 =	sadd.s32 s3, s9;
	s6 =	sadd.s32 @!p0 $0x88, s6;
	s7 =	simm.s32 @p2 $0x1082  }
0x22: {  	[simem:s7], [sflag:s8] =	dma.local @!p0 [hbm:s6], $0xF7A  }
0x23: {  	s9 =	sor.u32 $0xD0000000, s2;
	s6 =	simm.s32 $0x108;
	_ =	swait.ge @!p0 [sflag:s8], $0x0  }
0x24: {  	s3 =	sadd.s32 $0x88, s3;
	s6 =	simm.s32 @!p1 $0x1082;
	[sflag:s4] =	ssyncset.s32 $0xFFFFF086  }
0x25: {  	[simem:s6], [sflag:s4] =	dma.local [hbm:s3], $0xF7A  }
0x26: {  	[smem:$0x3F99] =	sst s1;
	(tag) =	ssettag s2;
	_ =	strace s9  }
0x27: {  	s1 =	sld [smem:$0x3FA9]  }
0x28: {  	s2 =	sld [smem:$0x3FAA]  }
0x29: {  	s4 =	sld [smem:$0x3FAC]  }
0x2a: {  	p0 =	seq.s32 s5, $0x0;
	s5 =	sld [smem:$0x3FAD]  }
0x2b: {  	s6 =	sld [smem:$0x3FAE]  }
0x2c: {  	s7 =	sld [smem:$0x3FAF]  }
0x2d: {  	s3 =	simm.s32 $0x108;
	s8 =	sld [smem:$0x3FB0]  }
0x2e: {  	s3 =	simm.s32 @!p0 $0x1082;
	s9 =	sld [smem:$0x3FB1]  }
0x2f: {  	lr =	sadd.s32 s0, s3;
	s0 =	sld [smem:$0x3FA8]  }
0x30: {  	s3 =	sld [smem:$0x3FAB]  }
0x31: {  	[smem:$0x3FB4] =	sst s10  }
0x32: {  	s10 =	sld [smem:$0x3FB2];
	_ =	sdelay $0x3  }
0x33: {  	p0 =	seq.s32 s10, $0x1;
	s10 =	sld [smem:$0x3FB4];
	_ =	sdelay $0x3  }
0x34: {  	[smem:$0x3FB4] =	sst s10  }
0x35: {  	s10 =	sld [smem:$0x3FB3];
	_ =	sdelay $0x3  }
0x36: {  	p1 =	seq.s32 s10, $0x1;
	s10 =	sld [smem:$0x3FB4];
	_ =	sdelay $0x3  }
0x37: {  	[smem:$0x3FB4] =	sst s10  }
0x38: {  	s10 =	sld [smem:$0x3FB5]  }
0x39: {  	_ = 	snop;
	(pc) =	sbr.ind lr, $3  }
0x3a: {  	_ = 	snop  }
0x3b: {  	_ = 	snop  }
0x3c: {  	p2 =	seq.s32 s10, $0x1;
	s10 =	sld [smem:$0x3FB4]  }
0x3d: {  	_ =	shalt  }
0x3e: {  	_ =	shalt  }
0x3f: {  	_ =	shalt  }
0x40: {  	_ =	shalt  }
0x41: {  	_ =	shalt  }
0x42: {  	_ =	shalt  }
0x43: {  	_ =	shalt  }
0x44: {  	_ =	shalt  }
0x45: {  	_ =	shalt  }
0x46: {  	_ =	shalt  }
0x47: {  	_ =	shalt  }
0x48: {  	_ =	shalt  }
0x49: {  	_ =	shalt  }
0x4a: {  	_ =	shalt  }
0x4b: {  	_ =	shalt  }
0x4c: {  	_ =	shalt  }
0x4d: {  	_ =	shalt  }
0x4e: {  	_ =	shalt  }
0x4f: {  	_ =	shalt  }
0x50: {  	_ =	shalt  }
0x51: {  	_ =	shalt  }
0x52: {  	_ =	shalt  }
0x53: {  	_ =	shalt  }
0x54: {  	_ =	shalt  }
0x55: {  	_ =	shalt  }
0x56: {  	_ =	shalt  }
0x57: {  	_ =	shalt  }
0x58: {  	_ =	shalt  }
0x59: {  	_ =	shalt  }
0x5a: {  	_ =	shalt  }
0x5b: {  	_ =	shalt  }
0x5c: {  	_ =	shalt  }
0x5d: {  	_ =	shalt  }
0x5e: {  	_ =	shalt  }
0x5f: {  	_ =	shalt  }
0x60: {  	_ =	shalt  }
0x61: {  	_ =	shalt  }
0x62: {  	_ =	shalt  }
0x63: {  	_ =	shalt  }
0x64: {  	_ =	shalt  }
0x65: {  	_ =	shalt  }
0x66: {  	_ =	shalt  }
0x67: {  	_ =	shalt  }
0x68: {  	_ =	shalt  }
0x69: {  	_ =	shalt  }
0x6a: {  	_ =	shalt  }
0x6b: {  	_ =	shalt  }
0x6c: {  	_ =	shalt  }
0x6d: {  	_ =	shalt  }
0x6e: {  	_ =	shalt  }
0x6f: {  	_ =	shalt  }
0x70: {  	_ =	shalt  }
0x71: {  	_ =	shalt  }
0x72: {  	_ =	shalt  }
0x73: {  	_ =	shalt  }
0x74: {  	_ =	shalt  }
0x75: {  	_ =	shalt  }
0x76: {  	_ =	shalt  }
0x77: {  	_ =	shalt  }
0x78: {  	_ =	shalt  }
0x79: {  	_ =	shalt  }
0x7a: {  	_ =	shalt  }
0x7b: {  	_ =	shalt  }
0x7c: {  	_ =	shalt  }
0x7d: {  	_ =	shalt  }
0x7e: {  	_ =	shalt  }
0x7f: {  	_ =	shalt  }
0x80: {  	_ =	shalt  }
0x81: {  	_ =	shalt  }
0x82: {  	_ =	shalt  }
0x83: {  	_ =	shalt  }
0x84: {  	_ =	shalt  }
0x85: {  	_ =	shalt  }
0x86: {  	_ =	shalt  }
0x87: {  	_ =	shalt  }
.Lfunc_end0:
.L_simem_size_0:
called_computation.2_lowered:
.L_overlay_start_0:
0x88: {  	s2 =	sld [smem:$0x3FD9]  }
0x89: {  	s3 =	sld [smem:$0x3FFE];
	_ =	sdelay $0x1  }
0x8a: {  	s1 =	srdreg.scid  }
0x8b: {  	s0 =	sand.u32 $0x1, s1  }
0x8c: {  	s17 =	sshll.u32 s0, $0xA;
	s2 =	sadd.s32 s3, s2  }
0x8d: {  	s2 =	sadd.s32 s2, s17  }
0x8e: {  	[smem:$0x3FC0] =	sst s2  }
0x8f: {  	_ = 	snop  }
0x90: {  	s2 =	sld [smem:$0x3FD0];
	(tm) =	ssettm $0x1  }
0x91: {  	s18 =	sld [smem:$0x3FFB];
	_ =	sdelay $0x3  }
0x92: {  	_ =	strace s18  }
0x93: {  	s3 =	sld [smem:$0x3FFC];
	_ =	sdelay $0x3  }
0x94: {  	_ =	strace s3  }
0x95: {  	s3 =	sld [smem:$0x3FFD];
	_ =	sdelay $0x3  }
0x96: {  	_ =	strace s3  }
0x97: {  	_ =	strace $0x8FFFFFFF  }
0x98: {  	s19 =	sld [smem:$0x3FDB];
	_ =	sdelay $0x1  }
0x99: {  	s4 =	simm.s32 $_scs_section_size  }
0x9a: {  	s5 =	simm.s32 $_size__tile_overlayer_lowered;
	s6 =	simm.s32 $_tile_overlayer_lowered  }
0x9b: {  	s22 =	simm.s32 $0x1BFF;
	s21 =	sshll.u32 s6, $0x1;
	s3 =	sadd.s32 s4, s19  }
0x9c: {  	s7 =	simm.s32 $0x0;
	s20 =	sshll.u32 s5, $0x1;
	s5 =	sadd.s32 s21, s3  }
0x9d: {  	[timem:s7], [sflag:s22] =	dma.local [hbm:s5], s20  }
0x9e: {  	_ =	swait.ge [sflag:s22], s20  }
0x9f: {  	s4 =	ssub.s32 $0x0, s20;
	[sflag:s22] =	ssyncset.done $0x0  }
0xa0: {  	[sflag:s22] =	ssyncadd.s32 s4;
	_ =	sdelay $0x1  }
0xa1: {  	s23 =	simm.s32 $0x1B8B  }
0xa2: {  	_ =	swait.ge [sflag:s23], $0x1  }
0xa3: {  	[sflag:s23] =	ssyncset.done $0x0  }
0xa4: {  	s25 =	simm.s32 $0x1B8E;
	s24 =	sld [smem:$0x3FFE];
	[sflag:s23] =	ssyncadd.s32 $0xFFFFFFFF  }
0xa5: {  	s26 =	simm.s32 $execute0_lowered;
	[smem:$0x3FD2] =	sst s25  }
0xa6: {  	s5 =	sshll.u32 s26, $0x1;
	_ =	strace $0x8000004C;
	[dreg:$0x1] =	wrdreg $0xFFFFFFFF  }
0xa7: {  	s28 =	simm.s32 $_size_execute0_lowered;
	s3 =	sadd.s32 s3, s5;
	[dreg:$0x0] =	wrdreg $0x0  }
0xa8: {  	s5 =	sshll.u32 s28, $0x1;
	[dreg:$0x2] =	wrdreg s3  }
0xa9: {  	[dreg:$0x3] =	wrdreg s5  }
0xaa: {  	[dreg:$0x4] =	wrdreg $0xC0  }
0xab: {  	_ =	task [dreg:s7], $0x5FFFF  }
0xac: {  	[dreg:$0x1] =	wrdreg $0xFFFFFFFF  }
0xad: {  	[dreg:$0x0] =	wrdreg $0x60  }
0xae: {  	[dreg:$0x2] =	wrdreg s24  }
0xaf: {  	[dreg:$0x3] =	wrdreg s2  }
0xb0: {  	[dreg:$0x4] =	wrdreg $0xA6000  }
0xb1: {  	[dreg:$0x5] =	wrdreg $0x9  }
0xb2: {  	_ =	task.clear_ibuf [dreg:s7], $0x6FFFF;
	_ =	strace $0x9000004C  }
0xb3: {  	s29 =	simm.s32 $0x9;
	_ =	strace $0x8000004E  }
0xb4: {  	_ =	swait.ge [sflag:s29], $0x1  }
0xb5: {  	[sflag:s29] =	ssyncadd.s32 $0xFFFFFFFF  }
0xb6: {  	_ =	strace $0x9000004E  }
0xb7: {  	_ =	sfence  }
0xb8: {  	s30 =	sld [smem:$0x0];
	_ =	sdelay $0x2  }
0xb9: {  	s31 =	sshll.u32 s1, $0xD;
	s1 =	sshrl.u32 s1, $0x2  }
0xba: {  	s3 =	sand.u32 $0x4000, s31;
	s1 =	sadd.s32 s1, s30  }
0xbb: {  	s0 =	sor.u32 s3, s0;
	s1 =	sshll.u32 s1, $0x11  }
0xbc: {  	s0 =	sor.u32 s1, s0  }
0xbd: {  	s0 =	sadd.s32 $0x8F2B, s0  }
0xbe: {  	[sflag:s0] =	ssyncadd.remote.s32 $0x1  }
0xbf: {  	_ =	sfence.sel $0xFFFF  }
0xc0: {  	[dreg:$0x0] =	wrdreg $0xFFFFFFFF;
	(pc) =	sbr.abs _section_cstart, $3  }
0xc1: {  	[dreg:$0x1] =	wrdreg $0xFFFFFFFF  }
0xc2: {  	_ =	task.clear_ibuf [dreg:s7], $0x2FFFF;
	_ =	strace $0x9FFFFFFF  }
0xc3: {  	(tm) =	ssettm $0x7FFFFFFF  }
tec
execute0_lowered:
.L_overlay_start_1:
0x0: {  	(tag) =	ssettag $0x1  }
0x1: {  	s0 =	rddreg [dreg:$0x0]  }
0x2: {  	s1 =	rddreg [dreg:$0x1]  }
0x3: {  	s2 =	rddreg [dreg:$0x2]  }
0x4: {  	s4 =	srdreg.scid;
	s11 =	stileid.u32;
	s3 =	simm.s32 $0x0  }
0x5: {  	s16 =	simm.s32 $0x7;
	s17 =	simm.s32 $0x2880;
	s18 =	simm.s32 $0x6780  }
0x6: {  	s19 =	simm.s32 $0x7D;
	s20 =	simm.s32 $0x2900;
	s21 =	simm.s32 $0x2800  }
0x7: {  	s22 =	simm.s32 $0x1;
	s28 =	simm.s32 $0x6;
	s30 =	simm.s32 $0x0  }
0x8: {  	s6 =	sand.u32 $0x1, s4;
	s7 =	smul.u32 $0x14000, s11;
	[smem:$0x7FF] =	sst s3  }
0x9: {  	s4 =	sadd.s32 $0xC400, s0;
	s14 =	sadd.s32 $0x2400, s0;
	s5 =	sadd.s32 $0x34400, s0  }
0xa: {  	s26 =	sshll.u32 s11, $0x6;
	s8 =	smul.u32 $0x140000, s6;
	_ =	strace $0x8000004D  }
0xb: {  	s9 =	sshll.u32 s6, $0x4;
	s10 =	ssub.s32 $0x2, s6;
	s24 =	smul.u32 $0x28000, s6  }
0xc: {  	s9 =	sor.u32 s11, s9;
	s23 =	sshrl.u32 s10, $0x1;
	s15 =	sadd.s32 s7, s2  }
0xd: {  	s25 =	sshrl.u32 s7, $0x3;
	s11 =	smul.u32 $0x2800, s11;
	s8 =	sadd.s32 s7, s8  }
0xe: {  	s9 =	smul.u32 $0x2800, s9;
	s12 =	ssub.s32 s10, s23;
	s6 =	sadd.s32 s5, s25  }
0xf: {  	s7 =	sor.u32 $0x1C07, s26;
	s15 =	sshrl.u32 s15, $0x3;
	s23 =	simm.s32 $0x4  }
0x10: {  	s25 =	simm.s32 $0x2;
	s26 =	simm.s32 $0x3;
	s8 =	sshrl.u32 s8, $0x3  }
0x11: {  	s29 =	sadd.s32 s11, s24;
	s12 =	smax.u32 s12, $0x1;
	s24 =	simm.s32 $0x5  }
0x12: {  	s0 =	sadd.s32 s8, s0;
	s9 =	sshrl.u32 s9, $0x3;
	s13 =	sor.u32 $0x100, s29  }
0x13: {  	s8 =	sadd.s32 s1, s9;
	s9 =	sadd.s32 s14, s9;
	s1 =	sor.u32 $0x80, s29  }
0x14: {  	s11 =	sadd.s32 $0x5C400, s0;
	s31 =	sshrl.u32 s13, $0x3;
	s1 =	sshrl.u32 s1, $0x3  }
0x15: {  	s10 =	sadd.s32 $0x4F0, s9;
	s13 =	sadd.s32 s31, s14;
	s14 =	sadd.s32 s1, s14  }
.LBB2_1:
0x16: {  	[spmem:s15], [sflag:s7] =	dma.local [hbm:s6], $0x2800  }
0x17: {  	_ =	swait.ge [sflag:s16], $0x2800  }
0x18: {  	[sflag:s16] =	ssyncset.done $0x0  }
0x19: {  	[sflag:s16] =	ssyncadd.s32 $0xFFFFD800  }
0x1a: {  	[tilespmem:s3], [sflag:$0x7] =	stream.linear.gather [hbm4b:s8+s3], $0x2800, $0x38;
	[tilespmem:$0x1E600] =	vst v63  }
0x1b: {  	_ =	swait.ge [sflag:s16], $0x2800  }
0x1c: {  	[sflag:s16] =	ssyncset.done $0x0  }
0x1d: {  	[sflag:s16] =	ssyncadd.s32 $0xFFFFD800  }
0x1e: {  	[tilespmem:s17], [sflag:$0x7] =	stream.linear.gather [hbm4b:s10+s3], $0x80, $0x38;
	[tilespmem:$0x1E600] =	vst v63  }
0x1f: {  	_ =	swait.ge [sflag:s16], $0x80  }
0x20: {  	[sflag:s16] =	ssyncset.done $0x0  }
0x21: {  	[sflag:s16] =	ssyncadd.s32 $0xFFFFFF80  }
0x22: {  	[tilespmem:s18], [sflag:$0x7] =	stream.linear.gather [hbm4b:s5+s3], $0x3E80, $0x38;
	[tilespmem:$0x1E600] =	vst v63  }
0x23: {  	_ =	swait.ge [sflag:s16], $0x3E80  }
0x24: {  	[sflag:s16] =	ssyncset.done $0x0  }
0x25: {  	[sflag:s16] =	ssyncadd.s32 $0xFFFFC180  }
0x26: {  	[bflag:$0x0] =	sbarrier.arrive $0xFFFF  }
0x27: {  	[tilespmem:s20], [sflag:$0x1] =	stream.indirect.gather [hbm4b:s4+s19], $0x80, s3, s19, $0xb8;
	[tilespmem:$0x1E600] =	vst v63  }
0x28: {  	_ = 	snop  }
0x29: {  	[spmem:s2] =	stream.indirect.scatter.add.f32 [tilespmem:s18], [sflag:$0x4], $0x80, s17, s19, $0xb8;
	[tilespmem:$0x1E600] =	vst v63  }
0x2a: {  	_ = 	snop  }
0x2b: {  	[tilespmem:s21], [sflag:$0x5] =	stream.linear.gather [hbm4b:s9+s3], $0x80, $0x38;
	[tilespmem:$0x1E600] =	vst v63  }
0x2c: {  	_ =	swait.ge [sflag:s22], $0x3E80  }
0x2d: {  	[sflag:s22] =	ssyncset.done $0x0  }
0x2e: {  	[sflag:s22] =	ssyncadd.s32 $0xFFFFC180  }
0x2f: {  	_ =	swait.ge [sflag:s23], $0x3E80  }
0x30: {  	[sflag:s23] =	ssyncset.done $0x0  }
0x31: {  	s0 =	simm.s32 $0x80;
	[sflag:s23] =	ssyncadd.s32 $0xFFFFC180  }
0x32: {  	[tilespmem:s18], [sflag:$0x2] =	stream.indirect.gather [hbm4b:s4+s19], $0x80, s0, s19, $0xb8;
	[tilespmem:$0x1E600] =	vst v63  }
0x33: {  	_ =	swait.ge [sflag:s24], $0x80  }
0x34: {  	[sflag:s24] =	ssyncset.done $0x0  }
0x35: {  	[sflag:s24] =	ssyncadd.s32 $0xFFFFFF80  }
0x36: {  	[spmem:s2] =	stream.indirect.scatter.add.f32 [tilespmem:s20], [sflag:$0x3], $0x80, s21, s19, $0xb8;
	[tilespmem:$0x1E600] =	vst v63  }
0x37: {  	s1 =	sadd.s32 $0x0, s14  }
0x38: {  	[tilespmem:s17], [sflag:$0x6] =	stream.linear.gather [hbm4b:s1+s3], $0x80, $0x38;
	[tilespmem:$0x1E600] =	vst v63  }
0x39: {  	_ =	swait.ge [sflag:s25], $0x3E80  }
0x3a: {  	[sflag:s25] =	ssyncset.done $0x0  }
0x3b: {  	[sflag:s25] =	ssyncadd.s32 $0xFFFFC180  }
0x3c: {  	_ =	swait.ge [sflag:s26], $0x3E80  }
0x3d: {  	[sflag:s26] =	ssyncset.done $0x0  }
0x3e: {  	s29 =	simm.s32 $0x100;
	[sflag:s26] =	ssyncadd.s32 $0xFFFFC180  }
0x3f: {  	[tilespmem:s20], [sflag:$0x1] =	stream.indirect.gather [hbm4b:s4+s19], $0x80, s29, s19, $0xb8;
	[tilespmem:$0x1E600] =	vst v63  }
0x40: {  	_ =	swait.ge [sflag:s28], $0x80  }
0x41: {  	s31 =	simm.s32 $0x20;
	[sflag:s28] =	ssyncset.done $0x0  }
0x42: {  	s0 =	simm.s32 $0x200;
	s1 =	sadd.s32 $0x0, s13;
	[sflag:s28] =	ssyncadd.s32 $0xFFFFFF80  }
0x43: {  	[spmem:s2] =	stream.indirect.scatter.add.f32 [tilespmem:s18], [sflag:$0x4], $0x80, s17, s19, $0xb8;
	[tilespmem:$0x1E600] =	vst v63  }
.LBB2_2:
0x44: {  	[tilespmem:s21], [sflag:$0x5] =	stream.linear.gather [hbm4b:s1+s3], $0x80, $0x38;
	[tilespmem:$0x1E600] =	vst v63  }
0x45: {  	s1 =	smov.u32 s31  }
0x46: {  	p0 =	sne.s32 s31, $0x4C0;
	s31 =	sadd.s32 $0x20, s31;
	_ =	swait.ge [sflag:s22], $0x3E80  }
0x47: {  	[sflag:s22] =	ssyncset.done $0x0  }
0x48: {  	[sflag:s22] =	ssyncadd.s32 $0xFFFFC180  }
0x49: {  	_ =	swait.ge [sflag:s23], $0x3E80  }
0x4a: {  	[sflag:s23] =	ssyncset.done $0x0  }
0x4b: {  	s29 =	sadd.s32 $0xFFFFFF80, s0;
	[sflag:s23] =	ssyncadd.s32 $0xFFFFC180  }
0x4c: {  	[tilespmem:s18], [sflag:$0x2] =	stream.indirect.gather [hbm4b:s4+s19], $0x80, s29, s19, $0xb8;
	[tilespmem:$0x1E600] =	vst v63  }
0x4d: {  	_ =	swait.ge [sflag:s24], $0x80  }
0x4e: {  	[sflag:s24] =	ssyncset.done $0x0  }
0x4f: {  	[sflag:s24] =	ssyncadd.s32 $0xFFFFFF80  }
0x50: {  	[spmem:s2] =	stream.indirect.scatter.add.f32 [tilespmem:s20], [sflag:$0x3], $0x80, s21, s19, $0xb8;
	[tilespmem:$0x1E600] =	vst v63  }
0x51: {  	s29 =	sadd.s32 s1, s14  }
0x52: {  	[tilespmem:s17], [sflag:$0x6] =	stream.linear.gather [hbm4b:s29+s3], $0x80, $0x38;
	[tilespmem:$0x1E600] =	vst v63  }
0x53: {  	_ =	swait.ge [sflag:s25], $0x3E80  }
0x54: {  	[sflag:s25] =	ssyncset.done $0x0  }
0x55: {  	[sflag:s25] =	ssyncadd.s32 $0xFFFFC180  }
0x56: {  	_ =	swait.ge [sflag:s26], $0x3E80  }
0x57: {  	[sflag:s26] =	ssyncset.done $0x0  }
0x58: {  	[sflag:s26] =	ssyncadd.s32 $0xFFFFC180  }
0x59: {  	[tilespmem:s20], [sflag:$0x1] =	stream.indirect.gather [hbm4b:s4+s19], $0x80, s0, s19, $0xb8;
	[tilespmem:$0x1E600] =	vst v63  }
.Ltmp0:
0x5a: {  	_ =	swait.ge [sflag:s28], $0x80;
	(pc) =	sbr.rel @p0 .LBB2_2-.Ltmp0, $4  }
0x5b: {  	[sflag:s28] =	ssyncset.done $0x0  }
0x5c: {  	[sflag:s28] =	ssyncadd.s32 $0xFFFFFF80  }
0x5d: {  	[spmem:s2] =	stream.indirect.scatter.add.f32 [tilespmem:s18], [sflag:$0x4], $0x80, s17, s19, $0xb8;
	[tilespmem:$0x1E600] =	vst v63  }
0x5e: {  	s1 =	sadd.s32 s1, s13;
	s0 =	sadd.s32 $0x100, s0  }
0x5f: {  	[tilespmem:s21], [sflag:$0x5] =	stream.linear.gather [hbm4b:s1+s3], $0x80, $0x38;
	[tilespmem:$0x1E600] =	vst v63  }
0x60: {  	_ =	swait.ge [sflag:s22], $0x3E80  }
0x61: {  	[sflag:s22] =	ssyncset.done $0x0  }
0x62: {  	[sflag:s22] =	ssyncadd.s32 $0xFFFFC180  }
0x63: {  	_ =	swait.ge [sflag:s23], $0x3E80  }
0x64: {  	[sflag:s23] =	ssyncset.done $0x0  }
0x65: {  	s0 =	simm.s32 $0x2780;
	[sflag:s23] =	ssyncadd.s32 $0xFFFFC180  }
0x66: {  	[tilespmem:s18], [sflag:$0x2] =	stream.indirect.gather [hbm4b:s4+s19], $0x80, s0, s19, $0xb8;
	[tilespmem:$0x1E600] =	vst v63  }
0x67: {  	_ =	swait.ge [sflag:s24], $0x80  }
0x68: {  	[sflag:s24] =	ssyncset.done $0x0  }
0x69: {  	[sflag:s24] =	ssyncadd.s32 $0xFFFFFF80  }
0x6a: {  	[spmem:s2] =	stream.indirect.scatter.add.f32 [tilespmem:s20], [sflag:$0x3], $0x80, s21, s19, $0xb8;
	[tilespmem:$0x1E600] =	vst v63  }
0x6b: {  	_ = 	snop  }
0x6c: {  	[tilespmem:s17], [sflag:$0x6] =	stream.linear.gather [hbm4b:s10+s3], $0x80, $0x38;
	[tilespmem:$0x1E600] =	vst v63  }
0x6d: {  	_ =	swait.ge [sflag:s25], $0x3E80  }
0x6e: {  	[sflag:s25] =	ssyncset.done $0x0  }
0x6f: {  	[sflag:s25] =	ssyncadd.s32 $0xFFFFC180  }
0x70: {  	_ =	swait.ge [sflag:s26], $0x3E80  }
0x71: {  	[sflag:s26] =	ssyncset.done $0x0  }
0x72: {  	[sflag:s26] =	ssyncadd.s32 $0xFFFFC180  }
0x73: {  	[tilespmem:s20], [sflag:$0x1] =	stream.indirect.gather [hbm4b:s4+s19], $0x80, s3, s19, $0xb8;
	[tilespmem:$0x1E600] =	vst v63  }
0x74: {  	_ =	swait.ge [sflag:s28], $0x80  }
0x75: {  	[sflag:s28] =	ssyncset.done $0x0  }
0x76: {  	[sflag:s28] =	ssyncadd.s32 $0xFFFFFF80  }
0x77: {  	[spmem:s2] =	stream.indirect.scatter.add.f32 [tilespmem:s18], [sflag:$0x4], $0x80, s17, s19, $0xb8;
	[tilespmem:$0x1E600] =	vst v63  }
0x78: {  	_ = 	snop  }
0x79: {  	[tilespmem:s21], [sflag:$0x5] =	stream.linear.gather [hbm4b:s9+s3], $0x80, $0x38;
	[tilespmem:$0x1E600] =	vst v63  }
0x7a: {  	_ =	swait.ge [sflag:s22], $0x3E80  }
0x7b: {  	[sflag:s22] =	ssyncset.done $0x0  }
0x7c: {  	[sflag:s22] =	ssyncadd.s32 $0xFFFFC180  }
0x7d: {  	_ =	swait.ge [sflag:s23], $0x3E80  }
0x7e: {  	[sflag:s23] =	ssyncset.done $0x0  }
0x7f: {  	[sflag:s23] =	ssyncadd.s32 $0xFFFFC180  }
0x80: {  	_ =	swait.ge [sflag:s24], $0x80  }
0x81: {  	s30 =	sadd.s32 $0x1, s30;
	[sflag:s24] =	ssyncset.done $0x0  }
0x82: {  	p0 =	sne.s32 s30, s12;
	[sflag:s24] =	ssyncadd.s32 $0xFFFFFF80  }
.Ltmp1:
0x83: {  	[bflag:$0x0] =	sbarrier.arrive $0xFFFF;
	(pc) =	sbr.rel @p0 .LBB2_1-.Ltmp1, $4  }
0x84: {  	[hbm:s11], [sflag:s7] =	dma.local [spmem:s15], $0x2800  }
0x85: {  	_ =	swait.ge [sflag:s16], $0x2800  }
0x86: {  	[sflag:s16] =	ssyncset.done $0x0  }
0x87: {  	[sflag:s16] =	ssyncadd.s32 $0xFFFFD800  }
0x88: {  	_ =	sfence.sel $0x180000  }
0x89: {  	[bflag:$0x0] =	sbarrier.arrive $0xFFFF  }
0x8a: {  	_ =	strace $0x9000004D  }
0x8b: {  	s0 =	stileid.u32;
	[bflag:$0x2] =	sbarrier.arrive $0xFFFF  }
0x8c: {  	p0 =	sne.s32 s0, $0x0;
	s0 =	rddreg [dreg:$0x3]  }
0x8d: {  	s0 =	sadd.s32 @!p0 $0x100000, s0  }
0x8e: {  	[sflag:s0] =	ssyncadd.tile.s32 @!p0 $0x1;
	_ =	shalt  }
.Lfunc_end2:
_tile_overlayer_lowered:
.L_overlay_start_2:
0x8f: {  	(tag) =	ssettag $0x2  }
0x90: {  	s0 =	rddreg [dreg:$0x0];
	s2 =	stileid.u32  }
0x91: {  	s1 =	rddreg [dreg:$0x1];
	p0 =	sne.s32 s2, $0x0  }
0x92: {  	s3 =	rddreg [dreg:$0x2];
	[bflag:$0x3] =	sbarrier.arrive $0xFFFF;
	s2 =	simm.s32 @!p0 $0x1C07  }
0x93: {  	[timem:s3], [sflag:s2] =	dma.local @!p0 [hbm:s0], s1  }
0x94: {  	s0 =	simm.s32 @!p0 $0x7  }
0x95: {  	_ =	swait.ge @!p0 [sflag:s0], s1  }
0x96: {  	s1 =	ssub.s32 @!p0 $0x0, s1;
	[sflag:s0] =	ssyncset.done @!p0 $0x0  }
0x97: {  	[sflag:s0] =	ssyncadd.s32 @!p0 s1  }
0x98: {  	[bflag:$0x3] =	sbarrier.arrive $0xFFFF  }
0x99: {  	_ =	shalt  }

// kernel: kernel.19.cloned.1.call-start
scs
__scs_entry_jumppad:
0x0: {  	(pc) =	sbr.rel $0x88, $3  }
0x1: {  	(tag) =	ssettag $0x0;
	lr =	simm.s32 $0x1  }
0x2: {  	[smem:$0x3F99] =	sst lr;
	_ =	strace $0xD0000000  }
0x3: {  	_ = 	snop  }
0x4: {  	_ = 	snop  }
0x5: {  	_ = 	snop  }
0x6: {  	_ = 	snop  }
0x7: {  	_ = 	snop  }
__scs_overlays_trampoline_lowered:
0x8: {  	[smem:$0x3FA8] =	sst s0  }
0x9: {  	[smem:$0x3FA9] =	sst s1  }
0xa: {  	[smem:$0x3FAA] =	sst s2  }
0xb: {  	[smem:$0x3FAB] =	sst s3  }
0xc: {  	[smem:$0x3FAC] =	sst s4  }
0xd: {  	[smem:$0x3FAD] =	sst s5  }
0xe: {  	[smem:$0x3FAE] =	sst s6  }
0xf: {  	[smem:$0x3FAF] =	sst s7  }
0x10: {  	[smem:$0x3FB0] =	sst s8  }
0x11: {  	[smem:$0x3FB1] =	sst s9;
	s0 =	simm.s32 @!p0 $0x0  }
0x12: {  	s1 =	sld [smem:$0x3F97];
	s0 =	simm.s32 @p0 $0x1  }
0x13: {  	[smem:$0x3FB2] =	sst s0;
	s0 =	simm.s32 @!p1 $0x0  }
0x14: {  	s2 =	sld [smem:$0x3F96];
	s0 =	simm.s32 @p1 $0x1  }
0x15: {  	[smem:$0x3FB3] =	sst s0;
	s0 =	simm.s32 @!p2 $0x0  }
0x16: {  	s3 =	sld [smem:$0x3FDB];
	s0 =	simm.s32 @p2 $0x1  }
0x17: {  	s4 =	simm.s32 $0x1BF5;
	[smem:$0x3FB5] =	sst s0  }
0x18: {  	s0 =	sld [smem:$0x3F98];
	_ =	swait.ge [sflag:s4], $0x0  }
0x19: {  	s7 =	sld [smem:$0x3F99]  }
0x1a: {  	s8 =	sadd.s32 $0xFFFFE003, lr  }
0x1b: {  	s9 =	sadd.s32 $0xFFFFFEF7, lr;
	s5 =	simm.s32 $0xFFFFFFFF;
	p2 =	slt.u32 s8, $0xFFFFF086  }
0x1c: {  	p1 =	slt.u32 s9, $0xF7A;
	s5 =	simm.s32 @!p2 $0x0  }
0x1d: {  	s5 =	simm.s32 @p1 $0x1;
	p0 =	seq.s32 s7, s2  }
0x1e: {  	s7 =	smul.u32 @!p0 $0xF7A, s2;
	p2 =	seq.s32 @!p0 s5, $0x0  }
0x1f: {  	s9 =	smul.u32 $0xF7A, s1;
	s8 =	simm.s32 @!p0 $0x1BF5;
	p2 =	por !p2, p0  }
0x20: {  	[sflag:s8] =	ssyncset.s32 @!p0 $0xFFFFF086;
	s6 =	sadd.s32 @!p0 s3, s7;
	s7 =	simm.s32 @!p0 $0x108  }
0x21: {  	s3 =	sadd.s32 s3, s9;
	s6 =	sadd.s32 @!p0 $0x88, s6;
	s7 =	simm.s32 @p2 $0x1082  }
0x22: {  	[simem:s7], [sflag:s8] =	dma.local @!p0 [hbm:s6], $0xF7A  }
0x23: {  	s9 =	sor.u32 $0xD0000000, s2;
	s6 =	simm.s32 $0x108;
	_ =	swait.ge @!p0 [sflag:s8], $0x0  }
0x24: {  	s3 =	sadd.s32 $0x88, s3;
	s6 =	simm.s32 @!p1 $0x1082;
	[sflag:s4] =	ssyncset.s32 $0xFFFFF086  }
0x25: {  	[simem:s6], [sflag:s4] =	dma.local [hbm:s3], $0xF7A  }
0x26: {  	[smem:$0x3F99] =	sst s1;
	(tag) =	ssettag s2;
	_ =	strace s9  }
0x27: {  	s1 =	sld [smem:$0x3FA9]  }
0x28: {  	s2 =	sld [smem:$0x3FAA]  }
0x29: {  	s4 =	sld [smem:$0x3FAC]  }
0x2a: {  	p0 =	seq.s32 s5, $0x0;
	s5 =	sld [smem:$0x3FAD]  }
0x2b: {  	s6 =	sld [smem:$0x3FAE]  }
0x2c: {  	s7 =	sld [smem:$0x3FAF]  }
0x2d: {  	s3 =	simm.s32 $0x108;
	s8 =	sld [smem:$0x3FB0]  }
0x2e: {  	s3 =	simm.s32 @!p0 $0x1082;
	s9 =	sld [smem:$0x3FB1]  }
0x2f: {  	lr =	sadd.s32 s0, s3;
	s0 =	sld [smem:$0x3FA8]  }
0x30: {  	s3 =	sld [smem:$0x3FAB]  }
0x31: {  	[smem:$0x3FB4] =	sst s10  }
0x32: {  	s10 =	sld [smem:$0x3FB2];
	_ =	sdelay $0x3  }
0x33: {  	p0 =	seq.s32 s10, $0x1;
	s10 =	sld [smem:$0x3FB4];
	_ =	sdelay $0x3  }
0x34: {  	[smem:$0x3FB4] =	sst s10  }
0x35: {  	s10 =	sld [smem:$0x3FB3];
	_ =	sdelay $0x3  }
0x36: {  	p1 =	seq.s32 s10, $0x1;
	s10 =	sld [smem:$0x3FB4];
	_ =	sdelay $0x3  }
0x37: {  	[smem:$0x3FB4] =	sst s10  }
0x38: {  	s10 =	sld [smem:$0x3FB5]  }
0x39: {  	_ = 	snop;
	(pc) =	sbr.ind lr, $3  }
0x3a: {  	_ = 	snop  }
0x3b: {  	_ = 	snop  }
0x3c: {  	p2 =	seq.s32 s10, $0x1;
	s10 =	sld [smem:$0x3FB4]  }
0x3d: {  	_ =	shalt  }
0x3e: {  	_ =	shalt  }
0x3f: {  	_ =	shalt  }
0x40: {  	_ =	shalt  }
0x41: {  	_ =	shalt  }
0x42: {  	_ =	shalt  }
0x43: {  	_ =	shalt  }
0x44: {  	_ =	shalt  }
0x45: {  	_ =	shalt  }
0x46: {  	_ =	shalt  }
0x47: {  	_ =	shalt  }
0x48: {  	_ =	shalt  }
0x49: {  	_ =	shalt  }
0x4a: {  	_ =	shalt  }
0x4b: {  	_ =	shalt  }
0x4c: {  	_ =	shalt  }
0x4d: {  	_ =	shalt  }
0x4e: {  	_ =	shalt  }
0x4f: {  	_ =	shalt  }
0x50: {  	_ =	shalt  }
0x51: {  	_ =	shalt  }
0x52: {  	_ =	shalt  }
0x53: {  	_ =	shalt  }
0x54: {  	_ =	shalt  }
0x55: {  	_ =	shalt  }
0x56: {  	_ =	shalt  }
0x57: {  	_ =	shalt  }
0x58: {  	_ =	shalt  }
0x59: {  	_ =	shalt  }
0x5a: {  	_ =	shalt  }
0x5b: {  	_ =	shalt  }
0x5c: {  	_ =	shalt  }
0x5d: {  	_ =	shalt  }
0x5e: {  	_ =	shalt  }
0x5f: {  	_ =	shalt  }
0x60: {  	_ =	shalt  }
0x61: {  	_ =	shalt  }
0x62: {  	_ =	shalt  }
0x63: {  	_ =	shalt  }
0x64: {  	_ =	shalt  }
0x65: {  	_ =	shalt  }
0x66: {  	_ =	shalt  }
0x67: {  	_ =	shalt  }
0x68: {  	_ =	shalt  }
0x69: {  	_ =	shalt  }
0x6a: {  	_ =	shalt  }
0x6b: {  	_ =	shalt  }
0x6c: {  	_ =	shalt  }
0x6d: {  	_ =	shalt  }
0x6e: {  	_ =	shalt  }
0x6f: {  	_ =	shalt  }
0x70: {  	_ =	shalt  }
0x71: {  	_ =	shalt  }
0x72: {  	_ =	shalt  }
0x73: {  	_ =	shalt  }
0x74: {  	_ =	shalt  }
0x75: {  	_ =	shalt  }
0x76: {  	_ =	shalt  }
0x77: {  	_ =	shalt  }
0x78: {  	_ =	shalt  }
0x79: {  	_ =	shalt  }
0x7a: {  	_ =	shalt  }
0x7b: {  	_ =	shalt  }
0x7c: {  	_ =	shalt  }
0x7d: {  	_ =	shalt  }
0x7e: {  	_ =	shalt  }
0x7f: {  	_ =	shalt  }
0x80: {  	_ =	shalt  }
0x81: {  	_ =	shalt  }
0x82: {  	_ =	shalt  }
0x83: {  	_ =	shalt  }
0x84: {  	_ =	shalt  }
0x85: {  	_ =	shalt  }
0x86: {  	_ =	shalt  }
0x87: {  	_ =	shalt  }
.Lfunc_end0:
.L_simem_size_0:
called_computation.3_lowered:
.L_overlay_start_0:
0x88: {  	s2 =	sld [smem:$0x3FD9]  }
0x89: {  	s3 =	sld [smem:$0x3FFE];
	_ =	sdelay $0x1  }
0x8a: {  	s1 =	srdreg.scid  }
0x8b: {  	s0 =	sand.u32 $0x1, s1  }
0x8c: {  	s17 =	sshll.u32 s0, $0xA;
	s2 =	sadd.s32 s3, s2  }
0x8d: {  	s2 =	sadd.s32 s2, s17  }
0x8e: {  	[smem:$0x3FC0] =	sst s2  }
0x8f: {  	_ = 	snop  }
0x90: {  	s2 =	sld [smem:$0x3FD0];
	(tm) =	ssettm $0x1  }
0x91: {  	s18 =	sld [smem:$0x3FFB];
	_ =	sdelay $0x3  }
0x92: {  	_ =	strace s18  }
0x93: {  	s3 =	sld [smem:$0x3FFC];
	_ =	sdelay $0x3  }
0x94: {  	_ =	strace s3  }
0x95: {  	s3 =	sld [smem:$0x3FFD];
	_ =	sdelay $0x3  }
0x96: {  	_ =	strace s3  }
0x97: {  	_ =	strace $0x8FFFFFFF  }
0x98: {  	s19 =	sld [smem:$0x3FDB];
	_ =	sdelay $0x1  }
0x99: {  	s4 =	simm.s32 $_scs_section_size  }
0x9a: {  	s5 =	simm.s32 $_size__tile_overlayer_lowered;
	s6 =	simm.s32 $_tile_overlayer_lowered  }
0x9b: {  	s22 =	simm.s32 $0x1BFF;
	s21 =	sshll.u32 s6, $0x1;
	s3 =	sadd.s32 s4, s19  }
0x9c: {  	s7 =	simm.s32 $0x0;
	s20 =	sshll.u32 s5, $0x1;
	s5 =	sadd.s32 s21, s3  }
0x9d: {  	[timem:s7], [sflag:s22] =	dma.local [hbm:s5], s20  }
0x9e: {  	_ =	swait.ge [sflag:s22], s20  }
0x9f: {  	s4 =	ssub.s32 $0x0, s20;
	[sflag:s22] =	ssyncset.done $0x0  }
0xa0: {  	[sflag:s22] =	ssyncadd.s32 s4;
	_ =	sdelay $0x1  }
0xa1: {  	s23 =	simm.s32 $0x1B8B  }
0xa2: {  	_ =	swait.ge [sflag:s23], $0x1  }
0xa3: {  	[sflag:s23] =	ssyncset.done $0x0  }
0xa4: {  	s25 =	simm.s32 $0x1B8E;
	s24 =	sld [smem:$0x3FFE];
	[sflag:s23] =	ssyncadd.s32 $0xFFFFFFFF  }
0xa5: {  	s26 =	simm.s32 $execute0_lowered;
	[smem:$0x3FD2] =	sst s25  }
0xa6: {  	s5 =	sshll.u32 s26, $0x1;
	_ =	strace $0x8000004F;
	[dreg:$0x1] =	wrdreg $0xFFFFFFFF  }
0xa7: {  	s28 =	simm.s32 $_size_execute0_lowered;
	s3 =	sadd.s32 s3, s5;
	[dreg:$0x0] =	wrdreg $0x0  }
0xa8: {  	s5 =	sshll.u32 s28, $0x1;
	[dreg:$0x2] =	wrdreg s3  }
0xa9: {  	[dreg:$0x3] =	wrdreg s5  }
0xaa: {  	[dreg:$0x4] =	wrdreg $0xC0  }
0xab: {  	_ =	task [dreg:s7], $0x5FFFF  }
0xac: {  	[dreg:$0x1] =	wrdreg $0xFFFFFFFF  }
0xad: {  	[dreg:$0x0] =	wrdreg $0x60  }
0xae: {  	[dreg:$0x2] =	wrdreg s24  }
0xaf: {  	[dreg:$0x3] =	wrdreg s2  }
0xb0: {  	[dreg:$0x4] =	wrdreg $0x57E00  }
0xb1: {  	[dreg:$0x5] =	wrdreg $0x9  }
0xb2: {  	_ =	task.clear_ibuf [dreg:s7], $0x6FFFF;
	_ =	strace $0x9000004F  }
0xb3: {  	s29 =	simm.s32 $0x9;
	_ =	strace $0x80000051  }
0xb4: {  	_ =	swait.ge [sflag:s29], $0x1  }
0xb5: {  	[sflag:s29] =	ssyncadd.s32 $0xFFFFFFFF  }
0xb6: {  	_ =	strace $0x90000051  }
0xb7: {  	_ =	sfence  }
0xb8: {  	s30 =	sld [smem:$0x0];
	_ =	sdelay $0x2  }
0xb9: {  	s31 =	sshll.u32 s1, $0xD;
	s1 =	sshrl.u32 s1, $0x2  }
0xba: {  	s3 =	sand.u32 $0x4000, s31;
	s1 =	sadd.s32 s1, s30  }
0xbb: {  	s0 =	sor.u32 s3, s0;
	s1 =	sshll.u32 s1, $0x11  }
0xbc: {  	s0 =	sor.u32 s1, s0  }
0xbd: {  	s0 =	sadd.s32 $0x8F2B, s0  }
0xbe: {  	[sflag:s0] =	ssyncadd.remote.s32 $0x1  }
0xbf: {  	_ =	sfence.sel $0xFFFF  }
0xc0: {  	[dreg:$0x0] =	wrdreg $0xFFFFFFFF;
	(pc) =	sbr.abs _section_cstart, $3  }
0xc1: {  	[dreg:$0x1] =	wrdreg $0xFFFFFFFF  }
0xc2: {  	_ =	task.clear_ibuf [dreg:s7], $0x2FFFF;
	_ =	strace $0x9FFFFFFF  }
0xc3: {  	(tm) =	ssettm $0x7FFFFFFF  }
tec
execute0_lowered:
.L_overlay_start_1:
0x0: {  	(tag) =	ssettag $0x1  }
0x1: {  	s0 =	rddreg [dreg:$0x0]  }
0x2: {  	s1 =	rddreg [dreg:$0x1]  }
0x3: {  	s2 =	rddreg [dreg:$0x2]  }
0x4: {  	s4 =	srdreg.scid;
	s11 =	stileid.u32;
	s3 =	simm.s32 $0x0  }
0x5: {  	s16 =	simm.s32 $0x7;
	s17 =	simm.s32 $0x2880;
	s18 =	simm.s32 $0x4070  }
0x6: {  	s19 =	simm.s32 $0x7D;
	s20 =	simm.s32 $0x2900;
	s21 =	simm.s32 $0x2800  }
0x7: {  	s22 =	simm.s32 $0x1;
	s28 =	simm.s32 $0x6;
	s30 =	simm.s32 $0x0  }
0x8: {  	s6 =	sand.u32 $0x1, s4;
	s7 =	smul.u32 $0x7800, s11;
	[smem:$0x7FF] =	sst s3  }
0x9: {  	s4 =	sadd.s32 $0xC400, s0;
	s14 =	sadd.s32 $0x2400, s0;
	s5 =	sadd.s32 $0x1B400, s0  }
0xa: {  	s26 =	sshll.u32 s11, $0x6;
	s8 =	smul.u32 $0x78000, s6;
	_ =	strace $0x80000050  }
0xb: {  	s9 =	sshll.u32 s6, $0x4;
	s10 =	ssub.s32 $0x2, s6;
	s24 =	smul.u32 $0x28000, s6  }
0xc: {  	s9 =	sor.u32 s11, s9;
	s23 =	sshrl.u32 s10, $0x1;
	s15 =	sadd.s32 s7, s2  }
0xd: {  	s25 =	sshrl.u32 s7, $0x3;
	s11 =	smul.u32 $0x2800, s11;
	s8 =	sadd.s32 s7, s8  }
0xe: {  	s9 =	smul.u32 $0x2800, s9;
	s12 =	ssub.s32 s10, s23;
	s6 =	sadd.s32 s5, s25  }
0xf: {  	s7 =	sor.u32 $0x1C07, s26;
	s15 =	sshrl.u32 s15, $0x3;
	s23 =	simm.s32 $0x4  }
0x10: {  	s25 =	simm.s32 $0x2;
	s26 =	simm.s32 $0x3;
	s8 =	sshrl.u32 s8, $0x3  }
0x11: {  	s29 =	sadd.s32 s11, s24;
	s12 =	smax.u32 s12, $0x1;
	s24 =	simm.s32 $0x5  }
0x12: {  	s0 =	sadd.s32 s8, s0;
	s9 =	sshrl.u32 s9, $0x3;
	s13 =	sor.u32 $0x100, s29  }
0x13: {  	s8 =	sadd.s32 s1, s9;
	s9 =	sadd.s32 s14, s9;
	s1 =	sor.u32 $0x80, s29  }
0x14: {  	s11 =	sadd.s32 $0x2A400, s0;
	s31 =	sshrl.u32 s13, $0x3;
	s1 =	sshrl.u32 s1, $0x3  }
0x15: {  	s10 =	sadd.s32 $0x4F0, s9;
	s13 =	sadd.s32 s31, s14;
	s14 =	sadd.s32 s1, s14  }
.LBB2_1:
0x16: {  	[spmem:s15], [sflag:s7] =	dma.local [hbm:s6], $0xF00  }
0x17: {  	_ =	swait.ge [sflag:s16], $0xF00  }
0x18: {  	[sflag:s16] =	ssyncset.done $0x0  }
0x19: {  	[sflag:s16] =	ssyncadd.s32 $0xFFFFF100  }
0x1a: {  	[tilespmem:s3], [sflag:$0x7] =	stream.linear.gather [hbm4b:s8+s3], $0x2800, $0x38;
	[tilespmem:$0xCFE0] =	vst v63  }
0x1b: {  	_ =	swait.ge [sflag:s16], $0x2800  }
0x1c: {  	[sflag:s16] =	ssyncset.done $0x0  }
0x1d: {  	[sflag:s16] =	ssyncadd.s32 $0xFFFFD800  }
0x1e: {  	[tilespmem:s17], [sflag:$0x7] =	stream.linear.gather [hbm4b:s10+s3], $0x80, $0x38;
	[tilespmem:$0xCFE0] =	vst v63  }
0x1f: {  	_ =	swait.ge [sflag:s16], $0x80  }
0x20: {  	[sflag:s16] =	ssyncset.done $0x0  }
0x21: {  	[sflag:s16] =	ssyncadd.s32 $0xFFFFFF80  }
0x22: {  	[tilespmem:s18], [sflag:$0x7] =	stream.linear.gather [hbm4b:s5+s3], $0x1770, $0x38;
	[tilespmem:$0xCFE0] =	vst v63  }
0x23: {  	_ =	swait.ge [sflag:s16], $0x1770  }
0x24: {  	[sflag:s16] =	ssyncset.done $0x0  }
0x25: {  	[sflag:s16] =	ssyncadd.s32 $0xFFFFE890  }
0x26: {  	[bflag:$0x0] =	sbarrier.arrive $0xFFFF  }
0x27: {  	[tilespmem:s20], [sflag:$0x1] =	stream.indirect.gather [hbm4b:s4+s19], $0x30, s3, s19, $0xb8;
	[tilespmem:$0xCFE0] =	vst v63  }
0x28: {  	_ = 	snop  }
0x29: {  	[spmem:s2] =	stream.indirect.scatter.add.f32 [tilespmem:s18], [sflag:$0x4], $0x30, s17, s19, $0xb8;
	[tilespmem:$0xCFE0] =	vst v63  }
0x2a: {  	_ = 	snop  }
0x2b: {  	[tilespmem:s21], [sflag:$0x5] =	stream.linear.gather [hbm4b:s9+s3], $0x80, $0x38;
	[tilespmem:$0xCFE0] =	vst v63  }
0x2c: {  	_ =	swait.ge [sflag:s22], $0x1770  }
0x2d: {  	[sflag:s22] =	ssyncset.done $0x0  }
0x2e: {  	[sflag:s22] =	ssyncadd.s32 $0xFFFFE890  }
0x2f: {  	_ =	swait.ge [sflag:s23], $0x1770  }
0x30: {  	[sflag:s23] =	ssyncset.done $0x0  }
0x31: {  	s0 =	simm.s32 $0x80;
	[sflag:s23] =	ssyncadd.s32 $0xFFFFE890  }
0x32: {  	[tilespmem:s18], [sflag:$0x2] =	stream.indirect.gather [hbm4b:s4+s19], $0x30, s0, s19, $0xb8;
	[tilespmem:$0xCFE0] =	vst v63  }
0x33: {  	_ =	swait.ge [sflag:s24], $0x80  }
0x34: {  	[sflag:s24] =	ssyncset.done $0x0  }
0x35: {  	[sflag:s24] =	ssyncadd.s32 $0xFFFFFF80  }
0x36: {  	[spmem:s2] =	stream.indirect.scatter.add.f32 [tilespmem:s20], [sflag:$0x3], $0x30, s21, s19, $0xb8;
	[tilespmem:$0xCFE0] =	vst v63  }
0x37: {  	s1 =	sadd.s32 $0x0, s14  }
0x38: {  	[tilespmem:s17], [sflag:$0x6] =	stream.linear.gather [hbm4b:s1+s3], $0x80, $0x38;
	[tilespmem:$0xCFE0] =	vst v63  }
0x39: {  	_ =	swait.ge [sflag:s25], $0x1770  }
0x3a: {  	[sflag:s25] =	ssyncset.done $0x0  }
0x3b: {  	[sflag:s25] =	ssyncadd.s32 $0xFFFFE890  }
0x3c: {  	_ =	swait.ge [sflag:s26], $0x1770  }
0x3d: {  	[sflag:s26] =	ssyncset.done $0x0  }
0x3e: {  	s29 =	simm.s32 $0x100;
	[sflag:s26] =	ssyncadd.s32 $0xFFFFE890  }
0x3f: {  	[tilespmem:s20], [sflag:$0x1] =	stream.indirect.gather [hbm4b:s4+s19], $0x30, s29, s19, $0xb8;
	[tilespmem:$0xCFE0] =	vst v63  }
0x40: {  	_ =	swait.ge [sflag:s28], $0x80  }
0x41: {  	s31 =	simm.s32 $0x20;
	[sflag:s28] =	ssyncset.done $0x0  }
0x42: {  	s0 =	simm.s32 $0x200;
	s1 =	sadd.s32 $0x0, s13;
	[sflag:s28] =	ssyncadd.s32 $0xFFFFFF80  }
0x43: {  	[spmem:s2] =	stream.indirect.scatter.add.f32 [tilespmem:s18], [sflag:$0x4], $0x30, s17, s19, $0xb8;
	[tilespmem:$0xCFE0] =	vst v63  }
.LBB2_2:
0x44: {  	[tilespmem:s21], [sflag:$0x5] =	stream.linear.gather [hbm4b:s1+s3], $0x80, $0x38;
	[tilespmem:$0xCFE0] =	vst v63  }
0x45: {  	s1 =	smov.u32 s31  }
0x46: {  	p0 =	sne.s32 s31, $0x4C0;
	s31 =	sadd.s32 $0x20, s31;
	_ =	swait.ge [sflag:s22], $0x1770  }
0x47: {  	[sflag:s22] =	ssyncset.done $0x0  }
0x48: {  	[sflag:s22] =	ssyncadd.s32 $0xFFFFE890  }
0x49: {  	_ =	swait.ge [sflag:s23], $0x1770  }
0x4a: {  	[sflag:s23] =	ssyncset.done $0x0  }
0x4b: {  	s29 =	sadd.s32 $0xFFFFFF80, s0;
	[sflag:s23] =	ssyncadd.s32 $0xFFFFE890  }
0x4c: {  	[tilespmem:s18], [sflag:$0x2] =	stream.indirect.gather [hbm4b:s4+s19], $0x30, s29, s19, $0xb8;
	[tilespmem:$0xCFE0] =	vst v63  }
0x4d: {  	_ =	swait.ge [sflag:s24], $0x80  }
0x4e: {  	[sflag:s24] =	ssyncset.done $0x0  }
0x4f: {  	[sflag:s24] =	ssyncadd.s32 $0xFFFFFF80  }
0x50: {  	[spmem:s2] =	stream.indirect.scatter.add.f32 [tilespmem:s20], [sflag:$0x3], $0x30, s21, s19, $0xb8;
	[tilespmem:$0xCFE0] =	vst v63  }
0x51: {  	s29 =	sadd.s32 s1, s14  }
0x52: {  	[tilespmem:s17], [sflag:$0x6] =	stream.linear.gather [hbm4b:s29+s3], $0x80, $0x38;
	[tilespmem:$0xCFE0] =	vst v63  }
0x53: {  	_ =	swait.ge [sflag:s25], $0x1770  }
0x54: {  	[sflag:s25] =	ssyncset.done $0x0  }
0x55: {  	[sflag:s25] =	ssyncadd.s32 $0xFFFFE890  }
0x56: {  	_ =	swait.ge [sflag:s26], $0x1770  }
0x57: {  	[sflag:s26] =	ssyncset.done $0x0  }
0x58: {  	[sflag:s26] =	ssyncadd.s32 $0xFFFFE890  }
0x59: {  	[tilespmem:s20], [sflag:$0x1] =	stream.indirect.gather [hbm4b:s4+s19], $0x30, s0, s19, $0xb8;
	[tilespmem:$0xCFE0] =	vst v63  }
.Ltmp0:
0x5a: {  	_ =	swait.ge [sflag:s28], $0x80;
	(pc) =	sbr.rel @p0 .LBB2_2-.Ltmp0, $4  }
0x5b: {  	[sflag:s28] =	ssyncset.done $0x0  }
0x5c: {  	[sflag:s28] =	ssyncadd.s32 $0xFFFFFF80  }
0x5d: {  	[spmem:s2] =	stream.indirect.scatter.add.f32 [tilespmem:s18], [sflag:$0x4], $0x30, s17, s19, $0xb8;
	[tilespmem:$0xCFE0] =	vst v63  }
0x5e: {  	s1 =	sadd.s32 s1, s13;
	s0 =	sadd.s32 $0x100, s0  }
0x5f: {  	[tilespmem:s21], [sflag:$0x5] =	stream.linear.gather [hbm4b:s1+s3], $0x80, $0x38;
	[tilespmem:$0xCFE0] =	vst v63  }
0x60: {  	_ =	swait.ge [sflag:s22], $0x1770  }
0x61: {  	[sflag:s22] =	ssyncset.done $0x0  }
0x62: {  	[sflag:s22] =	ssyncadd.s32 $0xFFFFE890  }
0x63: {  	_ =	swait.ge [sflag:s23], $0x1770  }
0x64: {  	[sflag:s23] =	ssyncset.done $0x0  }
0x65: {  	s0 =	simm.s32 $0x2780;
	[sflag:s23] =	ssyncadd.s32 $0xFFFFE890  }
0x66: {  	[tilespmem:s18], [sflag:$0x2] =	stream.indirect.gather [hbm4b:s4+s19], $0x30, s0, s19, $0xb8;
	[tilespmem:$0xCFE0] =	vst v63  }
0x67: {  	_ =	swait.ge [sflag:s24], $0x80  }
0x68: {  	[sflag:s24] =	ssyncset.done $0x0  }
0x69: {  	[sflag:s24] =	ssyncadd.s32 $0xFFFFFF80  }
0x6a: {  	[spmem:s2] =	stream.indirect.scatter.add.f32 [tilespmem:s20], [sflag:$0x3], $0x30, s21, s19, $0xb8;
	[tilespmem:$0xCFE0] =	vst v63  }
0x6b: {  	_ = 	snop  }
0x6c: {  	[tilespmem:s17], [sflag:$0x6] =	stream.linear.gather [hbm4b:s10+s3], $0x80, $0x38;
	[tilespmem:$0xCFE0] =	vst v63  }
0x6d: {  	_ =	swait.ge [sflag:s25], $0x1770  }
0x6e: {  	[sflag:s25] =	ssyncset.done $0x0  }
0x6f: {  	[sflag:s25] =	ssyncadd.s32 $0xFFFFE890  }
0x70: {  	_ =	swait.ge [sflag:s26], $0x1770  }
0x71: {  	[sflag:s26] =	ssyncset.done $0x0  }
0x72: {  	[sflag:s26] =	ssyncadd.s32 $0xFFFFE890  }
0x73: {  	[tilespmem:s20], [sflag:$0x1] =	stream.indirect.gather [hbm4b:s4+s19], $0x30, s3, s19, $0xb8;
	[tilespmem:$0xCFE0] =	vst v63  }
0x74: {  	_ =	swait.ge [sflag:s28], $0x80  }
0x75: {  	[sflag:s28] =	ssyncset.done $0x0  }
0x76: {  	[sflag:s28] =	ssyncadd.s32 $0xFFFFFF80  }
0x77: {  	[spmem:s2] =	stream.indirect.scatter.add.f32 [tilespmem:s18], [sflag:$0x4], $0x30, s17, s19, $0xb8;
	[tilespmem:$0xCFE0] =	vst v63  }
0x78: {  	_ = 	snop  }
0x79: {  	[tilespmem:s21], [sflag:$0x5] =	stream.linear.gather [hbm4b:s9+s3], $0x80, $0x38;
	[tilespmem:$0xCFE0] =	vst v63  }
0x7a: {  	_ =	swait.ge [sflag:s22], $0x1770  }
0x7b: {  	[sflag:s22] =	ssyncset.done $0x0  }
0x7c: {  	[sflag:s22] =	ssyncadd.s32 $0xFFFFE890  }
0x7d: {  	_ =	swait.ge [sflag:s23], $0x1770  }
0x7e: {  	[sflag:s23] =	ssyncset.done $0x0  }
0x7f: {  	[sflag:s23] =	ssyncadd.s32 $0xFFFFE890  }
0x80: {  	_ =	swait.ge [sflag:s24], $0x80  }
0x81: {  	s30 =	sadd.s32 $0x1, s30;
	[sflag:s24] =	ssyncset.done $0x0  }
0x82: {  	p0 =	sne.s32 s30, s12;
	[sflag:s24] =	ssyncadd.s32 $0xFFFFFF80  }
.Ltmp1:
0x83: {  	[bflag:$0x0] =	sbarrier.arrive $0xFFFF;
	(pc) =	sbr.rel @p0 .LBB2_1-.Ltmp1, $4  }
0x84: {  	[hbm:s11], [sflag:s7] =	dma.local [spmem:s15], $0xF00  }
0x85: {  	_ =	swait.ge [sflag:s16], $0xF00  }
0x86: {  	[sflag:s16] =	ssyncset.done $0x0  }
0x87: {  	[sflag:s16] =	ssyncadd.s32 $0xFFFFF100  }
0x88: {  	_ =	sfence.sel $0x180000  }
0x89: {  	[bflag:$0x0] =	sbarrier.arrive $0xFFFF  }
0x8a: {  	_ =	strace $0x90000050  }
0x8b: {  	s0 =	stileid.u32;
	[bflag:$0x2] =	sbarrier.arrive $0xFFFF  }
0x8c: {  	p0 =	sne.s32 s0, $0x0;
	s0 =	rddreg [dreg:$0x3]  }
0x8d: {  	s0 =	sadd.s32 @!p0 $0x100000, s0  }
0x8e: {  	[sflag:s0] =	ssyncadd.tile.s32 @!p0 $0x1;
	_ =	shalt  }
.Lfunc_end2:
_tile_overlayer_lowered:
.L_overlay_start_2:
0x8f: {  	(tag) =	ssettag $0x2  }
0x90: {  	s0 =	rddreg [dreg:$0x0];
	s2 =	stileid.u32  }
0x91: {  	s1 =	rddreg [dreg:$0x1];
	p0 =	sne.s32 s2, $0x0  }
0x92: {  	s3 =	rddreg [dreg:$0x2];
	[bflag:$0x3] =	sbarrier.arrive $0xFFFF;
	s2 =	simm.s32 @!p0 $0x1C07  }
0x93: {  	[timem:s3], [sflag:s2] =	dma.local @!p0 [hbm:s0], s1  }
0x94: {  	s0 =	simm.s32 @!p0 $0x7  }
0x95: {  	_ =	swait.ge @!p0 [sflag:s0], s1  }
0x96: {  	s1 =	ssub.s32 @!p0 $0x0, s1;
	[sflag:s0] =	ssyncset.done @!p0 $0x0  }
0x97: {  	[sflag:s0] =	ssyncadd.s32 @!p0 s1  }
0x98: {  	[bflag:$0x3] =	sbarrier.arrive $0xFFFF  }
0x99: {  	_ =	shalt  }

</sc_bundles>
